<compile_context>
chip_gen: v7x
topology: tpu7x:2x2x1
jax: 0.10.2.dev20260603
libtpu: 0.0.44.dev20260713+nightly
codegen_flags: <defaults>
</compile_context>

<pallas_src>
import functools

import jax
import jax.numpy as jnp
from jax import lax
from jax.experimental import pallas as pl
from jax.experimental.pallas import tpu as pltpu
from jax.experimental.pallas import tpu_sc as plsc



def _fs_body(M, xr_ref, cf_ref, wf_ref, rt5_ref, fs_ref):
    DM = xr_ref.shape[1]
    R = rt5_ref.shape[1]
    xr = xr_ref[...]
    cf = cf_ref[0:1, :]
    wf = wf_ref[0:1, :]
    g = -((xr - cf) ** 2) / (2.0 * wf * wf) + 1e-9

    mm = lax.broadcasted_iota(jnp.int32, (DM, R), 0) % M
    ohf = (rt5_ref[...] == mm).astype(jnp.float32)

    y = jnp.floor(jnp.maximum(g, -120.0) * 262144.0 + 0.5)
    hi = jnp.floor(y * (1.0 / 8192.0))
    lo = y - hi * 8192.0
    s_hi = lax.dot_general(hi, ohf, (((1,), (0,)), ((), ())),
                           preferred_element_type=jnp.float32)
    s_lo = lax.dot_general(lo, ohf, (((1,), (0,)), ((), ())),
                           preferred_element_type=jnp.float32)
    s = s_hi * (1.0 / 32.0) + s_lo * (1.0 / 262144.0)
    fs_ref[...] = jnp.exp(s)


def _firing_strengths(x, centers, widths, rules):
    B, D = x.shape
    M = centers.shape[1]
    R = rules.shape[0]
    DM = D * M
    BB = 256
    xr = jnp.repeat(x, M, axis=1)
    cf = jnp.broadcast_to(centers.reshape(1, DM), (8, DM))
    wf = jnp.broadcast_to(widths.reshape(1, DM), (8, DM))
    rt5 = jnp.repeat(rules.T, M, axis=0)
    return pl.pallas_call(
        functools.partial(_fs_body, M),
        grid=(B // BB,),
        in_specs=[
            pl.BlockSpec((BB, DM), lambda i: (i, 0)),
            pl.BlockSpec((8, DM), lambda i: (0, 0)),
            pl.BlockSpec((8, DM), lambda i: (0, 0)),
            pl.BlockSpec((DM, R), lambda i: (0, 0)),
        ],
        out_specs=pl.BlockSpec((BB, R), lambda i: (i, 0)),
        out_shape=jax.ShapeDtypeStruct((B, R), jnp.float32),
    )(xr, cf, wf, rt5)



def _sc_topk_mask(fs, K):
    B, R = fs.shape
    info = plsc.get_sparse_core_info()
    NC, NS, L = info.num_cores, info.num_subcores, info.num_lanes
    NW = NC * NS
    rows_per_w = B // NW
    CH = min(16, rows_per_w)
    NSL = R // L

    mesh = plsc.VectorSubcoreMesh(core_axis_name="c", subcore_axis_name="s")

    @functools.partial(
        pl.kernel,
        out_type=(
            jax.ShapeDtypeStruct((B, R), jnp.float32),
            jax.ShapeDtypeStruct((B, R), jnp.float32),
        ),
        mesh=mesh,
        scratch_types=[
            pltpu.VMEM((CH, R), jnp.float32),
            pltpu.VMEM((CH, R), jnp.float32),
            pltpu.VMEM((L,), jnp.int32),
            pltpu.VMEM((L,), jnp.int32),
        ],
    )
    def k(fs_hbm, fir_hbm, msk_hbm, buf, mbuf, aref, bref):
        wid = lax.axis_index("s") * NC + lax.axis_index("c")
        base = wid * rows_per_w
        io = lax.iota(jnp.int32, L)
        one = jnp.full((L,), 1, jnp.int32)
        zero = jnp.zeros((L,), jnp.int32)

        def _splat_min(v):
            for sh in (8, 4, 2, 1):
                v = jnp.minimum(v, v.at[(io + sh) & (L - 1)].get(
                    mode="promise_in_bounds"))
            return v

        def _splat_max(v):
            for sh in (8, 4, 2, 1):
                v = jnp.maximum(v, v.at[(io + sh) & (L - 1)].get(
                    mode="promise_in_bounds"))
            return v

        def _splat_sum(v):
            for sh in (8, 4, 2, 1):
                v = v + v.at[(io + sh) & (L - 1)].get(
                    mode="promise_in_bounds")
            return v

        def row_body(r, _):
            def mm_body(j, c):
                mn, mx = c
                b = lax.bitcast_convert_type(
                    buf[r, pl.ds(j * L, L)], jnp.int32)
                return jnp.minimum(mn, b), jnp.maximum(mx, b)
            mnv, mxv = lax.fori_loop(
                0, NSL, mm_body,
                (jnp.full((L,), 0x7F7FFFFF, jnp.int32), zero))
            lo0 = _splat_min(mnv)[0]
            hi0 = _splat_max(mxv)[0]

            def bs_body(i, c):
                lo, hi = c
                mid = lo + ((hi - lo + 1) >> 1)
                aref[...] = zero

                def cbody(j, _):
                    b = lax.bitcast_convert_type(
                        buf[r, pl.ds(j * L, L)], jnp.int32)
                    aref[...] = aref[...] + jnp.where(b >= mid, one, zero)
                    return 0
                lax.fori_loop(0, jnp.where(lo < hi, NSL, 0), cbody, 0)
                cnt = _splat_sum(aref[...])[0]
                ge = cnt >= K
                new_lo = jnp.where(jnp.logical_and(lo < hi, ge), mid, lo)
                new_hi = jnp.where(jnp.logical_and(lo < hi, jnp.logical_not(ge)),
                                   mid - 1, hi)
                return (new_lo, new_hi)

            t, _ = lax.fori_loop(0, 31, bs_body, (lo0, hi0))

            tie = lo0 == hi0
            n_slow = jnp.where(tie, 0, NSL)
            n_fast = jnp.where(tie, NSL, 0)

            aref[...] = zero

            def cg_body(j, _):
                b = lax.bitcast_convert_type(
                    buf[r, pl.ds(j * L, L)], jnp.int32)
                aref[...] = aref[...] + jnp.where(b > t, one, zero)
                return 0
            lax.fori_loop(0, n_slow, cg_body, 0)
            navail = K - _splat_sum(aref[...])[0]

            bref[...] = zero

            def mk_body(j, _):
                v = buf[r, pl.ds(j * L, L)]
                b = lax.bitcast_convert_type(v, jnp.int32)
                eqi = jnp.where(b == t, one, zero)
                cs = eqi
                for sh in (1, 2, 4, 8):
                    g = cs.at[(io - sh) & (L - 1)].get(
                        mode="promise_in_bounds")
                    cs = cs + jnp.where(io >= sh, g, zero)
                pre = cs - eqi + bref[...]
                mf = jnp.where(
                    b > t,
                    jnp.full((L,), 1.0, jnp.float32),
                    jnp.where(
                        jnp.logical_and(b == t, pre < navail),
                        jnp.full((L,), 1.0, jnp.float32),
                        jnp.zeros((L,), jnp.float32)))
                mbuf[r, pl.ds(j * L, L)] = mf
                buf[r, pl.ds(j * L, L)] = v * mf
                bref[...] = bref[...] + _splat_sum(eqi)
                return 0

            lax.fori_loop(0, n_slow, mk_body, 0)

            KF = K // L
            REM = K % L
            ZS = KF + (1 if REM else 0)
            onesf = jnp.full((L,), 1.0, jnp.float32)
            zerof = jnp.zeros((L,), jnp.float32)

            def f1_body(j, _):
                mbuf[r, pl.ds(j * L, L)] = onesf
                return 0
            lax.fori_loop(0, jnp.where(tie, KF, 0), f1_body, 0)

            if REM:
                def fb_body(j, _):
                    v = buf[r, pl.ds(KF * L, L)]
                    mf = jnp.where(io < REM, onesf, zerof)
                    mbuf[r, pl.ds(KF * L, L)] = mf
                    buf[r, pl.ds(KF * L, L)] = v * mf
                    return 0
                lax.fori_loop(0, jnp.where(tie, 1, 0), fb_body, 0)

            def f3_body(j, _):
                mbuf[r, pl.ds(j * L, L)] = zerof
                buf[r, pl.ds(j * L, L)] = zerof
                return 0
            lax.fori_loop(ZS, jnp.where(tie, NSL, ZS), f3_body, 0)
            return 0

        for ci in range(rows_per_w // CH):
            row0 = base + ci * CH
            pltpu.sync_copy(fs_hbm.at[pl.ds(row0, CH)], buf)
            lax.fori_loop(0, CH, row_body, 0)
            pltpu.sync_copy(mbuf, msk_hbm.at[pl.ds(row0, CH)])
            pltpu.sync_copy(buf, fir_hbm.at[pl.ds(row0, CH)])

    return k(fs)



def _combine_body(C, fir_ref, xe_ref, cons_ref, out_ref, nrm_ref):
    fir = fir_ref[...]
    denom = jnp.sum(fir, axis=1, keepdims=True) + 1e-9
    nrm = fir / denom
    nrm_ref[...] = nrm
    cons2 = cons_ref[...]
    nj = cons2.shape[1] // C
    csum = cons2[:, 0:C]
    for j in range(1, nj):
        csum = csum + cons2[:, j * C:(j + 1) * C]
    w = lax.dot_general(nrm, csum, (((1,), (0,)), ((), ())),
                        preferred_element_type=jnp.float32)
    sx = jnp.sum(xe_ref[...], axis=1, keepdims=True)
    out_ref[...] = sx * w


def _combine(fir, x, consequents):
    B, R = fir.shape
    D = x.shape[1]
    C = consequents.shape[2]
    xe = jnp.concatenate([x, jnp.ones((B, 1), x.dtype)], axis=1)
    cons = consequents.reshape(R, (D + 1) * C)
    return pl.pallas_call(
        functools.partial(_combine_body, C),
        in_specs=[
            pl.BlockSpec((B, R), lambda: (0, 0)),
            pl.BlockSpec((B, D + 1), lambda: (0, 0)),
            pl.BlockSpec((R, (D + 1) * C), lambda: (0, 0)),
        ],
        out_specs=[
            pl.BlockSpec((B, C), lambda: (0, 0)),
            pl.BlockSpec((B, R), lambda: (0, 0)),
        ],
        out_shape=[
            jax.ShapeDtypeStruct((B, C), jnp.float32),
            jax.ShapeDtypeStruct((B, R), jnp.float32),
        ],
    )(fir, xe, cons)


def kernel(x, centers, widths, consequents, rules):
    R = rules.shape[0]
    K = max(1, int(0.2 * R))
    fs = _firing_strengths(x, centers, widths, rules)
    firing, mask = _sc_topk_mask(fs, K)
    rule_outputs, normalized = _combine(firing, x, consequents)
    return (rule_outputs, normalized, mask)

# --- scband reference (transcript-rebuilt; emitter-appended) ---
"""Pipeline reference for scband-no-hybrid-anfis-88622355186391 (READ-ONLY COPY).

The authoritative reference and input builder live on the scoring server;
editing this copy changes nothing except your own understanding.
"""

import jax, jax.numpy as jnp
import numpy as np

B = 1024
D = 32
M = 5
R = 2048
C = 32
TOPK_R = 0.2


def setup_inputs(seed: int = 0) -> dict:
    key = jax.random.key(seed)
    k1, k2, k3 = jax.random.split(key, 3)
    x = jax.random.normal(k1, (B, D), dtype=jnp.float32)
    # nn.Parameter(torch.ones(...)) for centers/widths
    centers = jnp.ones((D, M), dtype=jnp.float32)
    widths = jnp.ones((D, M), dtype=jnp.float32)
    # nn.Parameter(torch.rand(num_rules, input_dim + 1, num_classes)) since zeroG=False
    consequents = jax.random.uniform(k2, (R, D + 1, C), dtype=jnp.float32)
    # torch.randint(0, M, (max_rules, input_dim)) since M**D > max_rules
    rules = jax.random.randint(k3, (R, D), 0, M, dtype=jnp.int32)
    return {"x": x, "centers": centers, "widths": widths, "consequents": consequents, "rules": rules}


def reference(x, centers, widths, consequents, rules):
    b = x.shape[0]
    # fuzzification: mfs [B, D, M]
    x_exp = x[:, :, None]
    mfs = jnp.exp(-((x_exp - centers[None, :, :]) ** 2) / (2.0 * widths[None, :, :] ** 2) + 1e-09)
    # gather rule membership values: index [B, D, R]
    idx_g = jnp.broadcast_to(jnp.transpose(rules)[None, :, :], (b, D, R))
    rule_mfs = jnp.take_along_axis(mfs, idx_g, axis=2)
    # firing strengths [B, R]
    firing_strengths = jnp.prod(rule_mfs, axis=1)
    # top-k masking
    K = max(1, int(TOPK_R * R))
    vals, idx = jax.lax.top_k(firing_strengths, K)
    mask = jnp.zeros_like(firing_strengths).at[jnp.arange(b)[:, None], idx].set(1.0)
    firing = firing_strengths * mask
    normalized = firing / (jnp.sum(firing, axis=1, keepdims=True) + 1e-09)
    # consequent layer (zeroG=False branch)
    x_ext = jnp.concatenate([x, jnp.ones((b, 1), dtype=x.dtype)], axis=1)
    rule_out_mfs = jnp.einsum('bi,rjc->brc', x_ext, consequents)
    rule_outputs = jnp.einsum('br,brc->bc', normalized, rule_out_mfs)
    return (rule_outputs, normalized, mask)

if __name__ == "__main__":
    import jax
    _d = setup_inputs()
    print(jax.jit(kernel)(*tuple(_d.values())))

</pallas_src>

<mosaic_0001>
#map = affine_map<(d0, d1) -> (0, 0)>
module attributes {stable_mosaic.version = 14 : i64} {
  func.func @k(%arg0: i32, %arg1: i32, %arg2: memref<1024x2048xf32, #tpu.memory_space<hbm>>, %arg3: memref<1024x2048xf32, #tpu.memory_space<hbm>>, %arg4: memref<1024x2048xf32, #tpu.memory_space<hbm>>, %arg5: memref<16x2048xf32, #tpu.memory_space<vmem>>, %arg6: memref<16x2048xf32, #tpu.memory_space<vmem>>, %arg7: memref<16xi32, #tpu.memory_space<vmem>>, %arg8: memref<16xi32, #tpu.memory_space<vmem>>) attributes {dimension_semantics = [#tpu.dimension_semantics<core_parallel>, #tpu.dimension_semantics<subcore_parallel>], iteration_bounds = array<i64: 2, 16>, scalar_prefetch = 0 : i64, scratch_operands = 4 : i64, tpu.core_type = #tpu.core_type<sc_vector_subcore>, window_params = [{transform_indices = #map}, {transform_indices = #map}, {transform_indices = #map}]} {
    %mul3A = arith.constant 2 : i32
    %mul3A_0 = arith.muli %arg1, %mul3A : i32
    %add3A = arith.addi %mul3A_0, %arg0 : i32
    %mul3A_1 = arith.constant 32 : i32
    %mul3A_2 = arith.muli %add3A, %mul3A_1 : i32
    %iota3A = tpu.iota {dimensions = array<i32: 0>} : vector<16xi32>
    %broadcast_in_dim3A = arith.constant 1 : i32
    %broadcast_in_dim3A_3 = vector.broadcast %broadcast_in_dim3A : i32 to vector<16xi32>
    %broadcast_in_dim3A_4 = arith.constant 0 : i32
    %broadcast_in_dim3A_5 = vector.broadcast %broadcast_in_dim3A_4 : i32 to vector<16xi32>
    %add3A_6 = arith.constant 0 : i32
    %add3A_7 = arith.addi %mul3A_2, %add3A_6 : i32
    "tpu.region"() ({
      %run_scoped3A = tpu.sem_alloc : memref<!tpu.dma_semaphore, #tpu.memory_space<semaphore_mem>>
      %dma_start3A = arith.constant 0 : i32
      %dma_start3A_23 = tpu.memref_slice %arg2[%add3A_7, %dma_start3A] : memref<1024x2048xf32, #tpu.memory_space<hbm>> -> memref<16x2048xf32, #tpu.memory_space<hbm>>
      %dma_start3A_24 = arith.constant 0 : i32
      %dma_start3A_25 = tpu.memref_slice %arg2[%add3A_7, %dma_start3A_24] : memref<1024x2048xf32, #tpu.memory_space<hbm>> -> memref<16x2048xf32, #tpu.memory_space<hbm>>
      tpu.enqueue_dma source(%dma_start3A_25 : memref<16x2048xf32, #tpu.memory_space<hbm>>) target(%arg5 : memref<16x2048xf32, #tpu.memory_space<vmem>>) target_semaphore(%run_scoped3A : memref<!tpu.dma_semaphore, #tpu.memory_space<semaphore_mem>>)
      %dma_wait3A = arith.constant 0 : i32
      %dma_wait3A_26 = tpu.memref_slice %arg2[%add3A_7, %dma_wait3A] : memref<1024x2048xf32, #tpu.memory_space<hbm>> -> memref<16x2048xf32, #tpu.memory_space<hbm>>
      %dma_wait3A_27 = arith.constant 0 : i32
      %dma_wait3A_28 = tpu.memref_slice %arg2[%add3A_7, %dma_wait3A_27] : memref<1024x2048xf32, #tpu.memory_space<hbm>> -> memref<16x2048xf32, #tpu.memory_space<hbm>>
      tpu.wait_dma2 semaphore(%run_scoped3A : memref<!tpu.dma_semaphore, #tpu.memory_space<semaphore_mem>>) src(%dma_wait3A_28 : memref<16x2048xf32, #tpu.memory_space<hbm>>) dst(%arg5 : memref<16x2048xf32, #tpu.memory_space<vmem>>)
      tpu.yield
    }) : () -> ()
    %scan3A = arith.constant 0 : i32
    %scan3A_8 = arith.constant 0 : i32
    %scan3A_9 = arith.constant 16 : i32
    %scan3A_10 = arith.addi %scan3A_8, %scan3A_9 : i32
    %scan3A_11 = arith.constant 1 : i32
    %scan3A_12 = scf.for %scan3A_23 = %scan3A_8 to %scan3A_10 step %scan3A_11 iter_args(%scan3A_24 = %scan3A) -> (i32)  : i32 {
      %broadcast_in_dim3A_25 = arith.constant 2139095039 : i32
      %broadcast_in_dim3A_26 = vector.broadcast %broadcast_in_dim3A_25 : i32 to vector<16xi32>
      %scan3A_27 = arith.constant 0 : i32
      %scan3A_28 = arith.constant 128 : i32
      %scan3A_29 = arith.addi %scan3A_27, %scan3A_28 : i32
      %scan3A_30 = arith.constant 1 : i32
      %scan3A_31:2 = scf.for %scan3A_329 = %scan3A_27 to %scan3A_29 step %scan3A_30 iter_args(%scan3A_330 = %broadcast_in_dim3A_26, %scan3A_331 = %broadcast_in_dim3A_5) -> (vector<16xi32>, vector<16xi32>)  : i32 {
        %mul3A_332 = arith.constant 16 : i32
        %mul3A_333 = arith.muli %scan3A_329, %mul3A_332 : i32
        %get3A_334 = arith.index_cast %scan3A_23 : i32 to index
        %get3A_335 = arith.index_cast %mul3A_333 : i32 to index
        %get3A_336 = tpu.vector_load %arg5[%get3A_334, %get3A_335] {strides = array<i32>} : memref<16x2048xf32, #tpu.memory_space<vmem>>, vector<1x16xf32>,
        %get3A_337 = vector.shape_cast %get3A_336 : vector<1x16xf32> to vector<16xf32>
        %bitcast_convert_type3A = tpu.bitcast %get3A_337 : vector<16xf32> -> vector<16xi32>
        %min3A_338 = arith.minsi %scan3A_330, %bitcast_convert_type3A : vector<16xi32>
        %max3A_339 = arith.maxsi %scan3A_331, %bitcast_convert_type3A : vector<16xi32>
        scf.yield %min3A_338, %max3A_339 : vector<16xi32>, vector<16xi32>
      }
      %scan3A_32 = arith.constant 128 : i32
      %add3A_33 = arith.constant 8 : i32
      %add3A_34 = vector.broadcast %add3A_33 : i32 to vector<16xi32>
      %add3A_35 = arith.addi %iota3A, %add3A_34 : vector<16xi32>
      %and3A = arith.constant 15 : i32
      %and3A_36 = vector.broadcast %and3A : i32 to vector<16xi32>
      %and3A_37 = arith.andi %add3A_35, %and3A_36 : vector<16xi32>
      %lt3A = arith.constant 0 : i32
      %lt3A_38 = vector.broadcast %lt3A : i32 to vector<16xi32>
      %lt3A_39 = arith.cmpi slt, %and3A_37, %lt3A_38 : vector<16xi32>
      %add3A_40 = arith.constant 16 : i32
      %add3A_41 = vector.broadcast %add3A_40 : i32 to vector<16xi32>
      %add3A_42 = arith.addi %and3A_37, %add3A_41 : vector<16xi32>
      %select_n3A = arith.select %lt3A_39, %add3A_42, %and3A_37 : vector<16xi1>, vector<16xi32>
      %broadcast_in_dim3A_43 = vector.shape_cast %select_n3A : vector<16xi32> to vector<16x1xi32>
      %gather3A = vector.shape_cast %broadcast_in_dim3A_43 : vector<16x1xi32> to vector<16xi32>
      %gather3A_44 = tpu.dynamic_gather %scan3A_31#0[%gather3A] in [0] : vector<16xi32>, vector<16xi32> -> vector<16xi32>
      %min3A = arith.minsi %scan3A_31#0, %gather3A_44 : vector<16xi32>
      %add3A_45 = arith.constant 4 : i32
      %add3A_46 = vector.broadcast %add3A_45 : i32 to vector<16xi32>
      %add3A_47 = arith.addi %iota3A, %add3A_46 : vector<16xi32>
      %and3A_48 = arith.constant 15 : i32
      %and3A_49 = vector.broadcast %and3A_48 : i32 to vector<16xi32>
      %and3A_50 = arith.andi %add3A_47, %and3A_49 : vector<16xi32>
      %lt3A_51 = arith.constant 0 : i32
      %lt3A_52 = vector.broadcast %lt3A_51 : i32 to vector<16xi32>
      %lt3A_53 = arith.cmpi slt, %and3A_50, %lt3A_52 : vector<16xi32>
      %add3A_54 = arith.constant 16 : i32
      %add3A_55 = vector.broadcast %add3A_54 : i32 to vector<16xi32>
      %add3A_56 = arith.addi %and3A_50, %add3A_55 : vector<16xi32>
      %select_n3A_57 = arith.select %lt3A_53, %add3A_56, %and3A_50 : vector<16xi1>, vector<16xi32>
      %broadcast_in_dim3A_58 = vector.shape_cast %select_n3A_57 : vector<16xi32> to vector<16x1xi32>
      %gather3A_59 = vector.shape_cast %broadcast_in_dim3A_58 : vector<16x1xi32> to vector<16xi32>
      %gather3A_60 = tpu.dynamic_gather %min3A[%gather3A_59] in [0] : vector<16xi32>, vector<16xi32> -> vector<16xi32>
      %min3A_61 = arith.minsi %min3A, %gather3A_60 : vector<16xi32>
      %add3A_62 = arith.constant 2 : i32
      %add3A_63 = vector.broadcast %add3A_62 : i32 to vector<16xi32>
      %add3A_64 = arith.addi %iota3A, %add3A_63 : vector<16xi32>
      %and3A_65 = arith.constant 15 : i32
      %and3A_66 = vector.broadcast %and3A_65 : i32 to vector<16xi32>
      %and3A_67 = arith.andi %add3A_64, %and3A_66 : vector<16xi32>
      %lt3A_68 = arith.constant 0 : i32
      %lt3A_69 = vector.broadcast %lt3A_68 : i32 to vector<16xi32>
      %lt3A_70 = arith.cmpi slt, %and3A_67, %lt3A_69 : vector<16xi32>
      %add3A_71 = arith.constant 16 : i32
      %add3A_72 = vector.broadcast %add3A_71 : i32 to vector<16xi32>
      %add3A_73 = arith.addi %and3A_67, %add3A_72 : vector<16xi32>
      %select_n3A_74 = arith.select %lt3A_70, %add3A_73, %and3A_67 : vector<16xi1>, vector<16xi32>
      %broadcast_in_dim3A_75 = vector.shape_cast %select_n3A_74 : vector<16xi32> to vector<16x1xi32>
      %gather3A_76 = vector.shape_cast %broadcast_in_dim3A_75 : vector<16x1xi32> to vector<16xi32>
      %gather3A_77 = tpu.dynamic_gather %min3A_61[%gather3A_76] in [0] : vector<16xi32>, vector<16xi32> -> vector<16xi32>
      %min3A_78 = arith.minsi %min3A_61, %gather3A_77 : vector<16xi32>
      %add3A_79 = arith.constant 1 : i32
      %add3A_80 = vector.broadcast %add3A_79 : i32 to vector<16xi32>
      %add3A_81 = arith.addi %iota3A, %add3A_80 : vector<16xi32>
      %and3A_82 = arith.constant 15 : i32
      %and3A_83 = vector.broadcast %and3A_82 : i32 to vector<16xi32>
      %and3A_84 = arith.andi %add3A_81, %and3A_83 : vector<16xi32>
      %lt3A_85 = arith.constant 0 : i32
      %lt3A_86 = vector.broadcast %lt3A_85 : i32 to vector<16xi32>
      %lt3A_87 = arith.cmpi slt, %and3A_84, %lt3A_86 : vector<16xi32>
      %add3A_88 = arith.constant 16 : i32
      %add3A_89 = vector.broadcast %add3A_88 : i32 to vector<16xi32>
      %add3A_90 = arith.addi %and3A_84, %add3A_89 : vector<16xi32>
      %select_n3A_91 = arith.select %lt3A_87, %add3A_90, %and3A_84 : vector<16xi1>, vector<16xi32>
      %broadcast_in_dim3A_92 = vector.shape_cast %select_n3A_91 : vector<16xi32> to vector<16x1xi32>
      %gather3A_93 = vector.shape_cast %broadcast_in_dim3A_92 : vector<16x1xi32> to vector<16xi32>
      %gather3A_94 = tpu.dynamic_gather %min3A_78[%gather3A_93] in [0] : vector<16xi32>, vector<16xi32> -> vector<16xi32>
      %min3A_95 = arith.minsi %min3A_78, %gather3A_94 : vector<16xi32>
      %slice3A = vector.extract_strided_slice %min3A_95 {offsets = [0], sizes = [1], strides = [1]} : vector<16xi32> to vector<1xi32>
      %squeeze3A = vector.extract %slice3A[0] : i32 from vector<1xi32>
      %add3A_96 = arith.constant 8 : i32
      %add3A_97 = vector.broadcast %add3A_96 : i32 to vector<16xi32>
      %add3A_98 = arith.addi %iota3A, %add3A_97 : vector<16xi32>
      %and3A_99 = arith.constant 15 : i32
      %and3A_100 = vector.broadcast %and3A_99 : i32 to vector<16xi32>
      %and3A_101 = arith.andi %add3A_98, %and3A_100 : vector<16xi32>
      %lt3A_102 = arith.constant 0 : i32
      %lt3A_103 = vector.broadcast %lt3A_102 : i32 to vector<16xi32>
      %lt3A_104 = arith.cmpi slt, %and3A_101, %lt3A_103 : vector<16xi32>
      %add3A_105 = arith.constant 16 : i32
      %add3A_106 = vector.broadcast %add3A_105 : i32 to vector<16xi32>
      %add3A_107 = arith.addi %and3A_101, %add3A_106 : vector<16xi32>
      %select_n3A_108 = arith.select %lt3A_104, %add3A_107, %and3A_101 : vector<16xi1>, vector<16xi32>
      %broadcast_in_dim3A_109 = vector.shape_cast %select_n3A_108 : vector<16xi32> to vector<16x1xi32>
      %gather3A_110 = vector.shape_cast %broadcast_in_dim3A_109 : vector<16x1xi32> to vector<16xi32>
      %gather3A_111 = tpu.dynamic_gather %scan3A_31#1[%gather3A_110] in [0] : vector<16xi32>, vector<16xi32> -> vector<16xi32>
      %max3A = arith.maxsi %scan3A_31#1, %gather3A_111 : vector<16xi32>
      %add3A_112 = arith.constant 4 : i32
      %add3A_113 = vector.broadcast %add3A_112 : i32 to vector<16xi32>
      %add3A_114 = arith.addi %iota3A, %add3A_113 : vector<16xi32>
      %and3A_115 = arith.constant 15 : i32
      %and3A_116 = vector.broadcast %and3A_115 : i32 to vector<16xi32>
      %and3A_117 = arith.andi %add3A_114, %and3A_116 : vector<16xi32>
      %lt3A_118 = arith.constant 0 : i32
      %lt3A_119 = vector.broadcast %lt3A_118 : i32 to vector<16xi32>
      %lt3A_120 = arith.cmpi slt, %and3A_117, %lt3A_119 : vector<16xi32>
      %add3A_121 = arith.constant 16 : i32
      %add3A_122 = vector.broadcast %add3A_121 : i32 to vector<16xi32>
      %add3A_123 = arith.addi %and3A_117, %add3A_122 : vector<16xi32>
      %select_n3A_124 = arith.select %lt3A_120, %add3A_123, %and3A_117 : vector<16xi1>, vector<16xi32>
      %broadcast_in_dim3A_125 = vector.shape_cast %select_n3A_124 : vector<16xi32> to vector<16x1xi32>
      %gather3A_126 = vector.shape_cast %broadcast_in_dim3A_125 : vector<16x1xi32> to vector<16xi32>
      %gather3A_127 = tpu.dynamic_gather %max3A[%gather3A_126] in [0] : vector<16xi32>, vector<16xi32> -> vector<16xi32>
      %max3A_128 = arith.maxsi %max3A, %gather3A_127 : vector<16xi32>
      %add3A_129 = arith.constant 2 : i32
      %add3A_130 = vector.broadcast %add3A_129 : i32 to vector<16xi32>
      %add3A_131 = arith.addi %iota3A, %add3A_130 : vector<16xi32>
      %and3A_132 = arith.constant 15 : i32
      %and3A_133 = vector.broadcast %and3A_132 : i32 to vector<16xi32>
      %and3A_134 = arith.andi %add3A_131, %and3A_133 : vector<16xi32>
      %lt3A_135 = arith.constant 0 : i32
      %lt3A_136 = vector.broadcast %lt3A_135 : i32 to vector<16xi32>
      %lt3A_137 = arith.cmpi slt, %and3A_134, %lt3A_136 : vector<16xi32>
      %add3A_138 = arith.constant 16 : i32
      %add3A_139 = vector.broadcast %add3A_138 : i32 to vector<16xi32>
      %add3A_140 = arith.addi %and3A_134, %add3A_139 : vector<16xi32>
      %select_n3A_141 = arith.select %lt3A_137, %add3A_140, %and3A_134 : vector<16xi1>, vector<16xi32>
      %broadcast_in_dim3A_142 = vector.shape_cast %select_n3A_141 : vector<16xi32> to vector<16x1xi32>
      %gather3A_143 = vector.shape_cast %broadcast_in_dim3A_142 : vector<16x1xi32> to vector<16xi32>
      %gather3A_144 = tpu.dynamic_gather %max3A_128[%gather3A_143] in [0] : vector<16xi32>, vector<16xi32> -> vector<16xi32>
      %max3A_145 = arith.maxsi %max3A_128, %gather3A_144 : vector<16xi32>
      %add3A_146 = arith.constant 1 : i32
      %add3A_147 = vector.broadcast %add3A_146 : i32 to vector<16xi32>
      %add3A_148 = arith.addi %iota3A, %add3A_147 : vector<16xi32>
      %and3A_149 = arith.constant 15 : i32
      %and3A_150 = vector.broadcast %and3A_149 : i32 to vector<16xi32>
      %and3A_151 = arith.andi %add3A_148, %and3A_150 : vector<16xi32>
      %lt3A_152 = arith.constant 0 : i32
      %lt3A_153 = vector.broadcast %lt3A_152 : i32 to vector<16xi32>
      %lt3A_154 = arith.cmpi slt, %and3A_151, %lt3A_153 : vector<16xi32>
      %add3A_155 = arith.constant 16 : i32
      %add3A_156 = vector.broadcast %add3A_155 : i32 to vector<16xi32>
      %add3A_157 = arith.addi %and3A_151, %add3A_156 : vector<16xi32>
      %select_n3A_158 = arith.select %lt3A_154, %add3A_157, %and3A_151 : vector<16xi1>, vector<16xi32>
      %broadcast_in_dim3A_159 = vector.shape_cast %select_n3A_158 : vector<16xi32> to vector<16x1xi32>
      %gather3A_160 = vector.shape_cast %broadcast_in_dim3A_159 : vector<16x1xi32> to vector<16xi32>
      %gather3A_161 = tpu.dynamic_gather %max3A_145[%gather3A_160] in [0] : vector<16xi32>, vector<16xi32> -> vector<16xi32>
      %max3A_162 = arith.maxsi %max3A_145, %gather3A_161 : vector<16xi32>
      %slice3A_163 = vector.extract_strided_slice %max3A_162 {offsets = [0], sizes = [1], strides = [1]} : vector<16xi32> to vector<1xi32>
      %squeeze3A_164 = vector.extract %slice3A_163[0] : i32 from vector<1xi32>
      %scan3A_165 = arith.constant 0 : i32
      %scan3A_166 = arith.constant 31 : i32
      %scan3A_167 = arith.addi %scan3A_165, %scan3A_166 : i32
      %scan3A_168 = arith.constant 1 : i32
      %scan3A_169:2 = scf.for %scan3A_329 = %scan3A_165 to %scan3A_167 step %scan3A_168 iter_args(%scan3A_330 = %squeeze3A, %scan3A_331 = %squeeze3A_164) -> (i32, i32)  : i32 {
        %sub3A_332 = arith.subi %scan3A_331, %scan3A_330 : i32
        %add3A_333 = arith.constant 1 : i32
        %add3A_334 = arith.addi %sub3A_332, %add3A_333 : i32
        %shift_right_arithmetic3A = arith.constant 1 : i32
        %shift_right_arithmetic3A_335 = arith.shrsi %add3A_334, %shift_right_arithmetic3A : i32
        %add3A_336 = arith.addi %scan3A_330, %shift_right_arithmetic3A_335 : i32
        %swap3A_337 = arith.constant 0 : index
        %swap3A_338 = tpu.vector_load %arg7[%swap3A_337] {strides = array<i32>} : memref<16xi32, #tpu.memory_space<vmem>>, vector<16xi32>,
        %swap3A_339 = vector.shape_cast %swap3A_338 : vector<16xi32> to vector<16xi32>
        %swap3A_340 = vector.shape_cast %broadcast_in_dim3A_5 : vector<16xi32> to vector<16xi32>
        tpu.vector_store %arg7[%swap3A_337], %swap3A_340 {strides = array<i32>} : memref<16xi32, #tpu.memory_space<vmem>>, vector<16xi32>,
        %lt3A_341 = arith.cmpi slt, %scan3A_330, %scan3A_331 : i32
        %jit3A_342 = arith.constant 128 : i32
        %jit3A_343 = arith.constant 0 : i32
        %select_n3A_344 = arith.select %lt3A_341, %jit3A_342, %jit3A_343 : i32
        %while3A_345 = arith.constant 0 : i32
        %while3A_346 = arith.constant 0 : i32
        %while3A_347 = arith.subi %select_n3A_344, %while3A_345 : i32
        %while3A_348 = arith.addi %while3A_345, %while3A_347 : i32
        %while3A_349 = arith.constant 1 : i32
        %while3A_350 = arith.divsi %while3A_347, %while3A_349 : i32
        %while3A_351 = arith.muli %while3A_350, %while3A_349 : i32
        %while3A_352 = arith.addi %while3A_345, %while3A_351 : i32
        %while3A_353 = arith.constant 1 : i32
        %while3A_354 = scf.for %while3A_440 = %while3A_345 to %while3A_352 step %while3A_353 iter_args(%while3A_441 = %while3A_346) -> (i32)  : i32 {
          %mul3A_442 = arith.constant 16 : i32
          %mul3A_443 = arith.muli %while3A_440, %mul3A_442 : i32
          %get3A_444 = arith.index_cast %scan3A_23 : i32 to index
          %get3A_445 = arith.index_cast %mul3A_443 : i32 to index
          %get3A_446 = tpu.vector_load %arg5[%get3A_444, %get3A_445] {strides = array<i32>} : memref<16x2048xf32, #tpu.memory_space<vmem>>, vector<1x16xf32>,
          %get3A_447 = vector.shape_cast %get3A_446 : vector<1x16xf32> to vector<16xf32>
          %bitcast_convert_type3A = tpu.bitcast %get3A_447 : vector<16xf32> -> vector<16xi32>
          %get3A_448 = arith.constant 0 : index
          %get3A_449 = tpu.vector_load %arg7[%get3A_448] {strides = array<i32>} : memref<16xi32, #tpu.memory_space<vmem>>, vector<16xi32>,
          %get3A_450 = vector.shape_cast %get3A_449 : vector<16xi32> to vector<16xi32>
          %ge3A_451 = vector.broadcast %add3A_336 : i32 to vector<16xi32>
          %ge3A_452 = arith.cmpi sge, %bitcast_convert_type3A, %ge3A_451 : vector<16xi32>
          %select_n3A_453 = arith.select %ge3A_452, %broadcast_in_dim3A_3, %broadcast_in_dim3A_5 : vector<16xi1>, vector<16xi32>
          %add3A_454 = arith.addi %get3A_450, %select_n3A_453 : vector<16xi32>
          %swap3A_455 = arith.constant 0 : index
          %swap3A_456 = tpu.vector_load %arg7[%swap3A_455] {strides = array<i32>} : memref<16xi32, #tpu.memory_space<vmem>>, vector<16xi32>,
          %swap3A_457 = vector.shape_cast %swap3A_456 : vector<16xi32> to vector<16xi32>
          %swap3A_458 = vector.shape_cast %add3A_454 : vector<16xi32> to vector<16xi32>
          tpu.vector_store %arg7[%swap3A_455], %swap3A_458 {strides = array<i32>} : memref<16xi32, #tpu.memory_space<vmem>>, vector<16xi32>,
          %while3A_459 = arith.constant 0 : i32
          scf.yield %while3A_459 : i32
        }
        %while3A_355 = arith.constant 1 : i32
        %while3A_356 = scf.for %while3A_440 = %while3A_352 to %while3A_348 step %while3A_355 iter_args(%while3A_441 = %while3A_354) -> (i32)  : i32 {
          %mul3A_442 = arith.constant 16 : i32
          %mul3A_443 = arith.muli %while3A_440, %mul3A_442 : i32
          %get3A_444 = arith.index_cast %scan3A_23 : i32 to index
          %get3A_445 = arith.index_cast %mul3A_443 : i32 to index
          %get3A_446 = tpu.vector_load %arg5[%get3A_444, %get3A_445] {strides = array<i32>} : memref<16x2048xf32, #tpu.memory_space<vmem>>, vector<1x16xf32>,
          %get3A_447 = vector.shape_cast %get3A_446 : vector<1x16xf32> to vector<16xf32>
          %bitcast_convert_type3A = tpu.bitcast %get3A_447 : vector<16xf32> -> vector<16xi32>
          %get3A_448 = arith.constant 0 : index
          %get3A_449 = tpu.vector_load %arg7[%get3A_448] {strides = array<i32>} : memref<16xi32, #tpu.memory_space<vmem>>, vector<16xi32>,
          %get3A_450 = vector.shape_cast %get3A_449 : vector<16xi32> to vector<16xi32>
          %ge3A_451 = vector.broadcast %add3A_336 : i32 to vector<16xi32>
          %ge3A_452 = arith.cmpi sge, %bitcast_convert_type3A, %ge3A_451 : vector<16xi32>
          %select_n3A_453 = arith.select %ge3A_452, %broadcast_in_dim3A_3, %broadcast_in_dim3A_5 : vector<16xi1>, vector<16xi32>
          %add3A_454 = arith.addi %get3A_450, %select_n3A_453 : vector<16xi32>
          %swap3A_455 = arith.constant 0 : index
          %swap3A_456 = tpu.vector_load %arg7[%swap3A_455] {strides = array<i32>} : memref<16xi32, #tpu.memory_space<vmem>>, vector<16xi32>,
          %swap3A_457 = vector.shape_cast %swap3A_456 : vector<16xi32> to vector<16xi32>
          %swap3A_458 = vector.shape_cast %add3A_454 : vector<16xi32> to vector<16xi32>
          tpu.vector_store %arg7[%swap3A_455], %swap3A_458 {strides = array<i32>} : memref<16xi32, #tpu.memory_space<vmem>>, vector<16xi32>,
          %while3A_459 = arith.constant 0 : i32
          scf.yield %while3A_459 : i32
        }
        %get3A_357 = arith.constant 0 : index
        %get3A_358 = tpu.vector_load %arg7[%get3A_357] {strides = array<i32>} : memref<16xi32, #tpu.memory_space<vmem>>, vector<16xi32>,
        %get3A_359 = vector.shape_cast %get3A_358 : vector<16xi32> to vector<16xi32>
        %add3A_360 = arith.constant 8 : i32
        %add3A_361 = vector.broadcast %add3A_360 : i32 to vector<16xi32>
        %add3A_362 = arith.addi %iota3A, %add3A_361 : vector<16xi32>
        %and3A_363 = arith.constant 15 : i32
        %and3A_364 = vector.broadcast %and3A_363 : i32 to vector<16xi32>
        %and3A_365 = arith.andi %add3A_362, %and3A_364 : vector<16xi32>
        %lt3A_366 = arith.constant 0 : i32
        %lt3A_367 = vector.broadcast %lt3A_366 : i32 to vector<16xi32>
        %lt3A_368 = arith.cmpi slt, %and3A_365, %lt3A_367 : vector<16xi32>
        %add3A_369 = arith.constant 16 : i32
        %add3A_370 = vector.broadcast %add3A_369 : i32 to vector<16xi32>
        %add3A_371 = arith.addi %and3A_365, %add3A_370 : vector<16xi32>
        %select_n3A_372 = arith.select %lt3A_368, %add3A_371, %and3A_365 : vector<16xi1>, vector<16xi32>
        %broadcast_in_dim3A_373 = vector.shape_cast %select_n3A_372 : vector<16xi32> to vector<16x1xi32>
        %gather3A_374 = vector.shape_cast %broadcast_in_dim3A_373 : vector<16x1xi32> to vector<16xi32>
        %gather3A_375 = tpu.dynamic_gather %get3A_359[%gather3A_374] in [0] : vector<16xi32>, vector<16xi32> -> vector<16xi32>
        %add3A_376 = arith.addi %get3A_359, %gather3A_375 : vector<16xi32>
        %add3A_377 = arith.constant 4 : i32
        %add3A_378 = vector.broadcast %add3A_377 : i32 to vector<16xi32>
        %add3A_379 = arith.addi %iota3A, %add3A_378 : vector<16xi32>
        %and3A_380 = arith.constant 15 : i32
        %and3A_381 = vector.broadcast %and3A_380 : i32 to vector<16xi32>
        %and3A_382 = arith.andi %add3A_379, %and3A_381 : vector<16xi32>
        %lt3A_383 = arith.constant 0 : i32
        %lt3A_384 = vector.broadcast %lt3A_383 : i32 to vector<16xi32>
        %lt3A_385 = arith.cmpi slt, %and3A_382, %lt3A_384 : vector<16xi32>
        %add3A_386 = arith.constant 16 : i32
        %add3A_387 = vector.broadcast %add3A_386 : i32 to vector<16xi32>
        %add3A_388 = arith.addi %and3A_382, %add3A_387 : vector<16xi32>
        %select_n3A_389 = arith.select %lt3A_385, %add3A_388, %and3A_382 : vector<16xi1>, vector<16xi32>
        %broadcast_in_dim3A_390 = vector.shape_cast %select_n3A_389 : vector<16xi32> to vector<16x1xi32>
        %gather3A_391 = vector.shape_cast %broadcast_in_dim3A_390 : vector<16x1xi32> to vector<16xi32>
        %gather3A_392 = tpu.dynamic_gather %add3A_376[%gather3A_391] in [0] : vector<16xi32>, vector<16xi32> -> vector<16xi32>
        %add3A_393 = arith.addi %add3A_376, %gather3A_392 : vector<16xi32>
        %add3A_394 = arith.constant 2 : i32
        %add3A_395 = vector.broadcast %add3A_394 : i32 to vector<16xi32>
        %add3A_396 = arith.addi %iota3A, %add3A_395 : vector<16xi32>
        %and3A_397 = arith.constant 15 : i32
        %and3A_398 = vector.broadcast %and3A_397 : i32 to vector<16xi32>
        %and3A_399 = arith.andi %add3A_396, %and3A_398 : vector<16xi32>
        %lt3A_400 = arith.constant 0 : i32
        %lt3A_401 = vector.broadcast %lt3A_400 : i32 to vector<16xi32>
        %lt3A_402 = arith.cmpi slt, %and3A_399, %lt3A_401 : vector<16xi32>
        %add3A_403 = arith.constant 16 : i32
        %add3A_404 = vector.broadcast %add3A_403 : i32 to vector<16xi32>
        %add3A_405 = arith.addi %and3A_399, %add3A_404 : vector<16xi32>
        %select_n3A_406 = arith.select %lt3A_402, %add3A_405, %and3A_399 : vector<16xi1>, vector<16xi32>
        %broadcast_in_dim3A_407 = vector.shape_cast %select_n3A_406 : vector<16xi32> to vector<16x1xi32>
        %gather3A_408 = vector.shape_cast %broadcast_in_dim3A_407 : vector<16x1xi32> to vector<16xi32>
        %gather3A_409 = tpu.dynamic_gather %add3A_393[%gather3A_408] in [0] : vector<16xi32>, vector<16xi32> -> vector<16xi32>
        %add3A_410 = arith.addi %add3A_393, %gather3A_409 : vector<16xi32>
        %add3A_411 = arith.constant 1 : i32
        %add3A_412 = vector.broadcast %add3A_411 : i32 to vector<16xi32>
        %add3A_413 = arith.addi %iota3A, %add3A_412 : vector<16xi32>
        %and3A_414 = arith.constant 15 : i32
        %and3A_415 = vector.broadcast %and3A_414 : i32 to vector<16xi32>
        %and3A_416 = arith.andi %add3A_413, %and3A_415 : vector<16xi32>
        %lt3A_417 = arith.constant 0 : i32
        %lt3A_418 = vector.broadcast %lt3A_417 : i32 to vector<16xi32>
        %lt3A_419 = arith.cmpi slt, %and3A_416, %lt3A_418 : vector<16xi32>
        %add3A_420 = arith.constant 16 : i32
        %add3A_421 = vector.broadcast %add3A_420 : i32 to vector<16xi32>
        %add3A_422 = arith.addi %and3A_416, %add3A_421 : vector<16xi32>
        %select_n3A_423 = arith.select %lt3A_419, %add3A_422, %and3A_416 : vector<16xi1>, vector<16xi32>
        %broadcast_in_dim3A_424 = vector.shape_cast %select_n3A_423 : vector<16xi32> to vector<16x1xi32>
        %gather3A_425 = vector.shape_cast %broadcast_in_dim3A_424 : vector<16x1xi32> to vector<16xi32>
        %gather3A_426 = tpu.dynamic_gather %add3A_410[%gather3A_425] in [0] : vector<16xi32>, vector<16xi32> -> vector<16xi32>
        %add3A_427 = arith.addi %add3A_410, %gather3A_426 : vector<16xi32>
        %slice3A_428 = vector.extract_strided_slice %add3A_427 {offsets = [0], sizes = [1], strides = [1]} : vector<16xi32> to vector<1xi32>
        %squeeze3A_429 = vector.extract %slice3A_428[0] : i32 from vector<1xi32>
        %ge3A = arith.constant 409 : i32
        %ge3A_430 = arith.cmpi sge, %squeeze3A_429, %ge3A : i32
        %lt3A_431 = arith.cmpi slt, %scan3A_330, %scan3A_331 : i32
        %and3A_432 = arith.andi %lt3A_431, %ge3A_430 : i1
        %select_n3A_433 = arith.select %and3A_432, %add3A_336, %scan3A_330 : i32
        %lt3A_434 = arith.cmpi slt, %scan3A_330, %scan3A_331 : i32
        %not3A = arith.constant true
        %not3A_435 = arith.xori %ge3A_430, %not3A : i1
        %and3A_436 = arith.andi %lt3A_434, %not3A_435 : i1
        %sub3A_437 = arith.constant 1 : i32
        %sub3A_438 = arith.subi %add3A_336, %sub3A_437 : i32
        %select_n3A_439 = arith.select %and3A_436, %sub3A_438, %scan3A_331 : i32
        scf.yield %select_n3A_433, %select_n3A_439 : i32, i32
      }
      %scan3A_170 = arith.constant 31 : i32
      %eq3A = arith.cmpi eq, %squeeze3A, %squeeze3A_164 : i32
      %jit3A = arith.constant 0 : i32
      %jit3A_171 = arith.constant 128 : i32
      %select_n3A_172 = arith.select %eq3A, %jit3A, %jit3A_171 : i32
      %jit3A_173 = arith.constant 128 : i32
      %jit3A_174 = arith.constant 0 : i32
      %select_n3A_175 = arith.select %eq3A, %jit3A_173, %jit3A_174 : i32
      %swap3A = arith.constant 0 : index
      %swap3A_176 = tpu.vector_load %arg7[%swap3A] {strides = array<i32>} : memref<16xi32, #tpu.memory_space<vmem>>, vector<16xi32>,
      %swap3A_177 = vector.shape_cast %swap3A_176 : vector<16xi32> to vector<16xi32>
      %swap3A_178 = vector.shape_cast %broadcast_in_dim3A_5 : vector<16xi32> to vector<16xi32>
      tpu.vector_store %arg7[%swap3A], %swap3A_178 {strides = array<i32>} : memref<16xi32, #tpu.memory_space<vmem>>, vector<16xi32>,
      %while3A = arith.constant 0 : i32
      %while3A_179 = arith.constant 0 : i32
      %while3A_180 = arith.subi %select_n3A_172, %while3A : i32
      %while3A_181 = arith.addi %while3A, %while3A_180 : i32
      %while3A_182 = arith.constant 1 : i32
      %while3A_183 = arith.divsi %while3A_180, %while3A_182 : i32
      %while3A_184 = arith.muli %while3A_183, %while3A_182 : i32
      %while3A_185 = arith.addi %while3A, %while3A_184 : i32
      %while3A_186 = arith.constant 1 : i32
      %while3A_187 = scf.for %while3A_329 = %while3A to %while3A_185 step %while3A_186 iter_args(%while3A_330 = %while3A_179) -> (i32)  : i32 {
        %mul3A_331 = arith.constant 16 : i32
        %mul3A_332 = arith.muli %while3A_329, %mul3A_331 : i32
        %get3A_333 = arith.index_cast %scan3A_23 : i32 to index
        %get3A_334 = arith.index_cast %mul3A_332 : i32 to index
        %get3A_335 = tpu.vector_load %arg5[%get3A_333, %get3A_334] {strides = array<i32>} : memref<16x2048xf32, #tpu.memory_space<vmem>>, vector<1x16xf32>,
        %get3A_336 = vector.shape_cast %get3A_335 : vector<1x16xf32> to vector<16xf32>
        %bitcast_convert_type3A = tpu.bitcast %get3A_336 : vector<16xf32> -> vector<16xi32>
        %get3A_337 = arith.constant 0 : index
        %get3A_338 = tpu.vector_load %arg7[%get3A_337] {strides = array<i32>} : memref<16xi32, #tpu.memory_space<vmem>>, vector<16xi32>,
        %get3A_339 = vector.shape_cast %get3A_338 : vector<16xi32> to vector<16xi32>
        %gt3A = vector.broadcast %scan3A_169#0 : i32 to vector<16xi32>
        %gt3A_340 = arith.cmpi sgt, %bitcast_convert_type3A, %gt3A : vector<16xi32>
        %select_n3A_341 = arith.select %gt3A_340, %broadcast_in_dim3A_3, %broadcast_in_dim3A_5 : vector<16xi1>, vector<16xi32>
        %add3A_342 = arith.addi %get3A_339, %select_n3A_341 : vector<16xi32>
        %swap3A_343 = arith.constant 0 : index
        %swap3A_344 = tpu.vector_load %arg7[%swap3A_343] {strides = array<i32>} : memref<16xi32, #tpu.memory_space<vmem>>, vector<16xi32>,
        %swap3A_345 = vector.shape_cast %swap3A_344 : vector<16xi32> to vector<16xi32>
        %swap3A_346 = vector.shape_cast %add3A_342 : vector<16xi32> to vector<16xi32>
        tpu.vector_store %arg7[%swap3A_343], %swap3A_346 {strides = array<i32>} : memref<16xi32, #tpu.memory_space<vmem>>, vector<16xi32>,
        %while3A_347 = arith.constant 0 : i32
        scf.yield %while3A_347 : i32
      }
      %while3A_188 = arith.constant 1 : i32
      %while3A_189 = scf.for %while3A_329 = %while3A_185 to %while3A_181 step %while3A_188 iter_args(%while3A_330 = %while3A_187) -> (i32)  : i32 {
        %mul3A_331 = arith.constant 16 : i32
        %mul3A_332 = arith.muli %while3A_329, %mul3A_331 : i32
        %get3A_333 = arith.index_cast %scan3A_23 : i32 to index
        %get3A_334 = arith.index_cast %mul3A_332 : i32 to index
        %get3A_335 = tpu.vector_load %arg5[%get3A_333, %get3A_334] {strides = array<i32>} : memref<16x2048xf32, #tpu.memory_space<vmem>>, vector<1x16xf32>,
        %get3A_336 = vector.shape_cast %get3A_335 : vector<1x16xf32> to vector<16xf32>
        %bitcast_convert_type3A = tpu.bitcast %get3A_336 : vector<16xf32> -> vector<16xi32>
        %get3A_337 = arith.constant 0 : index
        %get3A_338 = tpu.vector_load %arg7[%get3A_337] {strides = array<i32>} : memref<16xi32, #tpu.memory_space<vmem>>, vector<16xi32>,
        %get3A_339 = vector.shape_cast %get3A_338 : vector<16xi32> to vector<16xi32>
        %gt3A = vector.broadcast %scan3A_169#0 : i32 to vector<16xi32>
        %gt3A_340 = arith.cmpi sgt, %bitcast_convert_type3A, %gt3A : vector<16xi32>
        %select_n3A_341 = arith.select %gt3A_340, %broadcast_in_dim3A_3, %broadcast_in_dim3A_5 : vector<16xi1>, vector<16xi32>
        %add3A_342 = arith.addi %get3A_339, %select_n3A_341 : vector<16xi32>
        %swap3A_343 = arith.constant 0 : index
        %swap3A_344 = tpu.vector_load %arg7[%swap3A_343] {strides = array<i32>} : memref<16xi32, #tpu.memory_space<vmem>>, vector<16xi32>,
        %swap3A_345 = vector.shape_cast %swap3A_344 : vector<16xi32> to vector<16xi32>
        %swap3A_346 = vector.shape_cast %add3A_342 : vector<16xi32> to vector<16xi32>
        tpu.vector_store %arg7[%swap3A_343], %swap3A_346 {strides = array<i32>} : memref<16xi32, #tpu.memory_space<vmem>>, vector<16xi32>,
        %while3A_347 = arith.constant 0 : i32
        scf.yield %while3A_347 : i32
      }
      %get3A = arith.constant 0 : index
      %get3A_190 = tpu.vector_load %arg7[%get3A] {strides = array<i32>} : memref<16xi32, #tpu.memory_space<vmem>>, vector<16xi32>,
      %get3A_191 = vector.shape_cast %get3A_190 : vector<16xi32> to vector<16xi32>
      %add3A_192 = arith.constant 8 : i32
      %add3A_193 = vector.broadcast %add3A_192 : i32 to vector<16xi32>
      %add3A_194 = arith.addi %iota3A, %add3A_193 : vector<16xi32>
      %and3A_195 = arith.constant 15 : i32
      %and3A_196 = vector.broadcast %and3A_195 : i32 to vector<16xi32>
      %and3A_197 = arith.andi %add3A_194, %and3A_196 : vector<16xi32>
      %lt3A_198 = arith.constant 0 : i32
      %lt3A_199 = vector.broadcast %lt3A_198 : i32 to vector<16xi32>
      %lt3A_200 = arith.cmpi slt, %and3A_197, %lt3A_199 : vector<16xi32>
      %add3A_201 = arith.constant 16 : i32
      %add3A_202 = vector.broadcast %add3A_201 : i32 to vector<16xi32>
      %add3A_203 = arith.addi %and3A_197, %add3A_202 : vector<16xi32>
      %select_n3A_204 = arith.select %lt3A_200, %add3A_203, %and3A_197 : vector<16xi1>, vector<16xi32>
      %broadcast_in_dim3A_205 = vector.shape_cast %select_n3A_204 : vector<16xi32> to vector<16x1xi32>
      %gather3A_206 = vector.shape_cast %broadcast_in_dim3A_205 : vector<16x1xi32> to vector<16xi32>
      %gather3A_207 = tpu.dynamic_gather %get3A_191[%gather3A_206] in [0] : vector<16xi32>, vector<16xi32> -> vector<16xi32>
      %add3A_208 = arith.addi %get3A_191, %gather3A_207 : vector<16xi32>
      %add3A_209 = arith.constant 4 : i32
      %add3A_210 = vector.broadcast %add3A_209 : i32 to vector<16xi32>
      %add3A_211 = arith.addi %iota3A, %add3A_210 : vector<16xi32>
      %and3A_212 = arith.constant 15 : i32
      %and3A_213 = vector.broadcast %and3A_212 : i32 to vector<16xi32>
      %and3A_214 = arith.andi %add3A_211, %and3A_213 : vector<16xi32>
      %lt3A_215 = arith.constant 0 : i32
      %lt3A_216 = vector.broadcast %lt3A_215 : i32 to vector<16xi32>
      %lt3A_217 = arith.cmpi slt, %and3A_214, %lt3A_216 : vector<16xi32>
      %add3A_218 = arith.constant 16 : i32
      %add3A_219 = vector.broadcast %add3A_218 : i32 to vector<16xi32>
      %add3A_220 = arith.addi %and3A_214, %add3A_219 : vector<16xi32>
      %select_n3A_221 = arith.select %lt3A_217, %add3A_220, %and3A_214 : vector<16xi1>, vector<16xi32>
      %broadcast_in_dim3A_222 = vector.shape_cast %select_n3A_221 : vector<16xi32> to vector<16x1xi32>
      %gather3A_223 = vector.shape_cast %broadcast_in_dim3A_222 : vector<16x1xi32> to vector<16xi32>
      %gather3A_224 = tpu.dynamic_gather %add3A_208[%gather3A_223] in [0] : vector<16xi32>, vector<16xi32> -> vector<16xi32>
      %add3A_225 = arith.addi %add3A_208, %gather3A_224 : vector<16xi32>
      %add3A_226 = arith.constant 2 : i32
      %add3A_227 = vector.broadcast %add3A_226 : i32 to vector<16xi32>
      %add3A_228 = arith.addi %iota3A, %add3A_227 : vector<16xi32>
      %and3A_229 = arith.constant 15 : i32
      %and3A_230 = vector.broadcast %and3A_229 : i32 to vector<16xi32>
      %and3A_231 = arith.andi %add3A_228, %and3A_230 : vector<16xi32>
      %lt3A_232 = arith.constant 0 : i32
      %lt3A_233 = vector.broadcast %lt3A_232 : i32 to vector<16xi32>
      %lt3A_234 = arith.cmpi slt, %and3A_231, %lt3A_233 : vector<16xi32>
      %add3A_235 = arith.constant 16 : i32
      %add3A_236 = vector.broadcast %add3A_235 : i32 to vector<16xi32>
      %add3A_237 = arith.addi %and3A_231, %add3A_236 : vector<16xi32>
      %select_n3A_238 = arith.select %lt3A_234, %add3A_237, %and3A_231 : vector<16xi1>, vector<16xi32>
      %broadcast_in_dim3A_239 = vector.shape_cast %select_n3A_238 : vector<16xi32> to vector<16x1xi32>
      %gather3A_240 = vector.shape_cast %broadcast_in_dim3A_239 : vector<16x1xi32> to vector<16xi32>
      %gather3A_241 = tpu.dynamic_gather %add3A_225[%gather3A_240] in [0] : vector<16xi32>, vector<16xi32> -> vector<16xi32>
      %add3A_242 = arith.addi %add3A_225, %gather3A_241 : vector<16xi32>
      %add3A_243 = arith.constant 1 : i32
      %add3A_244 = vector.broadcast %add3A_243 : i32 to vector<16xi32>
      %add3A_245 = arith.addi %iota3A, %add3A_244 : vector<16xi32>
      %and3A_246 = arith.constant 15 : i32
      %and3A_247 = vector.broadcast %and3A_246 : i32 to vector<16xi32>
      %and3A_248 = arith.andi %add3A_245, %and3A_247 : vector<16xi32>
      %lt3A_249 = arith.constant 0 : i32
      %lt3A_250 = vector.broadcast %lt3A_249 : i32 to vector<16xi32>
      %lt3A_251 = arith.cmpi slt, %and3A_248, %lt3A_250 : vector<16xi32>
      %add3A_252 = arith.constant 16 : i32
      %add3A_253 = vector.broadcast %add3A_252 : i32 to vector<16xi32>
      %add3A_254 = arith.addi %and3A_248, %add3A_253 : vector<16xi32>
      %select_n3A_255 = arith.select %lt3A_251, %add3A_254, %and3A_248 : vector<16xi1>, vector<16xi32>
      %broadcast_in_dim3A_256 = vector.shape_cast %select_n3A_255 : vector<16xi32> to vector<16x1xi32>
      %gather3A_257 = vector.shape_cast %broadcast_in_dim3A_256 : vector<16x1xi32> to vector<16xi32>
      %gather3A_258 = tpu.dynamic_gather %add3A_242[%gather3A_257] in [0] : vector<16xi32>, vector<16xi32> -> vector<16xi32>
      %add3A_259 = arith.addi %add3A_242, %gather3A_258 : vector<16xi32>
      %slice3A_260 = vector.extract_strided_slice %add3A_259 {offsets = [0], sizes = [1], strides = [1]} : vector<16xi32> to vector<1xi32>
      %squeeze3A_261 = vector.extract %slice3A_260[0] : i32 from vector<1xi32>
      %sub3A = arith.constant 409 : i32
      %sub3A_262 = arith.subi %sub3A, %squeeze3A_261 : i32
      %swap3A_263 = arith.constant 0 : index
      %swap3A_264 = tpu.vector_load %arg8[%swap3A_263] {strides = array<i32>} : memref<16xi32, #tpu.memory_space<vmem>>, vector<16xi32>,
      %swap3A_265 = vector.shape_cast %swap3A_264 : vector<16xi32> to vector<16xi32>
      %swap3A_266 = vector.shape_cast %broadcast_in_dim3A_5 : vector<16xi32> to vector<16xi32>
      tpu.vector_store %arg8[%swap3A_263], %swap3A_266 {strides = array<i32>} : memref<16xi32, #tpu.memory_space<vmem>>, vector<16xi32>,
      %while3A_267 = arith.constant 0 : i32
      %while3A_268 = arith.constant 0 : i32
      %while3A_269 = arith.subi %select_n3A_172, %while3A_267 : i32
      %while3A_270 = arith.addi %while3A_267, %while3A_269 : i32
      %while3A_271 = arith.constant 1 : i32
      %while3A_272 = arith.divsi %while3A_269, %while3A_271 : i32
      %while3A_273 = arith.muli %while3A_272, %while3A_271 : i32
      %while3A_274 = arith.addi %while3A_267, %while3A_273 : i32
      %while3A_275 = arith.constant 1 : i32
      %while3A_276 = scf.for %while3A_329 = %while3A_267 to %while3A_274 step %while3A_275 iter_args(%while3A_330 = %while3A_268) -> (i32)  : i32 {
        %mul3A_331 = arith.constant 16 : i32
        %mul3A_332 = arith.muli %while3A_329, %mul3A_331 : i32
        %get3A_333 = arith.index_cast %scan3A_23 : i32 to index
        %get3A_334 = arith.index_cast %mul3A_332 : i32 to index
        %get3A_335 = tpu.vector_load %arg5[%get3A_333, %get3A_334] {strides = array<i32>} : memref<16x2048xf32, #tpu.memory_space<vmem>>, vector<1x16xf32>,
        %get3A_336 = vector.shape_cast %get3A_335 : vector<1x16xf32> to vector<16xf32>
        %bitcast_convert_type3A = tpu.bitcast %get3A_336 : vector<16xf32> -> vector<16xi32>
        %eq3A_337 = vector.broadcast %scan3A_169#0 : i32 to vector<16xi32>
        %eq3A_338 = arith.cmpi eq, %bitcast_convert_type3A, %eq3A_337 : vector<16xi32>
        %select_n3A_339 = arith.select %eq3A_338, %broadcast_in_dim3A_3, %broadcast_in_dim3A_5 : vector<16xi1>, vector<16xi32>
        %sub3A_340 = arith.constant 1 : i32
        %sub3A_341 = vector.broadcast %sub3A_340 : i32 to vector<16xi32>
        %sub3A_342 = arith.subi %iota3A, %sub3A_341 : vector<16xi32>
        %and3A_343 = arith.constant 15 : i32
        %and3A_344 = vector.broadcast %and3A_343 : i32 to vector<16xi32>
        %and3A_345 = arith.andi %sub3A_342, %and3A_344 : vector<16xi32>
        %lt3A_346 = arith.constant 0 : i32
        %lt3A_347 = vector.broadcast %lt3A_346 : i32 to vector<16xi32>
        %lt3A_348 = arith.cmpi slt, %and3A_345, %lt3A_347 : vector<16xi32>
        %add3A_349 = arith.constant 16 : i32
        %add3A_350 = vector.broadcast %add3A_349 : i32 to vector<16xi32>
        %add3A_351 = arith.addi %and3A_345, %add3A_350 : vector<16xi32>
        %select_n3A_352 = arith.select %lt3A_348, %add3A_351, %and3A_345 : vector<16xi1>, vector<16xi32>
        %broadcast_in_dim3A_353 = vector.shape_cast %select_n3A_352 : vector<16xi32> to vector<16x1xi32>
        %gather3A_354 = vector.shape_cast %broadcast_in_dim3A_353 : vector<16x1xi32> to vector<16xi32>
        %gather3A_355 = tpu.dynamic_gather %select_n3A_339[%gather3A_354] in [0] : vector<16xi32>, vector<16xi32> -> vector<16xi32>
        %ge3A = arith.constant 1 : i32
        %ge3A_356 = vector.broadcast %ge3A : i32 to vector<16xi32>
        %ge3A_357 = arith.cmpi sge, %iota3A, %ge3A_356 : vector<16xi32>
        %select_n3A_358 = arith.select %ge3A_357, %gather3A_355, %broadcast_in_dim3A_5 : vector<16xi1>, vector<16xi32>
        %add3A_359 = arith.addi %select_n3A_339, %select_n3A_358 : vector<16xi32>
        %sub3A_360 = arith.constant 2 : i32
        %sub3A_361 = vector.broadcast %sub3A_360 : i32 to vector<16xi32>
        %sub3A_362 = arith.subi %iota3A, %sub3A_361 : vector<16xi32>
        %and3A_363 = arith.constant 15 : i32
        %and3A_364 = vector.broadcast %and3A_363 : i32 to vector<16xi32>
        %and3A_365 = arith.andi %sub3A_362, %and3A_364 : vector<16xi32>
        %lt3A_366 = arith.constant 0 : i32
        %lt3A_367 = vector.broadcast %lt3A_366 : i32 to vector<16xi32>
        %lt3A_368 = arith.cmpi slt, %and3A_365, %lt3A_367 : vector<16xi32>
        %add3A_369 = arith.constant 16 : i32
        %add3A_370 = vector.broadcast %add3A_369 : i32 to vector<16xi32>
        %add3A_371 = arith.addi %and3A_365, %add3A_370 : vector<16xi32>
        %select_n3A_372 = arith.select %lt3A_368, %add3A_371, %and3A_365 : vector<16xi1>, vector<16xi32>
        %broadcast_in_dim3A_373 = vector.shape_cast %select_n3A_372 : vector<16xi32> to vector<16x1xi32>
        %gather3A_374 = vector.shape_cast %broadcast_in_dim3A_373 : vector<16x1xi32> to vector<16xi32>
        %gather3A_375 = tpu.dynamic_gather %add3A_359[%gather3A_374] in [0] : vector<16xi32>, vector<16xi32> -> vector<16xi32>
        %ge3A_376 = arith.constant 2 : i32
        %ge3A_377 = vector.broadcast %ge3A_376 : i32 to vector<16xi32>
        %ge3A_378 = arith.cmpi sge, %iota3A, %ge3A_377 : vector<16xi32>
        %select_n3A_379 = arith.select %ge3A_378, %gather3A_375, %broadcast_in_dim3A_5 : vector<16xi1>, vector<16xi32>
        %add3A_380 = arith.addi %add3A_359, %select_n3A_379 : vector<16xi32>
        %sub3A_381 = arith.constant 4 : i32
        %sub3A_382 = vector.broadcast %sub3A_381 : i32 to vector<16xi32>
        %sub3A_383 = arith.subi %iota3A, %sub3A_382 : vector<16xi32>
        %and3A_384 = arith.constant 15 : i32
        %and3A_385 = vector.broadcast %and3A_384 : i32 to vector<16xi32>
        %and3A_386 = arith.andi %sub3A_383, %and3A_385 : vector<16xi32>
        %lt3A_387 = arith.constant 0 : i32
        %lt3A_388 = vector.broadcast %lt3A_387 : i32 to vector<16xi32>
        %lt3A_389 = arith.cmpi slt, %and3A_386, %lt3A_388 : vector<16xi32>
        %add3A_390 = arith.constant 16 : i32
        %add3A_391 = vector.broadcast %add3A_390 : i32 to vector<16xi32>
        %add3A_392 = arith.addi %and3A_386, %add3A_391 : vector<16xi32>
        %select_n3A_393 = arith.select %lt3A_389, %add3A_392, %and3A_386 : vector<16xi1>, vector<16xi32>
        %broadcast_in_dim3A_394 = vector.shape_cast %select_n3A_393 : vector<16xi32> to vector<16x1xi32>
        %gather3A_395 = vector.shape_cast %broadcast_in_dim3A_394 : vector<16x1xi32> to vector<16xi32>
        %gather3A_396 = tpu.dynamic_gather %add3A_380[%gather3A_395] in [0] : vector<16xi32>, vector<16xi32> -> vector<16xi32>
        %ge3A_397 = arith.constant 4 : i32
        %ge3A_398 = vector.broadcast %ge3A_397 : i32 to vector<16xi32>
        %ge3A_399 = arith.cmpi sge, %iota3A, %ge3A_398 : vector<16xi32>
        %select_n3A_400 = arith.select %ge3A_399, %gather3A_396, %broadcast_in_dim3A_5 : vector<16xi1>, vector<16xi32>
        %add3A_401 = arith.addi %add3A_380, %select_n3A_400 : vector<16xi32>
        %sub3A_402 = arith.constant 8 : i32
        %sub3A_403 = vector.broadcast %sub3A_402 : i32 to vector<16xi32>
        %sub3A_404 = arith.subi %iota3A, %sub3A_403 : vector<16xi32>
        %and3A_405 = arith.constant 15 : i32
        %and3A_406 = vector.broadcast %and3A_405 : i32 to vector<16xi32>
        %and3A_407 = arith.andi %sub3A_404, %and3A_406 : vector<16xi32>
        %lt3A_408 = arith.constant 0 : i32
        %lt3A_409 = vector.broadcast %lt3A_408 : i32 to vector<16xi32>
        %lt3A_410 = arith.cmpi slt, %and3A_407, %lt3A_409 : vector<16xi32>
        %add3A_411 = arith.constant 16 : i32
        %add3A_412 = vector.broadcast %add3A_411 : i32 to vector<16xi32>
        %add3A_413 = arith.addi %and3A_407, %add3A_412 : vector<16xi32>
        %select_n3A_414 = arith.select %lt3A_410, %add3A_413, %and3A_407 : vector<16xi1>, vector<16xi32>
        %broadcast_in_dim3A_415 = vector.shape_cast %select_n3A_414 : vector<16xi32> to vector<16x1xi32>
        %gather3A_416 = vector.shape_cast %broadcast_in_dim3A_415 : vector<16x1xi32> to vector<16xi32>
        %gather3A_417 = tpu.dynamic_gather %add3A_401[%gather3A_416] in [0] : vector<16xi32>, vector<16xi32> -> vector<16xi32>
        %ge3A_418 = arith.constant 8 : i32
        %ge3A_419 = vector.broadcast %ge3A_418 : i32 to vector<16xi32>
        %ge3A_420 = arith.cmpi sge, %iota3A, %ge3A_419 : vector<16xi32>
        %select_n3A_421 = arith.select %ge3A_420, %gather3A_417, %broadcast_in_dim3A_5 : vector<16xi1>, vector<16xi32>
        %add3A_422 = arith.addi %add3A_401, %select_n3A_421 : vector<16xi32>
        %sub3A_423 = arith.subi %add3A_422, %select_n3A_339 : vector<16xi32>
        %get3A_424 = arith.constant 0 : index
        %get3A_425 = tpu.vector_load %arg8[%get3A_424] {strides = array<i32>} : memref<16xi32, #tpu.memory_space<vmem>>, vector<16xi32>,
        %get3A_426 = vector.shape_cast %get3A_425 : vector<16xi32> to vector<16xi32>
        %add3A_427 = arith.addi %sub3A_423, %get3A_426 : vector<16xi32>
        %gt3A = vector.broadcast %scan3A_169#0 : i32 to vector<16xi32>
        %gt3A_428 = arith.cmpi sgt, %bitcast_convert_type3A, %gt3A : vector<16xi32>
        %broadcast_in_dim3A_429 = arith.constant 1.000000e+00 : f32
        %broadcast_in_dim3A_430 = vector.broadcast %broadcast_in_dim3A_429 : f32 to vector<16xf32>
        %eq3A_431 = vector.broadcast %scan3A_169#0 : i32 to vector<16xi32>
        %eq3A_432 = arith.cmpi eq, %bitcast_convert_type3A, %eq3A_431 : vector<16xi32>
        %lt3A_433 = vector.broadcast %sub3A_262 : i32 to vector<16xi32>
        %lt3A_434 = arith.cmpi slt, %add3A_427, %lt3A_433 : vector<16xi32>
        %and3A_435 = arith.andi %eq3A_432, %lt3A_434 : vector<16xi1>
        %broadcast_in_dim3A_436 = arith.constant 1.000000e+00 : f32
        %broadcast_in_dim3A_437 = vector.broadcast %broadcast_in_dim3A_436 : f32 to vector<16xf32>
        %broadcast_in_dim3A_438 = arith.constant 0.000000e+00 : f32
        %broadcast_in_dim3A_439 = vector.broadcast %broadcast_in_dim3A_438 : f32 to vector<16xf32>
        %select_n3A_440 = arith.select %and3A_435, %broadcast_in_dim3A_437, %broadcast_in_dim3A_439 : vector<16xi1>, vector<16xf32>
        %select_n3A_441 = arith.select %gt3A_428, %broadcast_in_dim3A_430, %select_n3A_440 : vector<16xi1>, vector<16xf32>
        %mul3A_442 = arith.constant 16 : i32
        %mul3A_443 = arith.muli %while3A_329, %mul3A_442 : i32
        %swap3A_444 = arith.index_cast %scan3A_23 : i32 to index
        %swap3A_445 = arith.index_cast %mul3A_443 : i32 to index
        %swap3A_446 = tpu.vector_load %arg6[%swap3A_444, %swap3A_445] {strides = array<i32>} : memref<16x2048xf32, #tpu.memory_space<vmem>>, vector<1x16xf32>,
        %swap3A_447 = vector.shape_cast %swap3A_446 : vector<1x16xf32> to vector<16xf32>
        %swap3A_448 = vector.shape_cast %select_n3A_441 : vector<16xf32> to vector<1x16xf32>
        tpu.vector_store %arg6[%swap3A_444, %swap3A_445], %swap3A_448 {strides = array<i32>} : memref<16x2048xf32, #tpu.memory_space<vmem>>, vector<1x16xf32>,
        %mul3A_449 = arith.mulf %get3A_336, %select_n3A_441 : vector<16xf32>
        %mul3A_450 = arith.constant 16 : i32
        %mul3A_451 = arith.muli %while3A_329, %mul3A_450 : i32
        %swap3A_452 = arith.index_cast %scan3A_23 : i32 to index
        %swap3A_453 = arith.index_cast %mul3A_451 : i32 to index
        %swap3A_454 = tpu.vector_load %arg5[%swap3A_452, %swap3A_453] {strides = array<i32>} : memref<16x2048xf32, #tpu.memory_space<vmem>>, vector<1x16xf32>,
        %swap3A_455 = vector.shape_cast %swap3A_454 : vector<1x16xf32> to vector<16xf32>
        %swap3A_456 = vector.shape_cast %mul3A_449 : vector<16xf32> to vector<1x16xf32>
        tpu.vector_store %arg5[%swap3A_452, %swap3A_453], %swap3A_456 {strides = array<i32>} : memref<16x2048xf32, #tpu.memory_space<vmem>>, vector<1x16xf32>,
        %get3A_457 = arith.constant 0 : index
        %get3A_458 = tpu.vector_load %arg8[%get3A_457] {strides = array<i32>} : memref<16xi32, #tpu.memory_space<vmem>>, vector<16xi32>,
        %get3A_459 = vector.shape_cast %get3A_458 : vector<16xi32> to vector<16xi32>
        %add3A_460 = arith.constant 8 : i32
        %add3A_461 = vector.broadcast %add3A_460 : i32 to vector<16xi32>
        %add3A_462 = arith.addi %iota3A, %add3A_461 : vector<16xi32>
        %and3A_463 = arith.constant 15 : i32
        %and3A_464 = vector.broadcast %and3A_463 : i32 to vector<16xi32>
        %and3A_465 = arith.andi %add3A_462, %and3A_464 : vector<16xi32>
        %lt3A_466 = arith.constant 0 : i32
        %lt3A_467 = vector.broadcast %lt3A_466 : i32 to vector<16xi32>
        %lt3A_468 = arith.cmpi slt, %and3A_465, %lt3A_467 : vector<16xi32>
        %add3A_469 = arith.constant 16 : i32
        %add3A_470 = vector.broadcast %add3A_469 : i32 to vector<16xi32>
        %add3A_471 = arith.addi %and3A_465, %add3A_470 : vector<16xi32>
        %select_n3A_472 = arith.select %lt3A_468, %add3A_471, %and3A_465 : vector<16xi1>, vector<16xi32>
        %broadcast_in_dim3A_473 = vector.shape_cast %select_n3A_472 : vector<16xi32> to vector<16x1xi32>
        %gather3A_474 = vector.shape_cast %broadcast_in_dim3A_473 : vector<16x1xi32> to vector<16xi32>
        %gather3A_475 = tpu.dynamic_gather %select_n3A_339[%gather3A_474] in [0] : vector<16xi32>, vector<16xi32> -> vector<16xi32>
        %add3A_476 = arith.addi %select_n3A_339, %gather3A_475 : vector<16xi32>
        %add3A_477 = arith.constant 4 : i32
        %add3A_478 = vector.broadcast %add3A_477 : i32 to vector<16xi32>
        %add3A_479 = arith.addi %iota3A, %add3A_478 : vector<16xi32>
        %and3A_480 = arith.constant 15 : i32
        %and3A_481 = vector.broadcast %and3A_480 : i32 to vector<16xi32>
        %and3A_482 = arith.andi %add3A_479, %and3A_481 : vector<16xi32>
        %lt3A_483 = arith.constant 0 : i32
        %lt3A_484 = vector.broadcast %lt3A_483 : i32 to vector<16xi32>
        %lt3A_485 = arith.cmpi slt, %and3A_482, %lt3A_484 : vector<16xi32>
        %add3A_486 = arith.constant 16 : i32
        %add3A_487 = vector.broadcast %add3A_486 : i32 to vector<16xi32>
        %add3A_488 = arith.addi %and3A_482, %add3A_487 : vector<16xi32>
        %select_n3A_489 = arith.select %lt3A_485, %add3A_488, %and3A_482 : vector<16xi1>, vector<16xi32>
        %broadcast_in_dim3A_490 = vector.shape_cast %select_n3A_489 : vector<16xi32> to vector<16x1xi32>
        %gather3A_491 = vector.shape_cast %broadcast_in_dim3A_490 : vector<16x1xi32> to vector<16xi32>
        %gather3A_492 = tpu.dynamic_gather %add3A_476[%gather3A_491] in [0] : vector<16xi32>, vector<16xi32> -> vector<16xi32>
        %add3A_493 = arith.addi %add3A_476, %gather3A_492 : vector<16xi32>
        %add3A_494 = arith.constant 2 : i32
        %add3A_495 = vector.broadcast %add3A_494 : i32 to vector<16xi32>
        %add3A_496 = arith.addi %iota3A, %add3A_495 : vector<16xi32>
        %and3A_497 = arith.constant 15 : i32
        %and3A_498 = vector.broadcast %and3A_497 : i32 to vector<16xi32>
        %and3A_499 = arith.andi %add3A_496, %and3A_498 : vector<16xi32>
        %lt3A_500 = arith.constant 0 : i32
        %lt3A_501 = vector.broadcast %lt3A_500 : i32 to vector<16xi32>
        %lt3A_502 = arith.cmpi slt, %and3A_499, %lt3A_501 : vector<16xi32>
        %add3A_503 = arith.constant 16 : i32
        %add3A_504 = vector.broadcast %add3A_503 : i32 to vector<16xi32>
        %add3A_505 = arith.addi %and3A_499, %add3A_504 : vector<16xi32>
        %select_n3A_506 = arith.select %lt3A_502, %add3A_505, %and3A_499 : vector<16xi1>, vector<16xi32>
        %broadcast_in_dim3A_507 = vector.shape_cast %select_n3A_506 : vector<16xi32> to vector<16x1xi32>
        %gather3A_508 = vector.shape_cast %broadcast_in_dim3A_507 : vector<16x1xi32> to vector<16xi32>
        %gather3A_509 = tpu.dynamic_gather %add3A_493[%gather3A_508] in [0] : vector<16xi32>, vector<16xi32> -> vector<16xi32>
        %add3A_510 = arith.addi %add3A_493, %gather3A_509 : vector<16xi32>
        %add3A_511 = arith.constant 1 : i32
        %add3A_512 = vector.broadcast %add3A_511 : i32 to vector<16xi32>
        %add3A_513 = arith.addi %iota3A, %add3A_512 : vector<16xi32>
        %and3A_514 = arith.constant 15 : i32
        %and3A_515 = vector.broadcast %and3A_514 : i32 to vector<16xi32>
        %and3A_516 = arith.andi %add3A_513, %and3A_515 : vector<16xi32>
        %lt3A_517 = arith.constant 0 : i32
        %lt3A_518 = vector.broadcast %lt3A_517 : i32 to vector<16xi32>
        %lt3A_519 = arith.cmpi slt, %and3A_516, %lt3A_518 : vector<16xi32>
        %add3A_520 = arith.constant 16 : i32
        %add3A_521 = vector.broadcast %add3A_520 : i32 to vector<16xi32>
        %add3A_522 = arith.addi %and3A_516, %add3A_521 : vector<16xi32>
        %select_n3A_523 = arith.select %lt3A_519, %add3A_522, %and3A_516 : vector<16xi1>, vector<16xi32>
        %broadcast_in_dim3A_524 = vector.shape_cast %select_n3A_523 : vector<16xi32> to vector<16x1xi32>
        %gather3A_525 = vector.shape_cast %broadcast_in_dim3A_524 : vector<16x1xi32> to vector<16xi32>
        %gather3A_526 = tpu.dynamic_gather %add3A_510[%gather3A_525] in [0] : vector<16xi32>, vector<16xi32> -> vector<16xi32>
        %add3A_527 = arith.addi %add3A_510, %gather3A_526 : vector<16xi32>
        %add3A_528 = arith.addi %get3A_459, %add3A_527 : vector<16xi32>
        %swap3A_529 = arith.constant 0 : index
        %swap3A_530 = tpu.vector_load %arg8[%swap3A_529] {strides = array<i32>} : memref<16xi32, #tpu.memory_space<vmem>>, vector<16xi32>,
        %swap3A_531 = vector.shape_cast %swap3A_530 : vector<16xi32> to vector<16xi32>
        %swap3A_532 = vector.shape_cast %add3A_528 : vector<16xi32> to vector<16xi32>
        tpu.vector_store %arg8[%swap3A_529], %swap3A_532 {strides = array<i32>} : memref<16xi32, #tpu.memory_space<vmem>>, vector<16xi32>,
        %while3A_533 = arith.constant 0 : i32
        scf.yield %while3A_533 : i32
      }
      %while3A_277 = arith.constant 1 : i32
      %while3A_278 = scf.for %while3A_329 = %while3A_274 to %while3A_270 step %while3A_277 iter_args(%while3A_330 = %while3A_276) -> (i32)  : i32 {
        %mul3A_331 = arith.constant 16 : i32
        %mul3A_332 = arith.muli %while3A_329, %mul3A_331 : i32
        %get3A_333 = arith.index_cast %scan3A_23 : i32 to index
        %get3A_334 = arith.index_cast %mul3A_332 : i32 to index
        %get3A_335 = tpu.vector_load %arg5[%get3A_333, %get3A_334] {strides = array<i32>} : memref<16x2048xf32, #tpu.memory_space<vmem>>, vector<1x16xf32>,
        %get3A_336 = vector.shape_cast %get3A_335 : vector<1x16xf32> to vector<16xf32>
        %bitcast_convert_type3A = tpu.bitcast %get3A_336 : vector<16xf32> -> vector<16xi32>
        %eq3A_337 = vector.broadcast %scan3A_169#0 : i32 to vector<16xi32>
        %eq3A_338 = arith.cmpi eq, %bitcast_convert_type3A, %eq3A_337 : vector<16xi32>
        %select_n3A_339 = arith.select %eq3A_338, %broadcast_in_dim3A_3, %broadcast_in_dim3A_5 : vector<16xi1>, vector<16xi32>
        %sub3A_340 = arith.constant 1 : i32
        %sub3A_341 = vector.broadcast %sub3A_340 : i32 to vector<16xi32>
        %sub3A_342 = arith.subi %iota3A, %sub3A_341 : vector<16xi32>
        %and3A_343 = arith.constant 15 : i32
        %and3A_344 = vector.broadcast %and3A_343 : i32 to vector<16xi32>
        %and3A_345 = arith.andi %sub3A_342, %and3A_344 : vector<16xi32>
        %lt3A_346 = arith.constant 0 : i32
        %lt3A_347 = vector.broadcast %lt3A_346 : i32 to vector<16xi32>
        %lt3A_348 = arith.cmpi slt, %and3A_345, %lt3A_347 : vector<16xi32>
        %add3A_349 = arith.constant 16 : i32
        %add3A_350 = vector.broadcast %add3A_349 : i32 to vector<16xi32>
        %add3A_351 = arith.addi %and3A_345, %add3A_350 : vector<16xi32>
        %select_n3A_352 = arith.select %lt3A_348, %add3A_351, %and3A_345 : vector<16xi1>, vector<16xi32>
        %broadcast_in_dim3A_353 = vector.shape_cast %select_n3A_352 : vector<16xi32> to vector<16x1xi32>
        %gather3A_354 = vector.shape_cast %broadcast_in_dim3A_353 : vector<16x1xi32> to vector<16xi32>
        %gather3A_355 = tpu.dynamic_gather %select_n3A_339[%gather3A_354] in [0] : vector<16xi32>, vector<16xi32> -> vector<16xi32>
        %ge3A = arith.constant 1 : i32
        %ge3A_356 = vector.broadcast %ge3A : i32 to vector<16xi32>
        %ge3A_357 = arith.cmpi sge, %iota3A, %ge3A_356 : vector<16xi32>
        %select_n3A_358 = arith.select %ge3A_357, %gather3A_355, %broadcast_in_dim3A_5 : vector<16xi1>, vector<16xi32>
        %add3A_359 = arith.addi %select_n3A_339, %select_n3A_358 : vector<16xi32>
        %sub3A_360 = arith.constant 2 : i32
        %sub3A_361 = vector.broadcast %sub3A_360 : i32 to vector<16xi32>
        %sub3A_362 = arith.subi %iota3A, %sub3A_361 : vector<16xi32>
        %and3A_363 = arith.constant 15 : i32
        %and3A_364 = vector.broadcast %and3A_363 : i32 to vector<16xi32>
        %and3A_365 = arith.andi %sub3A_362, %and3A_364 : vector<16xi32>
        %lt3A_366 = arith.constant 0 : i32
        %lt3A_367 = vector.broadcast %lt3A_366 : i32 to vector<16xi32>
        %lt3A_368 = arith.cmpi slt, %and3A_365, %lt3A_367 : vector<16xi32>
        %add3A_369 = arith.constant 16 : i32
        %add3A_370 = vector.broadcast %add3A_369 : i32 to vector<16xi32>
        %add3A_371 = arith.addi %and3A_365, %add3A_370 : vector<16xi32>
        %select_n3A_372 = arith.select %lt3A_368, %add3A_371, %and3A_365 : vector<16xi1>, vector<16xi32>
        %broadcast_in_dim3A_373 = vector.shape_cast %select_n3A_372 : vector<16xi32> to vector<16x1xi32>
        %gather3A_374 = vector.shape_cast %broadcast_in_dim3A_373 : vector<16x1xi32> to vector<16xi32>
        %gather3A_375 = tpu.dynamic_gather %add3A_359[%gather3A_374] in [0] : vector<16xi32>, vector<16xi32> -> vector<16xi32>
        %ge3A_376 = arith.constant 2 : i32
        %ge3A_377 = vector.broadcast %ge3A_376 : i32 to vector<16xi32>
        %ge3A_378 = arith.cmpi sge, %iota3A, %ge3A_377 : vector<16xi32>
        %select_n3A_379 = arith.select %ge3A_378, %gather3A_375, %broadcast_in_dim3A_5 : vector<16xi1>, vector<16xi32>
        %add3A_380 = arith.addi %add3A_359, %select_n3A_379 : vector<16xi32>
        %sub3A_381 = arith.constant 4 : i32
        %sub3A_382 = vector.broadcast %sub3A_381 : i32 to vector<16xi32>
        %sub3A_383 = arith.subi %iota3A, %sub3A_382 : vector<16xi32>
        %and3A_384 = arith.constant 15 : i32
        %and3A_385 = vector.broadcast %and3A_384 : i32 to vector<16xi32>
        %and3A_386 = arith.andi %sub3A_383, %and3A_385 : vector<16xi32>
        %lt3A_387 = arith.constant 0 : i32
        %lt3A_388 = vector.broadcast %lt3A_387 : i32 to vector<16xi32>
        %lt3A_389 = arith.cmpi slt, %and3A_386, %lt3A_388 : vector<16xi32>
        %add3A_390 = arith.constant 16 : i32
        %add3A_391 = vector.broadcast %add3A_390 : i32 to vector<16xi32>
        %add3A_392 = arith.addi %and3A_386, %add3A_391 : vector<16xi32>
        %select_n3A_393 = arith.select %lt3A_389, %add3A_392, %and3A_386 : vector<16xi1>, vector<16xi32>
        %broadcast_in_dim3A_394 = vector.shape_cast %select_n3A_393 : vector<16xi32> to vector<16x1xi32>
        %gather3A_395 = vector.shape_cast %broadcast_in_dim3A_394 : vector<16x1xi32> to vector<16xi32>
        %gather3A_396 = tpu.dynamic_gather %add3A_380[%gather3A_395] in [0] : vector<16xi32>, vector<16xi32> -> vector<16xi32>
        %ge3A_397 = arith.constant 4 : i32
        %ge3A_398 = vector.broadcast %ge3A_397 : i32 to vector<16xi32>
        %ge3A_399 = arith.cmpi sge, %iota3A, %ge3A_398 : vector<16xi32>
        %select_n3A_400 = arith.select %ge3A_399, %gather3A_396, %broadcast_in_dim3A_5 : vector<16xi1>, vector<16xi32>
        %add3A_401 = arith.addi %add3A_380, %select_n3A_400 : vector<16xi32>
        %sub3A_402 = arith.constant 8 : i32
        %sub3A_403 = vector.broadcast %sub3A_402 : i32 to vector<16xi32>
        %sub3A_404 = arith.subi %iota3A, %sub3A_403 : vector<16xi32>
        %and3A_405 = arith.constant 15 : i32
        %and3A_406 = vector.broadcast %and3A_405 : i32 to vector<16xi32>
        %and3A_407 = arith.andi %sub3A_404, %and3A_406 : vector<16xi32>
        %lt3A_408 = arith.constant 0 : i32
        %lt3A_409 = vector.broadcast %lt3A_408 : i32 to vector<16xi32>
        %lt3A_410 = arith.cmpi slt, %and3A_407, %lt3A_409 : vector<16xi32>
        %add3A_411 = arith.constant 16 : i32
        %add3A_412 = vector.broadcast %add3A_411 : i32 to vector<16xi32>
        %add3A_413 = arith.addi %and3A_407, %add3A_412 : vector<16xi32>
        %select_n3A_414 = arith.select %lt3A_410, %add3A_413, %and3A_407 : vector<16xi1>, vector<16xi32>
        %broadcast_in_dim3A_415 = vector.shape_cast %select_n3A_414 : vector<16xi32> to vector<16x1xi32>
        %gather3A_416 = vector.shape_cast %broadcast_in_dim3A_415 : vector<16x1xi32> to vector<16xi32>
        %gather3A_417 = tpu.dynamic_gather %add3A_401[%gather3A_416] in [0] : vector<16xi32>, vector<16xi32> -> vector<16xi32>
        %ge3A_418 = arith.constant 8 : i32
        %ge3A_419 = vector.broadcast %ge3A_418 : i32 to vector<16xi32>
        %ge3A_420 = arith.cmpi sge, %iota3A, %ge3A_419 : vector<16xi32>
        %select_n3A_421 = arith.select %ge3A_420, %gather3A_417, %broadcast_in_dim3A_5 : vector<16xi1>, vector<16xi32>
        %add3A_422 = arith.addi %add3A_401, %select_n3A_421 : vector<16xi32>
        %sub3A_423 = arith.subi %add3A_422, %select_n3A_339 : vector<16xi32>
        %get3A_424 = arith.constant 0 : index
        %get3A_425 = tpu.vector_load %arg8[%get3A_424] {strides = array<i32>} : memref<16xi32, #tpu.memory_space<vmem>>, vector<16xi32>,
        %get3A_426 = vector.shape_cast %get3A_425 : vector<16xi32> to vector<16xi32>
        %add3A_427 = arith.addi %sub3A_423, %get3A_426 : vector<16xi32>
        %gt3A = vector.broadcast %scan3A_169#0 : i32 to vector<16xi32>
        %gt3A_428 = arith.cmpi sgt, %bitcast_convert_type3A, %gt3A : vector<16xi32>
        %broadcast_in_dim3A_429 = arith.constant 1.000000e+00 : f32
        %broadcast_in_dim3A_430 = vector.broadcast %broadcast_in_dim3A_429 : f32 to vector<16xf32>
        %eq3A_431 = vector.broadcast %scan3A_169#0 : i32 to vector<16xi32>
        %eq3A_432 = arith.cmpi eq, %bitcast_convert_type3A, %eq3A_431 : vector<16xi32>
        %lt3A_433 = vector.broadcast %sub3A_262 : i32 to vector<16xi32>
        %lt3A_434 = arith.cmpi slt, %add3A_427, %lt3A_433 : vector<16xi32>
        %and3A_435 = arith.andi %eq3A_432, %lt3A_434 : vector<16xi1>
        %broadcast_in_dim3A_436 = arith.constant 1.000000e+00 : f32
        %broadcast_in_dim3A_437 = vector.broadcast %broadcast_in_dim3A_436 : f32 to vector<16xf32>
        %broadcast_in_dim3A_438 = arith.constant 0.000000e+00 : f32
        %broadcast_in_dim3A_439 = vector.broadcast %broadcast_in_dim3A_438 : f32 to vector<16xf32>
        %select_n3A_440 = arith.select %and3A_435, %broadcast_in_dim3A_437, %broadcast_in_dim3A_439 : vector<16xi1>, vector<16xf32>
        %select_n3A_441 = arith.select %gt3A_428, %broadcast_in_dim3A_430, %select_n3A_440 : vector<16xi1>, vector<16xf32>
        %mul3A_442 = arith.constant 16 : i32
        %mul3A_443 = arith.muli %while3A_329, %mul3A_442 : i32
        %swap3A_444 = arith.index_cast %scan3A_23 : i32 to index
        %swap3A_445 = arith.index_cast %mul3A_443 : i32 to index
        %swap3A_446 = tpu.vector_load %arg6[%swap3A_444, %swap3A_445] {strides = array<i32>} : memref<16x2048xf32, #tpu.memory_space<vmem>>, vector<1x16xf32>,
        %swap3A_447 = vector.shape_cast %swap3A_446 : vector<1x16xf32> to vector<16xf32>
        %swap3A_448 = vector.shape_cast %select_n3A_441 : vector<16xf32> to vector<1x16xf32>
        tpu.vector_store %arg6[%swap3A_444, %swap3A_445], %swap3A_448 {strides = array<i32>} : memref<16x2048xf32, #tpu.memory_space<vmem>>, vector<1x16xf32>,
        %mul3A_449 = arith.mulf %get3A_336, %select_n3A_441 : vector<16xf32>
        %mul3A_450 = arith.constant 16 : i32
        %mul3A_451 = arith.muli %while3A_329, %mul3A_450 : i32
        %swap3A_452 = arith.index_cast %scan3A_23 : i32 to index
        %swap3A_453 = arith.index_cast %mul3A_451 : i32 to index
        %swap3A_454 = tpu.vector_load %arg5[%swap3A_452, %swap3A_453] {strides = array<i32>} : memref<16x2048xf32, #tpu.memory_space<vmem>>, vector<1x16xf32>,
        %swap3A_455 = vector.shape_cast %swap3A_454 : vector<1x16xf32> to vector<16xf32>
        %swap3A_456 = vector.shape_cast %mul3A_449 : vector<16xf32> to vector<1x16xf32>
        tpu.vector_store %arg5[%swap3A_452, %swap3A_453], %swap3A_456 {strides = array<i32>} : memref<16x2048xf32, #tpu.memory_space<vmem>>, vector<1x16xf32>,
        %get3A_457 = arith.constant 0 : index
        %get3A_458 = tpu.vector_load %arg8[%get3A_457] {strides = array<i32>} : memref<16xi32, #tpu.memory_space<vmem>>, vector<16xi32>,
        %get3A_459 = vector.shape_cast %get3A_458 : vector<16xi32> to vector<16xi32>
        %add3A_460 = arith.constant 8 : i32
        %add3A_461 = vector.broadcast %add3A_460 : i32 to vector<16xi32>
        %add3A_462 = arith.addi %iota3A, %add3A_461 : vector<16xi32>
        %and3A_463 = arith.constant 15 : i32
        %and3A_464 = vector.broadcast %and3A_463 : i32 to vector<16xi32>
        %and3A_465 = arith.andi %add3A_462, %and3A_464 : vector<16xi32>
        %lt3A_466 = arith.constant 0 : i32
        %lt3A_467 = vector.broadcast %lt3A_466 : i32 to vector<16xi32>
        %lt3A_468 = arith.cmpi slt, %and3A_465, %lt3A_467 : vector<16xi32>
        %add3A_469 = arith.constant 16 : i32
        %add3A_470 = vector.broadcast %add3A_469 : i32 to vector<16xi32>
        %add3A_471 = arith.addi %and3A_465, %add3A_470 : vector<16xi32>
        %select_n3A_472 = arith.select %lt3A_468, %add3A_471, %and3A_465 : vector<16xi1>, vector<16xi32>
        %broadcast_in_dim3A_473 = vector.shape_cast %select_n3A_472 : vector<16xi32> to vector<16x1xi32>
        %gather3A_474 = vector.shape_cast %broadcast_in_dim3A_473 : vector<16x1xi32> to vector<16xi32>
        %gather3A_475 = tpu.dynamic_gather %select_n3A_339[%gather3A_474] in [0] : vector<16xi32>, vector<16xi32> -> vector<16xi32>
        %add3A_476 = arith.addi %select_n3A_339, %gather3A_475 : vector<16xi32>
        %add3A_477 = arith.constant 4 : i32
        %add3A_478 = vector.broadcast %add3A_477 : i32 to vector<16xi32>
        %add3A_479 = arith.addi %iota3A, %add3A_478 : vector<16xi32>
        %and3A_480 = arith.constant 15 : i32
        %and3A_481 = vector.broadcast %and3A_480 : i32 to vector<16xi32>
        %and3A_482 = arith.andi %add3A_479, %and3A_481 : vector<16xi32>
        %lt3A_483 = arith.constant 0 : i32
        %lt3A_484 = vector.broadcast %lt3A_483 : i32 to vector<16xi32>
        %lt3A_485 = arith.cmpi slt, %and3A_482, %lt3A_484 : vector<16xi32>
        %add3A_486 = arith.constant 16 : i32
        %add3A_487 = vector.broadcast %add3A_486 : i32 to vector<16xi32>
        %add3A_488 = arith.addi %and3A_482, %add3A_487 : vector<16xi32>
        %select_n3A_489 = arith.select %lt3A_485, %add3A_488, %and3A_482 : vector<16xi1>, vector<16xi32>
        %broadcast_in_dim3A_490 = vector.shape_cast %select_n3A_489 : vector<16xi32> to vector<16x1xi32>
        %gather3A_491 = vector.shape_cast %broadcast_in_dim3A_490 : vector<16x1xi32> to vector<16xi32>
        %gather3A_492 = tpu.dynamic_gather %add3A_476[%gather3A_491] in [0] : vector<16xi32>, vector<16xi32> -> vector<16xi32>
        %add3A_493 = arith.addi %add3A_476, %gather3A_492 : vector<16xi32>
        %add3A_494 = arith.constant 2 : i32
        %add3A_495 = vector.broadcast %add3A_494 : i32 to vector<16xi32>
        %add3A_496 = arith.addi %iota3A, %add3A_495 : vector<16xi32>
        %and3A_497 = arith.constant 15 : i32
        %and3A_498 = vector.broadcast %and3A_497 : i32 to vector<16xi32>
        %and3A_499 = arith.andi %add3A_496, %and3A_498 : vector<16xi32>
        %lt3A_500 = arith.constant 0 : i32
        %lt3A_501 = vector.broadcast %lt3A_500 : i32 to vector<16xi32>
        %lt3A_502 = arith.cmpi slt, %and3A_499, %lt3A_501 : vector<16xi32>
        %add3A_503 = arith.constant 16 : i32
        %add3A_504 = vector.broadcast %add3A_503 : i32 to vector<16xi32>
        %add3A_505 = arith.addi %and3A_499, %add3A_504 : vector<16xi32>
        %select_n3A_506 = arith.select %lt3A_502, %add3A_505, %and3A_499 : vector<16xi1>, vector<16xi32>
        %broadcast_in_dim3A_507 = vector.shape_cast %select_n3A_506 : vector<16xi32> to vector<16x1xi32>
        %gather3A_508 = vector.shape_cast %broadcast_in_dim3A_507 : vector<16x1xi32> to vector<16xi32>
        %gather3A_509 = tpu.dynamic_gather %add3A_493[%gather3A_508] in [0] : vector<16xi32>, vector<16xi32> -> vector<16xi32>
        %add3A_510 = arith.addi %add3A_493, %gather3A_509 : vector<16xi32>
        %add3A_511 = arith.constant 1 : i32
        %add3A_512 = vector.broadcast %add3A_511 : i32 to vector<16xi32>
        %add3A_513 = arith.addi %iota3A, %add3A_512 : vector<16xi32>
        %and3A_514 = arith.constant 15 : i32
        %and3A_515 = vector.broadcast %and3A_514 : i32 to vector<16xi32>
        %and3A_516 = arith.andi %add3A_513, %and3A_515 : vector<16xi32>
        %lt3A_517 = arith.constant 0 : i32
        %lt3A_518 = vector.broadcast %lt3A_517 : i32 to vector<16xi32>
        %lt3A_519 = arith.cmpi slt, %and3A_516, %lt3A_518 : vector<16xi32>
        %add3A_520 = arith.constant 16 : i32
        %add3A_521 = vector.broadcast %add3A_520 : i32 to vector<16xi32>
        %add3A_522 = arith.addi %and3A_516, %add3A_521 : vector<16xi32>
        %select_n3A_523 = arith.select %lt3A_519, %add3A_522, %and3A_516 : vector<16xi1>, vector<16xi32>
        %broadcast_in_dim3A_524 = vector.shape_cast %select_n3A_523 : vector<16xi32> to vector<16x1xi32>
        %gather3A_525 = vector.shape_cast %broadcast_in_dim3A_524 : vector<16x1xi32> to vector<16xi32>
        %gather3A_526 = tpu.dynamic_gather %add3A_510[%gather3A_525] in [0] : vector<16xi32>, vector<16xi32> -> vector<16xi32>
        %add3A_527 = arith.addi %add3A_510, %gather3A_526 : vector<16xi32>
        %add3A_528 = arith.addi %get3A_459, %add3A_527 : vector<16xi32>
        %swap3A_529 = arith.constant 0 : index
        %swap3A_530 = tpu.vector_load %arg8[%swap3A_529] {strides = array<i32>} : memref<16xi32, #tpu.memory_space<vmem>>, vector<16xi32>,
        %swap3A_531 = vector.shape_cast %swap3A_530 : vector<16xi32> to vector<16xi32>
        %swap3A_532 = vector.shape_cast %add3A_528 : vector<16xi32> to vector<16xi32>
        tpu.vector_store %arg8[%swap3A_529], %swap3A_532 {strides = array<i32>} : memref<16xi32, #tpu.memory_space<vmem>>, vector<16xi32>,
        %while3A_533 = arith.constant 0 : i32
        scf.yield %while3A_533 : i32
      }
      %broadcast_in_dim3A_279 = arith.constant 1.000000e+00 : f32
      %broadcast_in_dim3A_280 = vector.broadcast %broadcast_in_dim3A_279 : f32 to vector<16xf32>
      %broadcast_in_dim3A_281 = arith.constant 0.000000e+00 : f32
      %broadcast_in_dim3A_282 = vector.broadcast %broadcast_in_dim3A_281 : f32 to vector<16xf32>
      %jit3A_283 = arith.constant 25 : i32
      %jit3A_284 = arith.constant 0 : i32
      %select_n3A_285 = arith.select %eq3A, %jit3A_283, %jit3A_284 : i32
      %while3A_286 = arith.constant 0 : i32
      %while3A_287 = arith.constant 0 : i32
      %while3A_288 = arith.subi %select_n3A_285, %while3A_286 : i32
      %while3A_289 = arith.addi %while3A_286, %while3A_288 : i32
      %while3A_290 = arith.constant 1 : i32
      %while3A_291 = arith.divsi %while3A_288, %while3A_290 : i32
      %while3A_292 = arith.muli %while3A_291, %while3A_290 : i32
      %while3A_293 = arith.addi %while3A_286, %while3A_292 : i32
      %while3A_294 = arith.constant 1 : i32
      %while3A_295 = scf.for %while3A_329 = %while3A_286 to %while3A_293 step %while3A_294 iter_args(%while3A_330 = %while3A_287) -> (i32)  : i32 {
        %mul3A_331 = arith.constant 16 : i32
        %mul3A_332 = arith.muli %while3A_329, %mul3A_331 : i32
        %swap3A_333 = arith.index_cast %scan3A_23 : i32 to index
        %swap3A_334 = arith.index_cast %mul3A_332 : i32 to index
        %swap3A_335 = tpu.vector_load %arg6[%swap3A_333, %swap3A_334] {strides = array<i32>} : memref<16x2048xf32, #tpu.memory_space<vmem>>, vector<1x16xf32>,
        %swap3A_336 = vector.shape_cast %swap3A_335 : vector<1x16xf32> to vector<16xf32>
        %swap3A_337 = vector.shape_cast %broadcast_in_dim3A_280 : vector<16xf32> to vector<1x16xf32>
        tpu.vector_store %arg6[%swap3A_333, %swap3A_334], %swap3A_337 {strides = array<i32>} : memref<16x2048xf32, #tpu.memory_space<vmem>>, vector<1x16xf32>,
        %while3A_338 = arith.constant 0 : i32
        scf.yield %while3A_338 : i32
      }
      %while3A_296 = arith.constant 1 : i32
      %while3A_297 = scf.for %while3A_329 = %while3A_293 to %while3A_289 step %while3A_296 iter_args(%while3A_330 = %while3A_295) -> (i32)  : i32 {
        %mul3A_331 = arith.constant 16 : i32
        %mul3A_332 = arith.muli %while3A_329, %mul3A_331 : i32
        %swap3A_333 = arith.index_cast %scan3A_23 : i32 to index
        %swap3A_334 = arith.index_cast %mul3A_332 : i32 to index
        %swap3A_335 = tpu.vector_load %arg6[%swap3A_333, %swap3A_334] {strides = array<i32>} : memref<16x2048xf32, #tpu.memory_space<vmem>>, vector<1x16xf32>,
        %swap3A_336 = vector.shape_cast %swap3A_335 : vector<1x16xf32> to vector<16xf32>
        %swap3A_337 = vector.shape_cast %broadcast_in_dim3A_280 : vector<16xf32> to vector<1x16xf32>
        tpu.vector_store %arg6[%swap3A_333, %swap3A_334], %swap3A_337 {strides = array<i32>} : memref<16x2048xf32, #tpu.memory_space<vmem>>, vector<1x16xf32>,
        %while3A_338 = arith.constant 0 : i32
        scf.yield %while3A_338 : i32
      }
      %jit3A_298 = arith.constant 1 : i32
      %jit3A_299 = arith.constant 0 : i32
      %select_n3A_300 = arith.select %eq3A, %jit3A_298, %jit3A_299 : i32
      %while3A_301 = arith.constant 0 : i32
      %while3A_302 = arith.constant 0 : i32
      %while3A_303 = arith.subi %select_n3A_300, %while3A_301 : i32
      %while3A_304 = arith.addi %while3A_301, %while3A_303 : i32
      %while3A_305 = arith.constant 1 : i32
      %while3A_306 = arith.divsi %while3A_303, %while3A_305 : i32
      %while3A_307 = arith.muli %while3A_306, %while3A_305 : i32
      %while3A_308 = arith.addi %while3A_301, %while3A_307 : i32
      %while3A_309 = arith.constant 1 : i32
      %while3A_310 = scf.for %while3A_329 = %while3A_301 to %while3A_308 step %while3A_309 iter_args(%while3A_330 = %while3A_302) -> (i32)  : i32 {
        %get3A_331 = arith.index_cast %scan3A_23 : i32 to index
        %get3A_332 = arith.constant 400 : index
        %get3A_333 = tpu.vector_load %arg5[%get3A_331, %get3A_332] {strides = array<i32>} : memref<16x2048xf32, #tpu.memory_space<vmem>>, vector<1x16xf32>,
        %get3A_334 = vector.shape_cast %get3A_333 : vector<1x16xf32> to vector<16xf32>
        %lt3A_335 = arith.constant 9 : i32
        %lt3A_336 = vector.broadcast %lt3A_335 : i32 to vector<16xi32>
        %lt3A_337 = arith.cmpi slt, %iota3A, %lt3A_336 : vector<16xi32>
        %select_n3A_338 = arith.select %lt3A_337, %broadcast_in_dim3A_280, %broadcast_in_dim3A_282 : vector<16xi1>, vector<16xf32>
        %swap3A_339 = arith.index_cast %scan3A_23 : i32 to index
        %swap3A_340 = arith.constant 400 : index
        %swap3A_341 = tpu.vector_load %arg6[%swap3A_339, %swap3A_340] {strides = array<i32>} : memref<16x2048xf32, #tpu.memory_space<vmem>>, vector<1x16xf32>,
        %swap3A_342 = vector.shape_cast %swap3A_341 : vector<1x16xf32> to vector<16xf32>
        %swap3A_343 = vector.shape_cast %select_n3A_338 : vector<16xf32> to vector<1x16xf32>
        tpu.vector_store %arg6[%swap3A_339, %swap3A_340], %swap3A_343 {strides = array<i32>} : memref<16x2048xf32, #tpu.memory_space<vmem>>, vector<1x16xf32>,
        %mul3A_344 = arith.mulf %get3A_334, %select_n3A_338 : vector<16xf32>
        %swap3A_345 = arith.index_cast %scan3A_23 : i32 to index
        %swap3A_346 = arith.constant 400 : index
        %swap3A_347 = tpu.vector_load %arg5[%swap3A_345, %swap3A_346] {strides = array<i32>} : memref<16x2048xf32, #tpu.memory_space<vmem>>, vector<1x16xf32>,
        %swap3A_348 = vector.shape_cast %swap3A_347 : vector<1x16xf32> to vector<16xf32>
        %swap3A_349 = vector.shape_cast %mul3A_344 : vector<16xf32> to vector<1x16xf32>
        tpu.vector_store %arg5[%swap3A_345, %swap3A_346], %swap3A_349 {strides = array<i32>} : memref<16x2048xf32, #tpu.memory_space<vmem>>, vector<1x16xf32>,
        %while3A_350 = arith.constant 0 : i32
        scf.yield %while3A_350 : i32
      }
      %while3A_311 = arith.constant 1 : i32
      %while3A_312 = scf.for %while3A_329 = %while3A_308 to %while3A_304 step %while3A_311 iter_args(%while3A_330 = %while3A_310) -> (i32)  : i32 {
        %get3A_331 = arith.index_cast %scan3A_23 : i32 to index
        %get3A_332 = arith.constant 400 : index
        %get3A_333 = tpu.vector_load %arg5[%get3A_331, %get3A_332] {strides = array<i32>} : memref<16x2048xf32, #tpu.memory_space<vmem>>, vector<1x16xf32>,
        %get3A_334 = vector.shape_cast %get3A_333 : vector<1x16xf32> to vector<16xf32>
        %lt3A_335 = arith.constant 9 : i32
        %lt3A_336 = vector.broadcast %lt3A_335 : i32 to vector<16xi32>
        %lt3A_337 = arith.cmpi slt, %iota3A, %lt3A_336 : vector<16xi32>
        %select_n3A_338 = arith.select %lt3A_337, %broadcast_in_dim3A_280, %broadcast_in_dim3A_282 : vector<16xi1>, vector<16xf32>
        %swap3A_339 = arith.index_cast %scan3A_23 : i32 to index
        %swap3A_340 = arith.constant 400 : index
        %swap3A_341 = tpu.vector_load %arg6[%swap3A_339, %swap3A_340] {strides = array<i32>} : memref<16x2048xf32, #tpu.memory_space<vmem>>, vector<1x16xf32>,
        %swap3A_342 = vector.shape_cast %swap3A_341 : vector<1x16xf32> to vector<16xf32>
        %swap3A_343 = vector.shape_cast %select_n3A_338 : vector<16xf32> to vector<1x16xf32>
        tpu.vector_store %arg6[%swap3A_339, %swap3A_340], %swap3A_343 {strides = array<i32>} : memref<16x2048xf32, #tpu.memory_space<vmem>>, vector<1x16xf32>,
        %mul3A_344 = arith.mulf %get3A_334, %select_n3A_338 : vector<16xf32>
        %swap3A_345 = arith.index_cast %scan3A_23 : i32 to index
        %swap3A_346 = arith.constant 400 : index
        %swap3A_347 = tpu.vector_load %arg5[%swap3A_345, %swap3A_346] {strides = array<i32>} : memref<16x2048xf32, #tpu.memory_space<vmem>>, vector<1x16xf32>,
        %swap3A_348 = vector.shape_cast %swap3A_347 : vector<1x16xf32> to vector<16xf32>
        %swap3A_349 = vector.shape_cast %mul3A_344 : vector<16xf32> to vector<1x16xf32>
        tpu.vector_store %arg5[%swap3A_345, %swap3A_346], %swap3A_349 {strides = array<i32>} : memref<16x2048xf32, #tpu.memory_space<vmem>>, vector<1x16xf32>,
        %while3A_350 = arith.constant 0 : i32
        scf.yield %while3A_350 : i32
      }
      %jit3A_313 = arith.constant 128 : i32
      %jit3A_314 = arith.constant 26 : i32
      %select_n3A_315 = arith.select %eq3A, %jit3A_313, %jit3A_314 : i32
      %while3A_316 = arith.constant 26 : i32
      %while3A_317 = arith.constant 0 : i32
      %while3A_318 = arith.subi %select_n3A_315, %while3A_316 : i32
      %while3A_319 = arith.addi %while3A_316, %while3A_318 : i32
      %while3A_320 = arith.constant 1 : i32
      %while3A_321 = arith.divsi %while3A_318, %while3A_320 : i32
      %while3A_322 = arith.muli %while3A_321, %while3A_320 : i32
      %while3A_323 = arith.addi %while3A_316, %while3A_322 : i32
      %while3A_324 = arith.constant 1 : i32
      %while3A_325 = scf.for %while3A_329 = %while3A_316 to %while3A_323 step %while3A_324 iter_args(%while3A_330 = %while3A_317) -> (i32)  : i32 {
        %mul3A_331 = arith.constant 16 : i32
        %mul3A_332 = arith.muli %while3A_329, %mul3A_331 : i32
        %swap3A_333 = arith.index_cast %scan3A_23 : i32 to index
        %swap3A_334 = arith.index_cast %mul3A_332 : i32 to index
        %swap3A_335 = tpu.vector_load %arg6[%swap3A_333, %swap3A_334] {strides = array<i32>} : memref<16x2048xf32, #tpu.memory_space<vmem>>, vector<1x16xf32>,
        %swap3A_336 = vector.shape_cast %swap3A_335 : vector<1x16xf32> to vector<16xf32>
        %swap3A_337 = vector.shape_cast %broadcast_in_dim3A_282 : vector<16xf32> to vector<1x16xf32>
        tpu.vector_store %arg6[%swap3A_333, %swap3A_334], %swap3A_337 {strides = array<i32>} : memref<16x2048xf32, #tpu.memory_space<vmem>>, vector<1x16xf32>,
        %mul3A_338 = arith.constant 16 : i32
        %mul3A_339 = arith.muli %while3A_329, %mul3A_338 : i32
        %swap3A_340 = arith.index_cast %scan3A_23 : i32 to index
        %swap3A_341 = arith.index_cast %mul3A_339 : i32 to index
        %swap3A_342 = tpu.vector_load %arg5[%swap3A_340, %swap3A_341] {strides = array<i32>} : memref<16x2048xf32, #tpu.memory_space<vmem>>, vector<1x16xf32>,
        %swap3A_343 = vector.shape_cast %swap3A_342 : vector<1x16xf32> to vector<16xf32>
        %swap3A_344 = vector.shape_cast %broadcast_in_dim3A_282 : vector<16xf32> to vector<1x16xf32>
        tpu.vector_store %arg5[%swap3A_340, %swap3A_341], %swap3A_344 {strides = array<i32>} : memref<16x2048xf32, #tpu.memory_space<vmem>>, vector<1x16xf32>,
        %while3A_345 = arith.constant 0 : i32
        scf.yield %while3A_345 : i32
      }
      %while3A_326 = arith.constant 1 : i32
      %while3A_327 = scf.for %while3A_329 = %while3A_323 to %while3A_319 step %while3A_326 iter_args(%while3A_330 = %while3A_325) -> (i32)  : i32 {
        %mul3A_331 = arith.constant 16 : i32
        %mul3A_332 = arith.muli %while3A_329, %mul3A_331 : i32
        %swap3A_333 = arith.index_cast %scan3A_23 : i32 to index
        %swap3A_334 = arith.index_cast %mul3A_332 : i32 to index
        %swap3A_335 = tpu.vector_load %arg6[%swap3A_333, %swap3A_334] {strides = array<i32>} : memref<16x2048xf32, #tpu.memory_space<vmem>>, vector<1x16xf32>,
        %swap3A_336 = vector.shape_cast %swap3A_335 : vector<1x16xf32> to vector<16xf32>
        %swap3A_337 = vector.shape_cast %broadcast_in_dim3A_282 : vector<16xf32> to vector<1x16xf32>
        tpu.vector_store %arg6[%swap3A_333, %swap3A_334], %swap3A_337 {strides = array<i32>} : memref<16x2048xf32, #tpu.memory_space<vmem>>, vector<1x16xf32>,
        %mul3A_338 = arith.constant 16 : i32
        %mul3A_339 = arith.muli %while3A_329, %mul3A_338 : i32
        %swap3A_340 = arith.index_cast %scan3A_23 : i32 to index
        %swap3A_341 = arith.index_cast %mul3A_339 : i32 to index
        %swap3A_342 = tpu.vector_load %arg5[%swap3A_340, %swap3A_341] {strides = array<i32>} : memref<16x2048xf32, #tpu.memory_space<vmem>>, vector<1x16xf32>,
        %swap3A_343 = vector.shape_cast %swap3A_342 : vector<1x16xf32> to vector<16xf32>
        %swap3A_344 = vector.shape_cast %broadcast_in_dim3A_282 : vector<16xf32> to vector<1x16xf32>
        tpu.vector_store %arg5[%swap3A_340, %swap3A_341], %swap3A_344 {strides = array<i32>} : memref<16x2048xf32, #tpu.memory_space<vmem>>, vector<1x16xf32>,
        %while3A_345 = arith.constant 0 : i32
        scf.yield %while3A_345 : i32
      }
      %scan3A_328 = arith.constant 0 : i32
      scf.yield %scan3A_328 : i32
    }
    %scan3A_13 = arith.constant 16 : i32
    "tpu.region"() ({
      %run_scoped3A = tpu.sem_alloc : memref<!tpu.dma_semaphore, #tpu.memory_space<semaphore_mem>>
      %dma_start3A = arith.constant 0 : i32
      %dma_start3A_23 = tpu.memref_slice %arg4[%add3A_7, %dma_start3A] : memref<1024x2048xf32, #tpu.memory_space<hbm>> -> memref<16x2048xf32, #tpu.memory_space<hbm>>
      %dma_start3A_24 = arith.constant 0 : i32
      %dma_start3A_25 = tpu.memref_slice %arg4[%add3A_7, %dma_start3A_24] : memref<1024x2048xf32, #tpu.memory_space<hbm>> -> memref<16x2048xf32, #tpu.memory_space<hbm>>
      tpu.enqueue_dma source(%arg6 : memref<16x2048xf32, #tpu.memory_space<vmem>>) target(%dma_start3A_25 : memref<16x2048xf32, #tpu.memory_space<hbm>>) target_semaphore(%run_scoped3A : memref<!tpu.dma_semaphore, #tpu.memory_space<semaphore_mem>>)
      %dma_wait3A = arith.constant 0 : i32
      %dma_wait3A_26 = tpu.memref_slice %arg4[%add3A_7, %dma_wait3A] : memref<1024x2048xf32, #tpu.memory_space<hbm>> -> memref<16x2048xf32, #tpu.memory_space<hbm>>
      %dma_wait3A_27 = arith.constant 0 : i32
      %dma_wait3A_28 = tpu.memref_slice %arg4[%add3A_7, %dma_wait3A_27] : memref<1024x2048xf32, #tpu.memory_space<hbm>> -> memref<16x2048xf32, #tpu.memory_space<hbm>>
      tpu.wait_dma2 semaphore(%run_scoped3A : memref<!tpu.dma_semaphore, #tpu.memory_space<semaphore_mem>>) src(%arg6 : memref<16x2048xf32, #tpu.memory_space<vmem>>) dst(%dma_wait3A_28 : memref<16x2048xf32, #tpu.memory_space<hbm>>)
      tpu.yield
    }) : () -> ()
    "tpu.region"() ({
      %run_scoped3A = tpu.sem_alloc : memref<!tpu.dma_semaphore, #tpu.memory_space<semaphore_mem>>
      %dma_start3A = arith.constant 0 : i32
      %dma_start3A_23 = tpu.memref_slice %arg3[%add3A_7, %dma_start3A] : memref<1024x2048xf32, #tpu.memory_space<hbm>> -> memref<16x2048xf32, #tpu.memory_space<hbm>>
      %dma_start3A_24 = arith.constant 0 : i32
      %dma_start3A_25 = tpu.memref_slice %arg3[%add3A_7, %dma_start3A_24] : memref<1024x2048xf32, #tpu.memory_space<hbm>> -> memref<16x2048xf32, #tpu.memory_space<hbm>>
      tpu.enqueue_dma source(%arg5 : memref<16x2048xf32, #tpu.memory_space<vmem>>) target(%dma_start3A_25 : memref<16x2048xf32, #tpu.memory_space<hbm>>) target_semaphore(%run_scoped3A : memref<!tpu.dma_semaphore, #tpu.memory_space<semaphore_mem>>)
      %dma_wait3A = arith.constant 0 : i32
      %dma_wait3A_26 = tpu.memref_slice %arg3[%add3A_7, %dma_wait3A] : memref<1024x2048xf32, #tpu.memory_space<hbm>> -> memref<16x2048xf32, #tpu.memory_space<hbm>>
      %dma_wait3A_27 = arith.constant 0 : i32
      %dma_wait3A_28 = tpu.memref_slice %arg3[%add3A_7, %dma_wait3A_27] : memref<1024x2048xf32, #tpu.memory_space<hbm>> -> memref<16x2048xf32, #tpu.memory_space<hbm>>
      tpu.wait_dma2 semaphore(%run_scoped3A : memref<!tpu.dma_semaphore, #tpu.memory_space<semaphore_mem>>) src(%arg5 : memref<16x2048xf32, #tpu.memory_space<vmem>>) dst(%dma_wait3A_28 : memref<16x2048xf32, #tpu.memory_space<hbm>>)
      tpu.yield
    }) : () -> ()
    %add3A_14 = arith.constant 16 : i32
    %add3A_15 = arith.addi %mul3A_2, %add3A_14 : i32
    "tpu.region"() ({
      %run_scoped3A = tpu.sem_alloc : memref<!tpu.dma_semaphore, #tpu.memory_space<semaphore_mem>>
      %dma_start3A = arith.constant 0 : i32
      %dma_start3A_23 = tpu.memref_slice %arg2[%add3A_15, %dma_start3A] : memref<1024x2048xf32, #tpu.memory_space<hbm>> -> memref<16x2048xf32, #tpu.memory_space<hbm>>
      %dma_start3A_24 = arith.constant 0 : i32
      %dma_start3A_25 = tpu.memref_slice %arg2[%add3A_15, %dma_start3A_24] : memref<1024x2048xf32, #tpu.memory_space<hbm>> -> memref<16x2048xf32, #tpu.memory_space<hbm>>
      tpu.enqueue_dma source(%dma_start3A_25 : memref<16x2048xf32, #tpu.memory_space<hbm>>) target(%arg5 : memref<16x2048xf32, #tpu.memory_space<vmem>>) target_semaphore(%run_scoped3A : memref<!tpu.dma_semaphore, #tpu.memory_space<semaphore_mem>>)
      %dma_wait3A = arith.constant 0 : i32
      %dma_wait3A_26 = tpu.memref_slice %arg2[%add3A_15, %dma_wait3A] : memref<1024x2048xf32, #tpu.memory_space<hbm>> -> memref<16x2048xf32, #tpu.memory_space<hbm>>
      %dma_wait3A_27 = arith.constant 0 : i32
      %dma_wait3A_28 = tpu.memref_slice %arg2[%add3A_15, %dma_wait3A_27] : memref<1024x2048xf32, #tpu.memory_space<hbm>> -> memref<16x2048xf32, #tpu.memory_space<hbm>>
      tpu.wait_dma2 semaphore(%run_scoped3A : memref<!tpu.dma_semaphore, #tpu.memory_space<semaphore_mem>>) src(%dma_wait3A_28 : memref<16x2048xf32, #tpu.memory_space<hbm>>) dst(%arg5 : memref<16x2048xf32, #tpu.memory_space<vmem>>)
      tpu.yield
    }) : () -> ()
    %scan3A_16 = arith.constant 0 : i32
    %scan3A_17 = arith.constant 0 : i32
    %scan3A_18 = arith.constant 16 : i32
    %scan3A_19 = arith.addi %scan3A_17, %scan3A_18 : i32
    %scan3A_20 = arith.constant 1 : i32
    %scan3A_21 = scf.for %scan3A_23 = %scan3A_17 to %scan3A_19 step %scan3A_20 iter_args(%scan3A_24 = %scan3A_16) -> (i32)  : i32 {
      %broadcast_in_dim3A_25 = arith.constant 2139095039 : i32
      %broadcast_in_dim3A_26 = vector.broadcast %broadcast_in_dim3A_25 : i32 to vector<16xi32>
      %scan3A_27 = arith.constant 0 : i32
      %scan3A_28 = arith.constant 128 : i32
      %scan3A_29 = arith.addi %scan3A_27, %scan3A_28 : i32
      %scan3A_30 = arith.constant 1 : i32
      %scan3A_31:2 = scf.for %scan3A_329 = %scan3A_27 to %scan3A_29 step %scan3A_30 iter_args(%scan3A_330 = %broadcast_in_dim3A_26, %scan3A_331 = %broadcast_in_dim3A_5) -> (vector<16xi32>, vector<16xi32>)  : i32 {
        %mul3A_332 = arith.constant 16 : i32
        %mul3A_333 = arith.muli %scan3A_329, %mul3A_332 : i32
        %get3A_334 = arith.index_cast %scan3A_23 : i32 to index
        %get3A_335 = arith.index_cast %mul3A_333 : i32 to index
        %get3A_336 = tpu.vector_load %arg5[%get3A_334, %get3A_335] {strides = array<i32>} : memref<16x2048xf32, #tpu.memory_space<vmem>>, vector<1x16xf32>,
        %get3A_337 = vector.shape_cast %get3A_336 : vector<1x16xf32> to vector<16xf32>
        %bitcast_convert_type3A = tpu.bitcast %get3A_337 : vector<16xf32> -> vector<16xi32>
        %min3A_338 = arith.minsi %scan3A_330, %bitcast_convert_type3A : vector<16xi32>
        %max3A_339 = arith.maxsi %scan3A_331, %bitcast_convert_type3A : vector<16xi32>
        scf.yield %min3A_338, %max3A_339 : vector<16xi32>, vector<16xi32>
      }
      %scan3A_32 = arith.constant 128 : i32
      %add3A_33 = arith.constant 8 : i32
      %add3A_34 = vector.broadcast %add3A_33 : i32 to vector<16xi32>
      %add3A_35 = arith.addi %iota3A, %add3A_34 : vector<16xi32>
      %and3A = arith.constant 15 : i32
      %and3A_36 = vector.broadcast %and3A : i32 to vector<16xi32>
      %and3A_37 = arith.andi %add3A_35, %and3A_36 : vector<16xi32>
      %lt3A = arith.constant 0 : i32
      %lt3A_38 = vector.broadcast %lt3A : i32 to vector<16xi32>
      %lt3A_39 = arith.cmpi slt, %and3A_37, %lt3A_38 : vector<16xi32>
      %add3A_40 = arith.constant 16 : i32
      %add3A_41 = vector.broadcast %add3A_40 : i32 to vector<16xi32>
      %add3A_42 = arith.addi %and3A_37, %add3A_41 : vector<16xi32>
      %select_n3A = arith.select %lt3A_39, %add3A_42, %and3A_37 : vector<16xi1>, vector<16xi32>
      %broadcast_in_dim3A_43 = vector.shape_cast %select_n3A : vector<16xi32> to vector<16x1xi32>
      %gather3A = vector.shape_cast %broadcast_in_dim3A_43 : vector<16x1xi32> to vector<16xi32>
      %gather3A_44 = tpu.dynamic_gather %scan3A_31#0[%gather3A] in [0] : vector<16xi32>, vector<16xi32> -> vector<16xi32>
      %min3A = arith.minsi %scan3A_31#0, %gather3A_44 : vector<16xi32>
      %add3A_45 = arith.constant 4 : i32
      %add3A_46 = vector.broadcast %add3A_45 : i32 to vector<16xi32>
      %add3A_47 = arith.addi %iota3A, %add3A_46 : vector<16xi32>
      %and3A_48 = arith.constant 15 : i32
      %and3A_49 = vector.broadcast %and3A_48 : i32 to vector<16xi32>
      %and3A_50 = arith.andi %add3A_47, %and3A_49 : vector<16xi32>
      %lt3A_51 = arith.constant 0 : i32
      %lt3A_52 = vector.broadcast %lt3A_51 : i32 to vector<16xi32>
      %lt3A_53 = arith.cmpi slt, %and3A_50, %lt3A_52 : vector<16xi32>
      %add3A_54 = arith.constant 16 : i32
      %add3A_55 = vector.broadcast %add3A_54 : i32 to vector<16xi32>
      %add3A_56 = arith.addi %and3A_50, %add3A_55 : vector<16xi32>
      %select_n3A_57 = arith.select %lt3A_53, %add3A_56, %and3A_50 : vector<16xi1>, vector<16xi32>
      %broadcast_in_dim3A_58 = vector.shape_cast %select_n3A_57 : vector<16xi32> to vector<16x1xi32>
      %gather3A_59 = vector.shape_cast %broadcast_in_dim3A_58 : vector<16x1xi32> to vector<16xi32>
      %gather3A_60 = tpu.dynamic_gather %min3A[%gather3A_59] in [0] : vector<16xi32>, vector<16xi32> -> vector<16xi32>
      %min3A_61 = arith.minsi %min3A, %gather3A_60 : vector<16xi32>
      %add3A_62 = arith.constant 2 : i32
      %add3A_63 = vector.broadcast %add3A_62 : i32 to vector<16xi32>
      %add3A_64 = arith.addi %iota3A, %add3A_63 : vector<16xi32>
      %and3A_65 = arith.constant 15 : i32
      %and3A_66 = vector.broadcast %and3A_65 : i32 to vector<16xi32>
      %and3A_67 = arith.andi %add3A_64, %and3A_66 : vector<16xi32>
      %lt3A_68 = arith.constant 0 : i32
      %lt3A_69 = vector.broadcast %lt3A_68 : i32 to vector<16xi32>
      %lt3A_70 = arith.cmpi slt, %and3A_67, %lt3A_69 : vector<16xi32>
      %add3A_71 = arith.constant 16 : i32
      %add3A_72 = vector.broadcast %add3A_71 : i32 to vector<16xi32>
      %add3A_73 = arith.addi %and3A_67, %add3A_72 : vector<16xi32>
      %select_n3A_74 = arith.select %lt3A_70, %add3A_73, %and3A_67 : vector<16xi1>, vector<16xi32>
      %broadcast_in_dim3A_75 = vector.shape_cast %select_n3A_74 : vector<16xi32> to vector<16x1xi32>
      %gather3A_76 = vector.shape_cast %broadcast_in_dim3A_75 : vector<16x1xi32> to vector<16xi32>
      %gather3A_77 = tpu.dynamic_gather %min3A_61[%gather3A_76] in [0] : vector<16xi32>, vector<16xi32> -> vector<16xi32>
      %min3A_78 = arith.minsi %min3A_61, %gather3A_77 : vector<16xi32>
      %add3A_79 = arith.constant 1 : i32
      %add3A_80 = vector.broadcast %add3A_79 : i32 to vector<16xi32>
      %add3A_81 = arith.addi %iota3A, %add3A_80 : vector<16xi32>
      %and3A_82 = arith.constant 15 : i32
      %and3A_83 = vector.broadcast %and3A_82 : i32 to vector<16xi32>
      %and3A_84 = arith.andi %add3A_81, %and3A_83 : vector<16xi32>
      %lt3A_85 = arith.constant 0 : i32
      %lt3A_86 = vector.broadcast %lt3A_85 : i32 to vector<16xi32>
      %lt3A_87 = arith.cmpi slt, %and3A_84, %lt3A_86 : vector<16xi32>
      %add3A_88 = arith.constant 16 : i32
      %add3A_89 = vector.broadcast %add3A_88 : i32 to vector<16xi32>
      %add3A_90 = arith.addi %and3A_84, %add3A_89 : vector<16xi32>
      %select_n3A_91 = arith.select %lt3A_87, %add3A_90, %and3A_84 : vector<16xi1>, vector<16xi32>
      %broadcast_in_dim3A_92 = vector.shape_cast %select_n3A_91 : vector<16xi32> to vector<16x1xi32>
      %gather3A_93 = vector.shape_cast %broadcast_in_dim3A_92 : vector<16x1xi32> to vector<16xi32>
      %gather3A_94 = tpu.dynamic_gather %min3A_78[%gather3A_93] in [0] : vector<16xi32>, vector<16xi32> -> vector<16xi32>
      %min3A_95 = arith.minsi %min3A_78, %gather3A_94 : vector<16xi32>
      %slice3A = vector.extract_strided_slice %min3A_95 {offsets = [0], sizes = [1], strides = [1]} : vector<16xi32> to vector<1xi32>
      %squeeze3A = vector.extract %slice3A[0] : i32 from vector<1xi32>
      %add3A_96 = arith.constant 8 : i32
      %add3A_97 = vector.broadcast %add3A_96 : i32 to vector<16xi32>
      %add3A_98 = arith.addi %iota3A, %add3A_97 : vector<16xi32>
      %and3A_99 = arith.constant 15 : i32
      %and3A_100 = vector.broadcast %and3A_99 : i32 to vector<16xi32>
      %and3A_101 = arith.andi %add3A_98, %and3A_100 : vector<16xi32>
      %lt3A_102 = arith.constant 0 : i32
      %lt3A_103 = vector.broadcast %lt3A_102 : i32 to vector<16xi32>
      %lt3A_104 = arith.cmpi slt, %and3A_101, %lt3A_103 : vector<16xi32>
      %add3A_105 = arith.constant 16 : i32
      %add3A_106 = vector.broadcast %add3A_105 : i32 to vector<16xi32>
      %add3A_107 = arith.addi %and3A_101, %add3A_106 : vector<16xi32>
      %select_n3A_108 = arith.select %lt3A_104, %add3A_107, %and3A_101 : vector<16xi1>, vector<16xi32>
      %broadcast_in_dim3A_109 = vector.shape_cast %select_n3A_108 : vector<16xi32> to vector<16x1xi32>
      %gather3A_110 = vector.shape_cast %broadcast_in_dim3A_109 : vector<16x1xi32> to vector<16xi32>
      %gather3A_111 = tpu.dynamic_gather %scan3A_31#1[%gather3A_110] in [0] : vector<16xi32>, vector<16xi32> -> vector<16xi32>
      %max3A = arith.maxsi %scan3A_31#1, %gather3A_111 : vector<16xi32>
      %add3A_112 = arith.constant 4 : i32
      %add3A_113 = vector.broadcast %add3A_112 : i32 to vector<16xi32>
      %add3A_114 = arith.addi %iota3A, %add3A_113 : vector<16xi32>
      %and3A_115 = arith.constant 15 : i32
      %and3A_116 = vector.broadcast %and3A_115 : i32 to vector<16xi32>
      %and3A_117 = arith.andi %add3A_114, %and3A_116 : vector<16xi32>
      %lt3A_118 = arith.constant 0 : i32
      %lt3A_119 = vector.broadcast %lt3A_118 : i32 to vector<16xi32>
      %lt3A_120 = arith.cmpi slt, %and3A_117, %lt3A_119 : vector<16xi32>
      %add3A_121 = arith.constant 16 : i32
      %add3A_122 = vector.broadcast %add3A_121 : i32 to vector<16xi32>
      %add3A_123 = arith.addi %and3A_117, %add3A_122 : vector<16xi32>
      %select_n3A_124 = arith.select %lt3A_120, %add3A_123, %and3A_117 : vector<16xi1>, vector<16xi32>
      %broadcast_in_dim3A_125 = vector.shape_cast %select_n3A_124 : vector<16xi32> to vector<16x1xi32>
      %gather3A_126 = vector.shape_cast %broadcast_in_dim3A_125 : vector<16x1xi32> to vector<16xi32>
      %gather3A_127 = tpu.dynamic_gather %max3A[%gather3A_126] in [0] : vector<16xi32>, vector<16xi32> -> vector<16xi32>
      %max3A_128 = arith.maxsi %max3A, %gather3A_127 : vector<16xi32>
      %add3A_129 = arith.constant 2 : i32
      %add3A_130 = vector.broadcast %add3A_129 : i32 to vector<16xi32>
      %add3A_131 = arith.addi %iota3A, %add3A_130 : vector<16xi32>
      %and3A_132 = arith.constant 15 : i32
      %and3A_133 = vector.broadcast %and3A_132 : i32 to vector<16xi32>
      %and3A_134 = arith.andi %add3A_131, %and3A_133 : vector<16xi32>
      %lt3A_135 = arith.constant 0 : i32
      %lt3A_136 = vector.broadcast %lt3A_135 : i32 to vector<16xi32>
      %lt3A_137 = arith.cmpi slt, %and3A_134, %lt3A_136 : vector<16xi32>
      %add3A_138 = arith.constant 16 : i32
      %add3A_139 = vector.broadcast %add3A_138 : i32 to vector<16xi32>
      %add3A_140 = arith.addi %and3A_134, %add3A_139 : vector<16xi32>
      %select_n3A_141 = arith.select %lt3A_137, %add3A_140, %and3A_134 : vector<16xi1>, vector<16xi32>
      %broadcast_in_dim3A_142 = vector.shape_cast %select_n3A_141 : vector<16xi32> to vector<16x1xi32>
      %gather3A_143 = vector.shape_cast %broadcast_in_dim3A_142 : vector<16x1xi32> to vector<16xi32>
      %gather3A_144 = tpu.dynamic_gather %max3A_128[%gather3A_143] in [0] : vector<16xi32>, vector<16xi32> -> vector<16xi32>
      %max3A_145 = arith.maxsi %max3A_128, %gather3A_144 : vector<16xi32>
      %add3A_146 = arith.constant 1 : i32
      %add3A_147 = vector.broadcast %add3A_146 : i32 to vector<16xi32>
      %add3A_148 = arith.addi %iota3A, %add3A_147 : vector<16xi32>
      %and3A_149 = arith.constant 15 : i32
      %and3A_150 = vector.broadcast %and3A_149 : i32 to vector<16xi32>
      %and3A_151 = arith.andi %add3A_148, %and3A_150 : vector<16xi32>
      %lt3A_152 = arith.constant 0 : i32
      %lt3A_153 = vector.broadcast %lt3A_152 : i32 to vector<16xi32>
      %lt3A_154 = arith.cmpi slt, %and3A_151, %lt3A_153 : vector<16xi32>
      %add3A_155 = arith.constant 16 : i32
      %add3A_156 = vector.broadcast %add3A_155 : i32 to vector<16xi32>
      %add3A_157 = arith.addi %and3A_151, %add3A_156 : vector<16xi32>
      %select_n3A_158 = arith.select %lt3A_154, %add3A_157, %and3A_151 : vector<16xi1>, vector<16xi32>
      %broadcast_in_dim3A_159 = vector.shape_cast %select_n3A_158 : vector<16xi32> to vector<16x1xi32>
      %gather3A_160 = vector.shape_cast %broadcast_in_dim3A_159 : vector<16x1xi32> to vector<16xi32>
      %gather3A_161 = tpu.dynamic_gather %max3A_145[%gather3A_160] in [0] : vector<16xi32>, vector<16xi32> -> vector<16xi32>
      %max3A_162 = arith.maxsi %max3A_145, %gather3A_161 : vector<16xi32>
      %slice3A_163 = vector.extract_strided_slice %max3A_162 {offsets = [0], sizes = [1], strides = [1]} : vector<16xi32> to vector<1xi32>
      %squeeze3A_164 = vector.extract %slice3A_163[0] : i32 from vector<1xi32>
      %scan3A_165 = arith.constant 0 : i32
      %scan3A_166 = arith.constant 31 : i32
      %scan3A_167 = arith.addi %scan3A_165, %scan3A_166 : i32
      %scan3A_168 = arith.constant 1 : i32
      %scan3A_169:2 = scf.for %scan3A_329 = %scan3A_165 to %scan3A_167 step %scan3A_168 iter_args(%scan3A_330 = %squeeze3A, %scan3A_331 = %squeeze3A_164) -> (i32, i32)  : i32 {
        %sub3A_332 = arith.subi %scan3A_331, %scan3A_330 : i32
        %add3A_333 = arith.constant 1 : i32
        %add3A_334 = arith.addi %sub3A_332, %add3A_333 : i32
        %shift_right_arithmetic3A = arith.constant 1 : i32
        %shift_right_arithmetic3A_335 = arith.shrsi %add3A_334, %shift_right_arithmetic3A : i32
        %add3A_336 = arith.addi %scan3A_330, %shift_right_arithmetic3A_335 : i32
        %swap3A_337 = arith.constant 0 : index
        %swap3A_338 = tpu.vector_load %arg7[%swap3A_337] {strides = array<i32>} : memref<16xi32, #tpu.memory_space<vmem>>, vector<16xi32>,
        %swap3A_339 = vector.shape_cast %swap3A_338 : vector<16xi32> to vector<16xi32>
        %swap3A_340 = vector.shape_cast %broadcast_in_dim3A_5 : vector<16xi32> to vector<16xi32>
        tpu.vector_store %arg7[%swap3A_337], %swap3A_340 {strides = array<i32>} : memref<16xi32, #tpu.memory_space<vmem>>, vector<16xi32>,
        %lt3A_341 = arith.cmpi slt, %scan3A_330, %scan3A_331 : i32
        %jit3A_342 = arith.constant 128 : i32
        %jit3A_343 = arith.constant 0 : i32
        %select_n3A_344 = arith.select %lt3A_341, %jit3A_342, %jit3A_343 : i32
        %while3A_345 = arith.constant 0 : i32
        %while3A_346 = arith.constant 0 : i32
        %while3A_347 = arith.subi %select_n3A_344, %while3A_345 : i32
        %while3A_348 = arith.addi %while3A_345, %while3A_347 : i32
        %while3A_349 = arith.constant 1 : i32
        %while3A_350 = arith.divsi %while3A_347, %while3A_349 : i32
        %while3A_351 = arith.muli %while3A_350, %while3A_349 : i32
        %while3A_352 = arith.addi %while3A_345, %while3A_351 : i32
        %while3A_353 = arith.constant 1 : i32
        %while3A_354 = scf.for %while3A_440 = %while3A_345 to %while3A_352 step %while3A_353 iter_args(%while3A_441 = %while3A_346) -> (i32)  : i32 {
          %mul3A_442 = arith.constant 16 : i32
          %mul3A_443 = arith.muli %while3A_440, %mul3A_442 : i32
          %get3A_444 = arith.index_cast %scan3A_23 : i32 to index
          %get3A_445 = arith.index_cast %mul3A_443 : i32 to index
          %get3A_446 = tpu.vector_load %arg5[%get3A_444, %get3A_445] {strides = array<i32>} : memref<16x2048xf32, #tpu.memory_space<vmem>>, vector<1x16xf32>,
          %get3A_447 = vector.shape_cast %get3A_446 : vector<1x16xf32> to vector<16xf32>
          %bitcast_convert_type3A = tpu.bitcast %get3A_447 : vector<16xf32> -> vector<16xi32>
          %get3A_448 = arith.constant 0 : index
          %get3A_449 = tpu.vector_load %arg7[%get3A_448] {strides = array<i32>} : memref<16xi32, #tpu.memory_space<vmem>>, vector<16xi32>,
          %get3A_450 = vector.shape_cast %get3A_449 : vector<16xi32> to vector<16xi32>
          %ge3A_451 = vector.broadcast %add3A_336 : i32 to vector<16xi32>
          %ge3A_452 = arith.cmpi sge, %bitcast_convert_type3A, %ge3A_451 : vector<16xi32>
          %select_n3A_453 = arith.select %ge3A_452, %broadcast_in_dim3A_3, %broadcast_in_dim3A_5 : vector<16xi1>, vector<16xi32>
          %add3A_454 = arith.addi %get3A_450, %select_n3A_453 : vector<16xi32>
          %swap3A_455 = arith.constant 0 : index
          %swap3A_456 = tpu.vector_load %arg7[%swap3A_455] {strides = array<i32>} : memref<16xi32, #tpu.memory_space<vmem>>, vector<16xi32>,
          %swap3A_457 = vector.shape_cast %swap3A_456 : vector<16xi32> to vector<16xi32>
          %swap3A_458 = vector.shape_cast %add3A_454 : vector<16xi32> to vector<16xi32>
          tpu.vector_store %arg7[%swap3A_455], %swap3A_458 {strides = array<i32>} : memref<16xi32, #tpu.memory_space<vmem>>, vector<16xi32>,
          %while3A_459 = arith.constant 0 : i32
          scf.yield %while3A_459 : i32
        }
        %while3A_355 = arith.constant 1 : i32
        %while3A_356 = scf.for %while3A_440 = %while3A_352 to %while3A_348 step %while3A_355 iter_args(%while3A_441 = %while3A_354) -> (i32)  : i32 {
          %mul3A_442 = arith.constant 16 : i32
          %mul3A_443 = arith.muli %while3A_440, %mul3A_442 : i32
          %get3A_444 = arith.index_cast %scan3A_23 : i32 to index
          %get3A_445 = arith.index_cast %mul3A_443 : i32 to index
          %get3A_446 = tpu.vector_load %arg5[%get3A_444, %get3A_445] {strides = array<i32>} : memref<16x2048xf32, #tpu.memory_space<vmem>>, vector<1x16xf32>,
          %get3A_447 = vector.shape_cast %get3A_446 : vector<1x16xf32> to vector<16xf32>
          %bitcast_convert_type3A = tpu.bitcast %get3A_447 : vector<16xf32> -> vector<16xi32>
          %get3A_448 = arith.constant 0 : index
          %get3A_449 = tpu.vector_load %arg7[%get3A_448] {strides = array<i32>} : memref<16xi32, #tpu.memory_space<vmem>>, vector<16xi32>,
          %get3A_450 = vector.shape_cast %get3A_449 : vector<16xi32> to vector<16xi32>
          %ge3A_451 = vector.broadcast %add3A_336 : i32 to vector<16xi32>
          %ge3A_452 = arith.cmpi sge, %bitcast_convert_type3A, %ge3A_451 : vector<16xi32>
          %select_n3A_453 = arith.select %ge3A_452, %broadcast_in_dim3A_3, %broadcast_in_dim3A_5 : vector<16xi1>, vector<16xi32>
          %add3A_454 = arith.addi %get3A_450, %select_n3A_453 : vector<16xi32>
          %swap3A_455 = arith.constant 0 : index
          %swap3A_456 = tpu.vector_load %arg7[%swap3A_455] {strides = array<i32>} : memref<16xi32, #tpu.memory_space<vmem>>, vector<16xi32>,
          %swap3A_457 = vector.shape_cast %swap3A_456 : vector<16xi32> to vector<16xi32>
          %swap3A_458 = vector.shape_cast %add3A_454 : vector<16xi32> to vector<16xi32>
          tpu.vector_store %arg7[%swap3A_455], %swap3A_458 {strides = array<i32>} : memref<16xi32, #tpu.memory_space<vmem>>, vector<16xi32>,
          %while3A_459 = arith.constant 0 : i32
          scf.yield %while3A_459 : i32
        }
        %get3A_357 = arith.constant 0 : index
        %get3A_358 = tpu.vector_load %arg7[%get3A_357] {strides = array<i32>} : memref<16xi32, #tpu.memory_space<vmem>>, vector<16xi32>,
        %get3A_359 = vector.shape_cast %get3A_358 : vector<16xi32> to vector<16xi32>
        %add3A_360 = arith.constant 8 : i32
        %add3A_361 = vector.broadcast %add3A_360 : i32 to vector<16xi32>
        %add3A_362 = arith.addi %iota3A, %add3A_361 : vector<16xi32>
        %and3A_363 = arith.constant 15 : i32
        %and3A_364 = vector.broadcast %and3A_363 : i32 to vector<16xi32>
        %and3A_365 = arith.andi %add3A_362, %and3A_364 : vector<16xi32>
        %lt3A_366 = arith.constant 0 : i32
        %lt3A_367 = vector.broadcast %lt3A_366 : i32 to vector<16xi32>
        %lt3A_368 = arith.cmpi slt, %and3A_365, %lt3A_367 : vector<16xi32>
        %add3A_369 = arith.constant 16 : i32
        %add3A_370 = vector.broadcast %add3A_369 : i32 to vector<16xi32>
        %add3A_371 = arith.addi %and3A_365, %add3A_370 : vector<16xi32>
        %select_n3A_372 = arith.select %lt3A_368, %add3A_371, %and3A_365 : vector<16xi1>, vector<16xi32>
        %broadcast_in_dim3A_373 = vector.shape_cast %select_n3A_372 : vector<16xi32> to vector<16x1xi32>
        %gather3A_374 = vector.shape_cast %broadcast_in_dim3A_373 : vector<16x1xi32> to vector<16xi32>
        %gather3A_375 = tpu.dynamic_gather %get3A_359[%gather3A_374] in [0] : vector<16xi32>, vector<16xi32> -> vector<16xi32>
        %add3A_376 = arith.addi %get3A_359, %gather3A_375 : vector<16xi32>
        %add3A_377 = arith.constant 4 : i32
        %add3A_378 = vector.broadcast %add3A_377 : i32 to vector<16xi32>
        %add3A_379 = arith.addi %iota3A, %add3A_378 : vector<16xi32>
        %and3A_380 = arith.constant 15 : i32
        %and3A_381 = vector.broadcast %and3A_380 : i32 to vector<16xi32>
        %and3A_382 = arith.andi %add3A_379, %and3A_381 : vector<16xi32>
        %lt3A_383 = arith.constant 0 : i32
        %lt3A_384 = vector.broadcast %lt3A_383 : i32 to vector<16xi32>
        %lt3A_385 = arith.cmpi slt, %and3A_382, %lt3A_384 : vector<16xi32>
        %add3A_386 = arith.constant 16 : i32
        %add3A_387 = vector.broadcast %add3A_386 : i32 to vector<16xi32>
        %add3A_388 = arith.addi %and3A_382, %add3A_387 : vector<16xi32>
        %select_n3A_389 = arith.select %lt3A_385, %add3A_388, %and3A_382 : vector<16xi1>, vector<16xi32>
        %broadcast_in_dim3A_390 = vector.shape_cast %select_n3A_389 : vector<16xi32> to vector<16x1xi32>
        %gather3A_391 = vector.shape_cast %broadcast_in_dim3A_390 : vector<16x1xi32> to vector<16xi32>
        %gather3A_392 = tpu.dynamic_gather %add3A_376[%gather3A_391] in [0] : vector<16xi32>, vector<16xi32> -> vector<16xi32>
        %add3A_393 = arith.addi %add3A_376, %gather3A_392 : vector<16xi32>
        %add3A_394 = arith.constant 2 : i32
        %add3A_395 = vector.broadcast %add3A_394 : i32 to vector<16xi32>
        %add3A_396 = arith.addi %iota3A, %add3A_395 : vector<16xi32>
        %and3A_397 = arith.constant 15 : i32
        %and3A_398 = vector.broadcast %and3A_397 : i32 to vector<16xi32>
        %and3A_399 = arith.andi %add3A_396, %and3A_398 : vector<16xi32>
        %lt3A_400 = arith.constant 0 : i32
        %lt3A_401 = vector.broadcast %lt3A_400 : i32 to vector<16xi32>
        %lt3A_402 = arith.cmpi slt, %and3A_399, %lt3A_401 : vector<16xi32>
        %add3A_403 = arith.constant 16 : i32
        %add3A_404 = vector.broadcast %add3A_403 : i32 to vector<16xi32>
        %add3A_405 = arith.addi %and3A_399, %add3A_404 : vector<16xi32>
        %select_n3A_406 = arith.select %lt3A_402, %add3A_405, %and3A_399 : vector<16xi1>, vector<16xi32>
        %broadcast_in_dim3A_407 = vector.shape_cast %select_n3A_406 : vector<16xi32> to vector<16x1xi32>
        %gather3A_408 = vector.shape_cast %broadcast_in_dim3A_407 : vector<16x1xi32> to vector<16xi32>
        %gather3A_409 = tpu.dynamic_gather %add3A_393[%gather3A_408] in [0] : vector<16xi32>, vector<16xi32> -> vector<16xi32>
        %add3A_410 = arith.addi %add3A_393, %gather3A_409 : vector<16xi32>
        %add3A_411 = arith.constant 1 : i32
        %add3A_412 = vector.broadcast %add3A_411 : i32 to vector<16xi32>
        %add3A_413 = arith.addi %iota3A, %add3A_412 : vector<16xi32>
        %and3A_414 = arith.constant 15 : i32
        %and3A_415 = vector.broadcast %and3A_414 : i32 to vector<16xi32>
        %and3A_416 = arith.andi %add3A_413, %and3A_415 : vector<16xi32>
        %lt3A_417 = arith.constant 0 : i32
        %lt3A_418 = vector.broadcast %lt3A_417 : i32 to vector<16xi32>
        %lt3A_419 = arith.cmpi slt, %and3A_416, %lt3A_418 : vector<16xi32>
        %add3A_420 = arith.constant 16 : i32
        %add3A_421 = vector.broadcast %add3A_420 : i32 to vector<16xi32>
        %add3A_422 = arith.addi %and3A_416, %add3A_421 : vector<16xi32>
        %select_n3A_423 = arith.select %lt3A_419, %add3A_422, %and3A_416 : vector<16xi1>, vector<16xi32>
        %broadcast_in_dim3A_424 = vector.shape_cast %select_n3A_423 : vector<16xi32> to vector<16x1xi32>
        %gather3A_425 = vector.shape_cast %broadcast_in_dim3A_424 : vector<16x1xi32> to vector<16xi32>
        %gather3A_426 = tpu.dynamic_gather %add3A_410[%gather3A_425] in [0] : vector<16xi32>, vector<16xi32> -> vector<16xi32>
        %add3A_427 = arith.addi %add3A_410, %gather3A_426 : vector<16xi32>
        %slice3A_428 = vector.extract_strided_slice %add3A_427 {offsets = [0], sizes = [1], strides = [1]} : vector<16xi32> to vector<1xi32>
        %squeeze3A_429 = vector.extract %slice3A_428[0] : i32 from vector<1xi32>
        %ge3A = arith.constant 409 : i32
        %ge3A_430 = arith.cmpi sge, %squeeze3A_429, %ge3A : i32
        %lt3A_431 = arith.cmpi slt, %scan3A_330, %scan3A_331 : i32
        %and3A_432 = arith.andi %lt3A_431, %ge3A_430 : i1
        %select_n3A_433 = arith.select %and3A_432, %add3A_336, %scan3A_330 : i32
        %lt3A_434 = arith.cmpi slt, %scan3A_330, %scan3A_331 : i32
        %not3A = arith.constant true
        %not3A_435 = arith.xori %ge3A_430, %not3A : i1
        %and3A_436 = arith.andi %lt3A_434, %not3A_435 : i1
        %sub3A_437 = arith.constant 1 : i32
        %sub3A_438 = arith.subi %add3A_336, %sub3A_437 : i32
        %select_n3A_439 = arith.select %and3A_436, %sub3A_438, %scan3A_331 : i32
        scf.yield %select_n3A_433, %select_n3A_439 : i32, i32
      }
      %scan3A_170 = arith.constant 31 : i32
      %eq3A = arith.cmpi eq, %squeeze3A, %squeeze3A_164 : i32
      %jit3A = arith.constant 0 : i32
      %jit3A_171 = arith.constant 128 : i32
      %select_n3A_172 = arith.select %eq3A, %jit3A, %jit3A_171 : i32
      %jit3A_173 = arith.constant 128 : i32
      %jit3A_174 = arith.constant 0 : i32
      %select_n3A_175 = arith.select %eq3A, %jit3A_173, %jit3A_174 : i32
      %swap3A = arith.constant 0 : index
      %swap3A_176 = tpu.vector_load %arg7[%swap3A] {strides = array<i32>} : memref<16xi32, #tpu.memory_space<vmem>>, vector<16xi32>,
      %swap3A_177 = vector.shape_cast %swap3A_176 : vector<16xi32> to vector<16xi32>
      %swap3A_178 = vector.shape_cast %broadcast_in_dim3A_5 : vector<16xi32> to vector<16xi32>
      tpu.vector_store %arg7[%swap3A], %swap3A_178 {strides = array<i32>} : memref<16xi32, #tpu.memory_space<vmem>>, vector<16xi32>,
      %while3A = arith.constant 0 : i32
      %while3A_179 = arith.constant 0 : i32
      %while3A_180 = arith.subi %select_n3A_172, %while3A : i32
      %while3A_181 = arith.addi %while3A, %while3A_180 : i32
      %while3A_182 = arith.constant 1 : i32
      %while3A_183 = arith.divsi %while3A_180, %while3A_182 : i32
      %while3A_184 = arith.muli %while3A_183, %while3A_182 : i32
      %while3A_185 = arith.addi %while3A, %while3A_184 : i32
      %while3A_186 = arith.constant 1 : i32
      %while3A_187 = scf.for %while3A_329 = %while3A to %while3A_185 step %while3A_186 iter_args(%while3A_330 = %while3A_179) -> (i32)  : i32 {
        %mul3A_331 = arith.constant 16 : i32
        %mul3A_332 = arith.muli %while3A_329, %mul3A_331 : i32
        %get3A_333 = arith.index_cast %scan3A_23 : i32 to index
        %get3A_334 = arith.index_cast %mul3A_332 : i32 to index
        %get3A_335 = tpu.vector_load %arg5[%get3A_333, %get3A_334] {strides = array<i32>} : memref<16x2048xf32, #tpu.memory_space<vmem>>, vector<1x16xf32>,
        %get3A_336 = vector.shape_cast %get3A_335 : vector<1x16xf32> to vector<16xf32>
        %bitcast_convert_type3A = tpu.bitcast %get3A_336 : vector<16xf32> -> vector<16xi32>
        %get3A_337 = arith.constant 0 : index
        %get3A_338 = tpu.vector_load %arg7[%get3A_337] {strides = array<i32>} : memref<16xi32, #tpu.memory_space<vmem>>, vector<16xi32>,
        %get3A_339 = vector.shape_cast %get3A_338 : vector<16xi32> to vector<16xi32>
        %gt3A = vector.broadcast %scan3A_169#0 : i32 to vector<16xi32>
        %gt3A_340 = arith.cmpi sgt, %bitcast_convert_type3A, %gt3A : vector<16xi32>
        %select_n3A_341 = arith.select %gt3A_340, %broadcast_in_dim3A_3, %broadcast_in_dim3A_5 : vector<16xi1>, vector<16xi32>
        %add3A_342 = arith.addi %get3A_339, %select_n3A_341 : vector<16xi32>
        %swap3A_343 = arith.constant 0 : index
        %swap3A_344 = tpu.vector_load %arg7[%swap3A_343] {strides = array<i32>} : memref<16xi32, #tpu.memory_space<vmem>>, vector<16xi32>,
        %swap3A_345 = vector.shape_cast %swap3A_344 : vector<16xi32> to vector<16xi32>
        %swap3A_346 = vector.shape_cast %add3A_342 : vector<16xi32> to vector<16xi32>
        tpu.vector_store %arg7[%swap3A_343], %swap3A_346 {strides = array<i32>} : memref<16xi32, #tpu.memory_space<vmem>>, vector<16xi32>,
        %while3A_347 = arith.constant 0 : i32
        scf.yield %while3A_347 : i32
      }
      %while3A_188 = arith.constant 1 : i32
      %while3A_189 = scf.for %while3A_329 = %while3A_185 to %while3A_181 step %while3A_188 iter_args(%while3A_330 = %while3A_187) -> (i32)  : i32 {
        %mul3A_331 = arith.constant 16 : i32
        %mul3A_332 = arith.muli %while3A_329, %mul3A_331 : i32
        %get3A_333 = arith.index_cast %scan3A_23 : i32 to index
        %get3A_334 = arith.index_cast %mul3A_332 : i32 to index
        %get3A_335 = tpu.vector_load %arg5[%get3A_333, %get3A_334] {strides = array<i32>} : memref<16x2048xf32, #tpu.memory_space<vmem>>, vector<1x16xf32>,
        %get3A_336 = vector.shape_cast %get3A_335 : vector<1x16xf32> to vector<16xf32>
        %bitcast_convert_type3A = tpu.bitcast %get3A_336 : vector<16xf32> -> vector<16xi32>
        %get3A_337 = arith.constant 0 : index
        %get3A_338 = tpu.vector_load %arg7[%get3A_337] {strides = array<i32>} : memref<16xi32, #tpu.memory_space<vmem>>, vector<16xi32>,
        %get3A_339 = vector.shape_cast %get3A_338 : vector<16xi32> to vector<16xi32>
        %gt3A = vector.broadcast %scan3A_169#0 : i32 to vector<16xi32>
        %gt3A_340 = arith.cmpi sgt, %bitcast_convert_type3A, %gt3A : vector<16xi32>
        %select_n3A_341 = arith.select %gt3A_340, %broadcast_in_dim3A_3, %broadcast_in_dim3A_5 : vector<16xi1>, vector<16xi32>
        %add3A_342 = arith.addi %get3A_339, %select_n3A_341 : vector<16xi32>
        %swap3A_343 = arith.constant 0 : index
        %swap3A_344 = tpu.vector_load %arg7[%swap3A_343] {strides = array<i32>} : memref<16xi32, #tpu.memory_space<vmem>>, vector<16xi32>,
        %swap3A_345 = vector.shape_cast %swap3A_344 : vector<16xi32> to vector<16xi32>
        %swap3A_346 = vector.shape_cast %add3A_342 : vector<16xi32> to vector<16xi32>
        tpu.vector_store %arg7[%swap3A_343], %swap3A_346 {strides = array<i32>} : memref<16xi32, #tpu.memory_space<vmem>>, vector<16xi32>,
        %while3A_347 = arith.constant 0 : i32
        scf.yield %while3A_347 : i32
      }
      %get3A = arith.constant 0 : index
      %get3A_190 = tpu.vector_load %arg7[%get3A] {strides = array<i32>} : memref<16xi32, #tpu.memory_space<vmem>>, vector<16xi32>,
      %get3A_191 = vector.shape_cast %get3A_190 : vector<16xi32> to vector<16xi32>
      %add3A_192 = arith.constant 8 : i32
      %add3A_193 = vector.broadcast %add3A_192 : i32 to vector<16xi32>
      %add3A_194 = arith.addi %iota3A, %add3A_193 : vector<16xi32>
      %and3A_195 = arith.constant 15 : i32
      %and3A_196 = vector.broadcast %and3A_195 : i32 to vector<16xi32>
      %and3A_197 = arith.andi %add3A_194, %and3A_196 : vector<16xi32>
      %lt3A_198 = arith.constant 0 : i32
      %lt3A_199 = vector.broadcast %lt3A_198 : i32 to vector<16xi32>
      %lt3A_200 = arith.cmpi slt, %and3A_197, %lt3A_199 : vector<16xi32>
      %add3A_201 = arith.constant 16 : i32
      %add3A_202 = vector.broadcast %add3A_201 : i32 to vector<16xi32>
      %add3A_203 = arith.addi %and3A_197, %add3A_202 : vector<16xi32>
      %select_n3A_204 = arith.select %lt3A_200, %add3A_203, %and3A_197 : vector<16xi1>, vector<16xi32>
      %broadcast_in_dim3A_205 = vector.shape_cast %select_n3A_204 : vector<16xi32> to vector<16x1xi32>
      %gather3A_206 = vector.shape_cast %broadcast_in_dim3A_205 : vector<16x1xi32> to vector<16xi32>
      %gather3A_207 = tpu.dynamic_gather %get3A_191[%gather3A_206] in [0] : vector<16xi32>, vector<16xi32> -> vector<16xi32>
      %add3A_208 = arith.addi %get3A_191, %gather3A_207 : vector<16xi32>
      %add3A_209 = arith.constant 4 : i32
      %add3A_210 = vector.broadcast %add3A_209 : i32 to vector<16xi32>
      %add3A_211 = arith.addi %iota3A, %add3A_210 : vector<16xi32>
      %and3A_212 = arith.constant 15 : i32
      %and3A_213 = vector.broadcast %and3A_212 : i32 to vector<16xi32>
      %and3A_214 = arith.andi %add3A_211, %and3A_213 : vector<16xi32>
      %lt3A_215 = arith.constant 0 : i32
      %lt3A_216 = vector.broadcast %lt3A_215 : i32 to vector<16xi32>
      %lt3A_217 = arith.cmpi slt, %and3A_214, %lt3A_216 : vector<16xi32>
      %add3A_218 = arith.constant 16 : i32
      %add3A_219 = vector.broadcast %add3A_218 : i32 to vector<16xi32>
      %add3A_220 = arith.addi %and3A_214, %add3A_219 : vector<16xi32>
      %select_n3A_221 = arith.select %lt3A_217, %add3A_220, %and3A_214 : vector<16xi1>, vector<16xi32>
      %broadcast_in_dim3A_222 = vector.shape_cast %select_n3A_221 : vector<16xi32> to vector<16x1xi32>
      %gather3A_223 = vector.shape_cast %broadcast_in_dim3A_222 : vector<16x1xi32> to vector<16xi32>
      %gather3A_224 = tpu.dynamic_gather %add3A_208[%gather3A_223] in [0] : vector<16xi32>, vector<16xi32> -> vector<16xi32>
      %add3A_225 = arith.addi %add3A_208, %gather3A_224 : vector<16xi32>
      %add3A_226 = arith.constant 2 : i32
      %add3A_227 = vector.broadcast %add3A_226 : i32 to vector<16xi32>
      %add3A_228 = arith.addi %iota3A, %add3A_227 : vector<16xi32>
      %and3A_229 = arith.constant 15 : i32
      %and3A_230 = vector.broadcast %and3A_229 : i32 to vector<16xi32>
      %and3A_231 = arith.andi %add3A_228, %and3A_230 : vector<16xi32>
      %lt3A_232 = arith.constant 0 : i32
      %lt3A_233 = vector.broadcast %lt3A_232 : i32 to vector<16xi32>
      %lt3A_234 = arith.cmpi slt, %and3A_231, %lt3A_233 : vector<16xi32>
      %add3A_235 = arith.constant 16 : i32
      %add3A_236 = vector.broadcast %add3A_235 : i32 to vector<16xi32>
      %add3A_237 = arith.addi %and3A_231, %add3A_236 : vector<16xi32>
      %select_n3A_238 = arith.select %lt3A_234, %add3A_237, %and3A_231 : vector<16xi1>, vector<16xi32>
      %broadcast_in_dim3A_239 = vector.shape_cast %select_n3A_238 : vector<16xi32> to vector<16x1xi32>
      %gather3A_240 = vector.shape_cast %broadcast_in_dim3A_239 : vector<16x1xi32> to vector<16xi32>
      %gather3A_241 = tpu.dynamic_gather %add3A_225[%gather3A_240] in [0] : vector<16xi32>, vector<16xi32> -> vector<16xi32>
      %add3A_242 = arith.addi %add3A_225, %gather3A_241 : vector<16xi32>
      %add3A_243 = arith.constant 1 : i32
      %add3A_244 = vector.broadcast %add3A_243 : i32 to vector<16xi32>
      %add3A_245 = arith.addi %iota3A, %add3A_244 : vector<16xi32>
      %and3A_246 = arith.constant 15 : i32
      %and3A_247 = vector.broadcast %and3A_246 : i32 to vector<16xi32>
      %and3A_248 = arith.andi %add3A_245, %and3A_247 : vector<16xi32>
      %lt3A_249 = arith.constant 0 : i32
      %lt3A_250 = vector.broadcast %lt3A_249 : i32 to vector<16xi32>
      %lt3A_251 = arith.cmpi slt, %and3A_248, %lt3A_250 : vector<16xi32>
      %add3A_252 = arith.constant 16 : i32
      %add3A_253 = vector.broadcast %add3A_252 : i32 to vector<16xi32>
      %add3A_254 = arith.addi %and3A_248, %add3A_253 : vector<16xi32>
      %select_n3A_255 = arith.select %lt3A_251, %add3A_254, %and3A_248 : vector<16xi1>, vector<16xi32>
      %broadcast_in_dim3A_256 = vector.shape_cast %select_n3A_255 : vector<16xi32> to vector<16x1xi32>
      %gather3A_257 = vector.shape_cast %broadcast_in_dim3A_256 : vector<16x1xi32> to vector<16xi32>
      %gather3A_258 = tpu.dynamic_gather %add3A_242[%gather3A_257] in [0] : vector<16xi32>, vector<16xi32> -> vector<16xi32>
      %add3A_259 = arith.addi %add3A_242, %gather3A_258 : vector<16xi32>
      %slice3A_260 = vector.extract_strided_slice %add3A_259 {offsets = [0], sizes = [1], strides = [1]} : vector<16xi32> to vector<1xi32>
      %squeeze3A_261 = vector.extract %slice3A_260[0] : i32 from vector<1xi32>
      %sub3A = arith.constant 409 : i32
      %sub3A_262 = arith.subi %sub3A, %squeeze3A_261 : i32
      %swap3A_263 = arith.constant 0 : index
      %swap3A_264 = tpu.vector_load %arg8[%swap3A_263] {strides = array<i32>} : memref<16xi32, #tpu.memory_space<vmem>>, vector<16xi32>,
      %swap3A_265 = vector.shape_cast %swap3A_264 : vector<16xi32> to vector<16xi32>
      %swap3A_266 = vector.shape_cast %broadcast_in_dim3A_5 : vector<16xi32> to vector<16xi32>
      tpu.vector_store %arg8[%swap3A_263], %swap3A_266 {strides = array<i32>} : memref<16xi32, #tpu.memory_space<vmem>>, vector<16xi32>,
      %while3A_267 = arith.constant 0 : i32
      %while3A_268 = arith.constant 0 : i32
      %while3A_269 = arith.subi %select_n3A_172, %while3A_267 : i32
      %while3A_270 = arith.addi %while3A_267, %while3A_269 : i32
      %while3A_271 = arith.constant 1 : i32
      %while3A_272 = arith.divsi %while3A_269, %while3A_271 : i32
      %while3A_273 = arith.muli %while3A_272, %while3A_271 : i32
      %while3A_274 = arith.addi %while3A_267, %while3A_273 : i32
      %while3A_275 = arith.constant 1 : i32
      %while3A_276 = scf.for %while3A_329 = %while3A_267 to %while3A_274 step %while3A_275 iter_args(%while3A_330 = %while3A_268) -> (i32)  : i32 {
        %mul3A_331 = arith.constant 16 : i32
        %mul3A_332 = arith.muli %while3A_329, %mul3A_331 : i32
        %get3A_333 = arith.index_cast %scan3A_23 : i32 to index
        %get3A_334 = arith.index_cast %mul3A_332 : i32 to index
        %get3A_335 = tpu.vector_load %arg5[%get3A_333, %get3A_334] {strides = array<i32>} : memref<16x2048xf32, #tpu.memory_space<vmem>>, vector<1x16xf32>,
        %get3A_336 = vector.shape_cast %get3A_335 : vector<1x16xf32> to vector<16xf32>
        %bitcast_convert_type3A = tpu.bitcast %get3A_336 : vector<16xf32> -> vector<16xi32>
        %eq3A_337 = vector.broadcast %scan3A_169#0 : i32 to vector<16xi32>
        %eq3A_338 = arith.cmpi eq, %bitcast_convert_type3A, %eq3A_337 : vector<16xi32>
        %select_n3A_339 = arith.select %eq3A_338, %broadcast_in_dim3A_3, %broadcast_in_dim3A_5 : vector<16xi1>, vector<16xi32>
        %sub3A_340 = arith.constant 1 : i32
        %sub3A_341 = vector.broadcast %sub3A_340 : i32 to vector<16xi32>
        %sub3A_342 = arith.subi %iota3A, %sub3A_341 : vector<16xi32>
        %and3A_343 = arith.constant 15 : i32
        %and3A_344 = vector.broadcast %and3A_343 : i32 to vector<16xi32>
        %and3A_345 = arith.andi %sub3A_342, %and3A_344 : vector<16xi32>
        %lt3A_346 = arith.constant 0 : i32
        %lt3A_347 = vector.broadcast %lt3A_346 : i32 to vector<16xi32>
        %lt3A_348 = arith.cmpi slt, %and3A_345, %lt3A_347 : vector<16xi32>
        %add3A_349 = arith.constant 16 : i32
        %add3A_350 = vector.broadcast %add3A_349 : i32 to vector<16xi32>
        %add3A_351 = arith.addi %and3A_345, %add3A_350 : vector<16xi32>
        %select_n3A_352 = arith.select %lt3A_348, %add3A_351, %and3A_345 : vector<16xi1>, vector<16xi32>
        %broadcast_in_dim3A_353 = vector.shape_cast %select_n3A_352 : vector<16xi32> to vector<16x1xi32>
        %gather3A_354 = vector.shape_cast %broadcast_in_dim3A_353 : vector<16x1xi32> to vector<16xi32>
        %gather3A_355 = tpu.dynamic_gather %select_n3A_339[%gather3A_354] in [0] : vector<16xi32>, vector<16xi32> -> vector<16xi32>
        %ge3A = arith.constant 1 : i32
        %ge3A_356 = vector.broadcast %ge3A : i32 to vector<16xi32>
        %ge3A_357 = arith.cmpi sge, %iota3A, %ge3A_356 : vector<16xi32>
        %select_n3A_358 = arith.select %ge3A_357, %gather3A_355, %broadcast_in_dim3A_5 : vector<16xi1>, vector<16xi32>
        %add3A_359 = arith.addi %select_n3A_339, %select_n3A_358 : vector<16xi32>
        %sub3A_360 = arith.constant 2 : i32
        %sub3A_361 = vector.broadcast %sub3A_360 : i32 to vector<16xi32>
        %sub3A_362 = arith.subi %iota3A, %sub3A_361 : vector<16xi32>
        %and3A_363 = arith.constant 15 : i32
        %and3A_364 = vector.broadcast %and3A_363 : i32 to vector<16xi32>
        %and3A_365 = arith.andi %sub3A_362, %and3A_364 : vector<16xi32>
        %lt3A_366 = arith.constant 0 : i32
        %lt3A_367 = vector.broadcast %lt3A_366 : i32 to vector<16xi32>
        %lt3A_368 = arith.cmpi slt, %and3A_365, %lt3A_367 : vector<16xi32>
        %add3A_369 = arith.constant 16 : i32
        %add3A_370 = vector.broadcast %add3A_369 : i32 to vector<16xi32>
        %add3A_371 = arith.addi %and3A_365, %add3A_370 : vector<16xi32>
        %select_n3A_372 = arith.select %lt3A_368, %add3A_371, %and3A_365 : vector<16xi1>, vector<16xi32>
        %broadcast_in_dim3A_373 = vector.shape_cast %select_n3A_372 : vector<16xi32> to vector<16x1xi32>
        %gather3A_374 = vector.shape_cast %broadcast_in_dim3A_373 : vector<16x1xi32> to vector<16xi32>
        %gather3A_375 = tpu.dynamic_gather %add3A_359[%gather3A_374] in [0] : vector<16xi32>, vector<16xi32> -> vector<16xi32>
        %ge3A_376 = arith.constant 2 : i32
        %ge3A_377 = vector.broadcast %ge3A_376 : i32 to vector<16xi32>
        %ge3A_378 = arith.cmpi sge, %iota3A, %ge3A_377 : vector<16xi32>
        %select_n3A_379 = arith.select %ge3A_378, %gather3A_375, %broadcast_in_dim3A_5 : vector<16xi1>, vector<16xi32>
        %add3A_380 = arith.addi %add3A_359, %select_n3A_379 : vector<16xi32>
        %sub3A_381 = arith.constant 4 : i32
        %sub3A_382 = vector.broadcast %sub3A_381 : i32 to vector<16xi32>
        %sub3A_383 = arith.subi %iota3A, %sub3A_382 : vector<16xi32>
        %and3A_384 = arith.constant 15 : i32
        %and3A_385 = vector.broadcast %and3A_384 : i32 to vector<16xi32>
        %and3A_386 = arith.andi %sub3A_383, %and3A_385 : vector<16xi32>
        %lt3A_387 = arith.constant 0 : i32
        %lt3A_388 = vector.broadcast %lt3A_387 : i32 to vector<16xi32>
        %lt3A_389 = arith.cmpi slt, %and3A_386, %lt3A_388 : vector<16xi32>
        %add3A_390 = arith.constant 16 : i32
        %add3A_391 = vector.broadcast %add3A_390 : i32 to vector<16xi32>
        %add3A_392 = arith.addi %and3A_386, %add3A_391 : vector<16xi32>
        %select_n3A_393 = arith.select %lt3A_389, %add3A_392, %and3A_386 : vector<16xi1>, vector<16xi32>
        %broadcast_in_dim3A_394 = vector.shape_cast %select_n3A_393 : vector<16xi32> to vector<16x1xi32>
        %gather3A_395 = vector.shape_cast %broadcast_in_dim3A_394 : vector<16x1xi32> to vector<16xi32>
        %gather3A_396 = tpu.dynamic_gather %add3A_380[%gather3A_395] in [0] : vector<16xi32>, vector<16xi32> -> vector<16xi32>
        %ge3A_397 = arith.constant 4 : i32
        %ge3A_398 = vector.broadcast %ge3A_397 : i32 to vector<16xi32>
        %ge3A_399 = arith.cmpi sge, %iota3A, %ge3A_398 : vector<16xi32>
        %select_n3A_400 = arith.select %ge3A_399, %gather3A_396, %broadcast_in_dim3A_5 : vector<16xi1>, vector<16xi32>
        %add3A_401 = arith.addi %add3A_380, %select_n3A_400 : vector<16xi32>
        %sub3A_402 = arith.constant 8 : i32
        %sub3A_403 = vector.broadcast %sub3A_402 : i32 to vector<16xi32>
        %sub3A_404 = arith.subi %iota3A, %sub3A_403 : vector<16xi32>
        %and3A_405 = arith.constant 15 : i32
        %and3A_406 = vector.broadcast %and3A_405 : i32 to vector<16xi32>
        %and3A_407 = arith.andi %sub3A_404, %and3A_406 : vector<16xi32>
        %lt3A_408 = arith.constant 0 : i32
        %lt3A_409 = vector.broadcast %lt3A_408 : i32 to vector<16xi32>
        %lt3A_410 = arith.cmpi slt, %and3A_407, %lt3A_409 : vector<16xi32>
        %add3A_411 = arith.constant 16 : i32
        %add3A_412 = vector.broadcast %add3A_411 : i32 to vector<16xi32>
        %add3A_413 = arith.addi %and3A_407, %add3A_412 : vector<16xi32>
        %select_n3A_414 = arith.select %lt3A_410, %add3A_413, %and3A_407 : vector<16xi1>, vector<16xi32>
        %broadcast_in_dim3A_415 = vector.shape_cast %select_n3A_414 : vector<16xi32> to vector<16x1xi32>
        %gather3A_416 = vector.shape_cast %broadcast_in_dim3A_415 : vector<16x1xi32> to vector<16xi32>
        %gather3A_417 = tpu.dynamic_gather %add3A_401[%gather3A_416] in [0] : vector<16xi32>, vector<16xi32> -> vector<16xi32>
        %ge3A_418 = arith.constant 8 : i32
        %ge3A_419 = vector.broadcast %ge3A_418 : i32 to vector<16xi32>
        %ge3A_420 = arith.cmpi sge, %iota3A, %ge3A_419 : vector<16xi32>
        %select_n3A_421 = arith.select %ge3A_420, %gather3A_417, %broadcast_in_dim3A_5 : vector<16xi1>, vector<16xi32>
        %add3A_422 = arith.addi %add3A_401, %select_n3A_421 : vector<16xi32>
        %sub3A_423 = arith.subi %add3A_422, %select_n3A_339 : vector<16xi32>
        %get3A_424 = arith.constant 0 : index
        %get3A_425 = tpu.vector_load %arg8[%get3A_424] {strides = array<i32>} : memref<16xi32, #tpu.memory_space<vmem>>, vector<16xi32>,
        %get3A_426 = vector.shape_cast %get3A_425 : vector<16xi32> to vector<16xi32>
        %add3A_427 = arith.addi %sub3A_423, %get3A_426 : vector<16xi32>
        %gt3A = vector.broadcast %scan3A_169#0 : i32 to vector<16xi32>
        %gt3A_428 = arith.cmpi sgt, %bitcast_convert_type3A, %gt3A : vector<16xi32>
        %broadcast_in_dim3A_429 = arith.constant 1.000000e+00 : f32
        %broadcast_in_dim3A_430 = vector.broadcast %broadcast_in_dim3A_429 : f32 to vector<16xf32>
        %eq3A_431 = vector.broadcast %scan3A_169#0 : i32 to vector<16xi32>
        %eq3A_432 = arith.cmpi eq, %bitcast_convert_type3A, %eq3A_431 : vector<16xi32>
        %lt3A_433 = vector.broadcast %sub3A_262 : i32 to vector<16xi32>
        %lt3A_434 = arith.cmpi slt, %add3A_427, %lt3A_433 : vector<16xi32>
        %and3A_435 = arith.andi %eq3A_432, %lt3A_434 : vector<16xi1>
        %broadcast_in_dim3A_436 = arith.constant 1.000000e+00 : f32
        %broadcast_in_dim3A_437 = vector.broadcast %broadcast_in_dim3A_436 : f32 to vector<16xf32>
        %broadcast_in_dim3A_438 = arith.constant 0.000000e+00 : f32
        %broadcast_in_dim3A_439 = vector.broadcast %broadcast_in_dim3A_438 : f32 to vector<16xf32>
        %select_n3A_440 = arith.select %and3A_435, %broadcast_in_dim3A_437, %broadcast_in_dim3A_439 : vector<16xi1>, vector<16xf32>
        %select_n3A_441 = arith.select %gt3A_428, %broadcast_in_dim3A_430, %select_n3A_440 : vector<16xi1>, vector<16xf32>
        %mul3A_442 = arith.constant 16 : i32
        %mul3A_443 = arith.muli %while3A_329, %mul3A_442 : i32
        %swap3A_444 = arith.index_cast %scan3A_23 : i32 to index
        %swap3A_445 = arith.index_cast %mul3A_443 : i32 to index
        %swap3A_446 = tpu.vector_load %arg6[%swap3A_444, %swap3A_445] {strides = array<i32>} : memref<16x2048xf32, #tpu.memory_space<vmem>>, vector<1x16xf32>,
        %swap3A_447 = vector.shape_cast %swap3A_446 : vector<1x16xf32> to vector<16xf32>
        %swap3A_448 = vector.shape_cast %select_n3A_441 : vector<16xf32> to vector<1x16xf32>
        tpu.vector_store %arg6[%swap3A_444, %swap3A_445], %swap3A_448 {strides = array<i32>} : memref<16x2048xf32, #tpu.memory_space<vmem>>, vector<1x16xf32>,
        %mul3A_449 = arith.mulf %get3A_336, %select_n3A_441 : vector<16xf32>
        %mul3A_450 = arith.constant 16 : i32
        %mul3A_451 = arith.muli %while3A_329, %mul3A_450 : i32
        %swap3A_452 = arith.index_cast %scan3A_23 : i32 to index
        %swap3A_453 = arith.index_cast %mul3A_451 : i32 to index
        %swap3A_454 = tpu.vector_load %arg5[%swap3A_452, %swap3A_453] {strides = array<i32>} : memref<16x2048xf32, #tpu.memory_space<vmem>>, vector<1x16xf32>,
        %swap3A_455 = vector.shape_cast %swap3A_454 : vector<1x16xf32> to vector<16xf32>
        %swap3A_456 = vector.shape_cast %mul3A_449 : vector<16xf32> to vector<1x16xf32>
        tpu.vector_store %arg5[%swap3A_452, %swap3A_453], %swap3A_456 {strides = array<i32>} : memref<16x2048xf32, #tpu.memory_space<vmem>>, vector<1x16xf32>,
        %get3A_457 = arith.constant 0 : index
        %get3A_458 = tpu.vector_load %arg8[%get3A_457] {strides = array<i32>} : memref<16xi32, #tpu.memory_space<vmem>>, vector<16xi32>,
        %get3A_459 = vector.shape_cast %get3A_458 : vector<16xi32> to vector<16xi32>
        %add3A_460 = arith.constant 8 : i32
        %add3A_461 = vector.broadcast %add3A_460 : i32 to vector<16xi32>
        %add3A_462 = arith.addi %iota3A, %add3A_461 : vector<16xi32>
        %and3A_463 = arith.constant 15 : i32
        %and3A_464 = vector.broadcast %and3A_463 : i32 to vector<16xi32>
        %and3A_465 = arith.andi %add3A_462, %and3A_464 : vector<16xi32>
        %lt3A_466 = arith.constant 0 : i32
        %lt3A_467 = vector.broadcast %lt3A_466 : i32 to vector<16xi32>
        %lt3A_468 = arith.cmpi slt, %and3A_465, %lt3A_467 : vector<16xi32>
        %add3A_469 = arith.constant 16 : i32
        %add3A_470 = vector.broadcast %add3A_469 : i32 to vector<16xi32>
        %add3A_471 = arith.addi %and3A_465, %add3A_470 : vector<16xi32>
        %select_n3A_472 = arith.select %lt3A_468, %add3A_471, %and3A_465 : vector<16xi1>, vector<16xi32>
        %broadcast_in_dim3A_473 = vector.shape_cast %select_n3A_472 : vector<16xi32> to vector<16x1xi32>
        %gather3A_474 = vector.shape_cast %broadcast_in_dim3A_473 : vector<16x1xi32> to vector<16xi32>
        %gather3A_475 = tpu.dynamic_gather %select_n3A_339[%gather3A_474] in [0] : vector<16xi32>, vector<16xi32> -> vector<16xi32>
        %add3A_476 = arith.addi %select_n3A_339, %gather3A_475 : vector<16xi32>
        %add3A_477 = arith.constant 4 : i32
        %add3A_478 = vector.broadcast %add3A_477 : i32 to vector<16xi32>
        %add3A_479 = arith.addi %iota3A, %add3A_478 : vector<16xi32>
        %and3A_480 = arith.constant 15 : i32
        %and3A_481 = vector.broadcast %and3A_480 : i32 to vector<16xi32>
        %and3A_482 = arith.andi %add3A_479, %and3A_481 : vector<16xi32>
        %lt3A_483 = arith.constant 0 : i32
        %lt3A_484 = vector.broadcast %lt3A_483 : i32 to vector<16xi32>
        %lt3A_485 = arith.cmpi slt, %and3A_482, %lt3A_484 : vector<16xi32>
        %add3A_486 = arith.constant 16 : i32
        %add3A_487 = vector.broadcast %add3A_486 : i32 to vector<16xi32>
        %add3A_488 = arith.addi %and3A_482, %add3A_487 : vector<16xi32>
        %select_n3A_489 = arith.select %lt3A_485, %add3A_488, %and3A_482 : vector<16xi1>, vector<16xi32>
        %broadcast_in_dim3A_490 = vector.shape_cast %select_n3A_489 : vector<16xi32> to vector<16x1xi32>
        %gather3A_491 = vector.shape_cast %broadcast_in_dim3A_490 : vector<16x1xi32> to vector<16xi32>
        %gather3A_492 = tpu.dynamic_gather %add3A_476[%gather3A_491] in [0] : vector<16xi32>, vector<16xi32> -> vector<16xi32>
        %add3A_493 = arith.addi %add3A_476, %gather3A_492 : vector<16xi32>
        %add3A_494 = arith.constant 2 : i32
        %add3A_495 = vector.broadcast %add3A_494 : i32 to vector<16xi32>
        %add3A_496 = arith.addi %iota3A, %add3A_495 : vector<16xi32>
        %and3A_497 = arith.constant 15 : i32
        %and3A_498 = vector.broadcast %and3A_497 : i32 to vector<16xi32>
        %and3A_499 = arith.andi %add3A_496, %and3A_498 : vector<16xi32>
        %lt3A_500 = arith.constant 0 : i32
        %lt3A_501 = vector.broadcast %lt3A_500 : i32 to vector<16xi32>
        %lt3A_502 = arith.cmpi slt, %and3A_499, %lt3A_501 : vector<16xi32>
        %add3A_503 = arith.constant 16 : i32
        %add3A_504 = vector.broadcast %add3A_503 : i32 to vector<16xi32>
        %add3A_505 = arith.addi %and3A_499, %add3A_504 : vector<16xi32>
        %select_n3A_506 = arith.select %lt3A_502, %add3A_505, %and3A_499 : vector<16xi1>, vector<16xi32>
        %broadcast_in_dim3A_507 = vector.shape_cast %select_n3A_506 : vector<16xi32> to vector<16x1xi32>
        %gather3A_508 = vector.shape_cast %broadcast_in_dim3A_507 : vector<16x1xi32> to vector<16xi32>
        %gather3A_509 = tpu.dynamic_gather %add3A_493[%gather3A_508] in [0] : vector<16xi32>, vector<16xi32> -> vector<16xi32>
        %add3A_510 = arith.addi %add3A_493, %gather3A_509 : vector<16xi32>
        %add3A_511 = arith.constant 1 : i32
        %add3A_512 = vector.broadcast %add3A_511 : i32 to vector<16xi32>
        %add3A_513 = arith.addi %iota3A, %add3A_512 : vector<16xi32>
        %and3A_514 = arith.constant 15 : i32
        %and3A_515 = vector.broadcast %and3A_514 : i32 to vector<16xi32>
        %and3A_516 = arith.andi %add3A_513, %and3A_515 : vector<16xi32>
        %lt3A_517 = arith.constant 0 : i32
        %lt3A_518 = vector.broadcast %lt3A_517 : i32 to vector<16xi32>
        %lt3A_519 = arith.cmpi slt, %and3A_516, %lt3A_518 : vector<16xi32>
        %add3A_520 = arith.constant 16 : i32
        %add3A_521 = vector.broadcast %add3A_520 : i32 to vector<16xi32>
        %add3A_522 = arith.addi %and3A_516, %add3A_521 : vector<16xi32>
        %select_n3A_523 = arith.select %lt3A_519, %add3A_522, %and3A_516 : vector<16xi1>, vector<16xi32>
        %broadcast_in_dim3A_524 = vector.shape_cast %select_n3A_523 : vector<16xi32> to vector<16x1xi32>
        %gather3A_525 = vector.shape_cast %broadcast_in_dim3A_524 : vector<16x1xi32> to vector<16xi32>
        %gather3A_526 = tpu.dynamic_gather %add3A_510[%gather3A_525] in [0] : vector<16xi32>, vector<16xi32> -> vector<16xi32>
        %add3A_527 = arith.addi %add3A_510, %gather3A_526 : vector<16xi32>
        %add3A_528 = arith.addi %get3A_459, %add3A_527 : vector<16xi32>
        %swap3A_529 = arith.constant 0 : index
        %swap3A_530 = tpu.vector_load %arg8[%swap3A_529] {strides = array<i32>} : memref<16xi32, #tpu.memory_space<vmem>>, vector<16xi32>,
        %swap3A_531 = vector.shape_cast %swap3A_530 : vector<16xi32> to vector<16xi32>
        %swap3A_532 = vector.shape_cast %add3A_528 : vector<16xi32> to vector<16xi32>
        tpu.vector_store %arg8[%swap3A_529], %swap3A_532 {strides = array<i32>} : memref<16xi32, #tpu.memory_space<vmem>>, vector<16xi32>,
        %while3A_533 = arith.constant 0 : i32
        scf.yield %while3A_533 : i32
      }
      %while3A_277 = arith.constant 1 : i32
      %while3A_278 = scf.for %while3A_329 = %while3A_274 to %while3A_270 step %while3A_277 iter_args(%while3A_330 = %while3A_276) -> (i32)  : i32 {
        %mul3A_331 = arith.constant 16 : i32
        %mul3A_332 = arith.muli %while3A_329, %mul3A_331 : i32
        %get3A_333 = arith.index_cast %scan3A_23 : i32 to index
        %get3A_334 = arith.index_cast %mul3A_332 : i32 to index
        %get3A_335 = tpu.vector_load %arg5[%get3A_333, %get3A_334] {strides = array<i32>} : memref<16x2048xf32, #tpu.memory_space<vmem>>, vector<1x16xf32>,
        %get3A_336 = vector.shape_cast %get3A_335 : vector<1x16xf32> to vector<16xf32>
        %bitcast_convert_type3A = tpu.bitcast %get3A_336 : vector<16xf32> -> vector<16xi32>
        %eq3A_337 = vector.broadcast %scan3A_169#0 : i32 to vector<16xi32>
        %eq3A_338 = arith.cmpi eq, %bitcast_convert_type3A, %eq3A_337 : vector<16xi32>
        %select_n3A_339 = arith.select %eq3A_338, %broadcast_in_dim3A_3, %broadcast_in_dim3A_5 : vector<16xi1>, vector<16xi32>
        %sub3A_340 = arith.constant 1 : i32
        %sub3A_341 = vector.broadcast %sub3A_340 : i32 to vector<16xi32>
        %sub3A_342 = arith.subi %iota3A, %sub3A_341 : vector<16xi32>
        %and3A_343 = arith.constant 15 : i32
        %and3A_344 = vector.broadcast %and3A_343 : i32 to vector<16xi32>
        %and3A_345 = arith.andi %sub3A_342, %and3A_344 : vector<16xi32>
        %lt3A_346 = arith.constant 0 : i32
        %lt3A_347 = vector.broadcast %lt3A_346 : i32 to vector<16xi32>
        %lt3A_348 = arith.cmpi slt, %and3A_345, %lt3A_347 : vector<16xi32>
        %add3A_349 = arith.constant 16 : i32
        %add3A_350 = vector.broadcast %add3A_349 : i32 to vector<16xi32>
        %add3A_351 = arith.addi %and3A_345, %add3A_350 : vector<16xi32>
        %select_n3A_352 = arith.select %lt3A_348, %add3A_351, %and3A_345 : vector<16xi1>, vector<16xi32>
        %broadcast_in_dim3A_353 = vector.shape_cast %select_n3A_352 : vector<16xi32> to vector<16x1xi32>
        %gather3A_354 = vector.shape_cast %broadcast_in_dim3A_353 : vector<16x1xi32> to vector<16xi32>
        %gather3A_355 = tpu.dynamic_gather %select_n3A_339[%gather3A_354] in [0] : vector<16xi32>, vector<16xi32> -> vector<16xi32>
        %ge3A = arith.constant 1 : i32
        %ge3A_356 = vector.broadcast %ge3A : i32 to vector<16xi32>
        %ge3A_357 = arith.cmpi sge, %iota3A, %ge3A_356 : vector<16xi32>
        %select_n3A_358 = arith.select %ge3A_357, %gather3A_355, %broadcast_in_dim3A_5 : vector<16xi1>, vector<16xi32>
        %add3A_359 = arith.addi %select_n3A_339, %select_n3A_358 : vector<16xi32>
        %sub3A_360 = arith.constant 2 : i32
        %sub3A_361 = vector.broadcast %sub3A_360 : i32 to vector<16xi32>
        %sub3A_362 = arith.subi %iota3A, %sub3A_361 : vector<16xi32>
        %and3A_363 = arith.constant 15 : i32
        %and3A_364 = vector.broadcast %and3A_363 : i32 to vector<16xi32>
        %and3A_365 = arith.andi %sub3A_362, %and3A_364 : vector<16xi32>
        %lt3A_366 = arith.constant 0 : i32
        %lt3A_367 = vector.broadcast %lt3A_366 : i32 to vector<16xi32>
        %lt3A_368 = arith.cmpi slt, %and3A_365, %lt3A_367 : vector<16xi32>
        %add3A_369 = arith.constant 16 : i32
        %add3A_370 = vector.broadcast %add3A_369 : i32 to vector<16xi32>
        %add3A_371 = arith.addi %and3A_365, %add3A_370 : vector<16xi32>
        %select_n3A_372 = arith.select %lt3A_368, %add3A_371, %and3A_365 : vector<16xi1>, vector<16xi32>
        %broadcast_in_dim3A_373 = vector.shape_cast %select_n3A_372 : vector<16xi32> to vector<16x1xi32>
        %gather3A_374 = vector.shape_cast %broadcast_in_dim3A_373 : vector<16x1xi32> to vector<16xi32>
        %gather3A_375 = tpu.dynamic_gather %add3A_359[%gather3A_374] in [0] : vector<16xi32>, vector<16xi32> -> vector<16xi32>
        %ge3A_376 = arith.constant 2 : i32
        %ge3A_377 = vector.broadcast %ge3A_376 : i32 to vector<16xi32>
        %ge3A_378 = arith.cmpi sge, %iota3A, %ge3A_377 : vector<16xi32>
        %select_n3A_379 = arith.select %ge3A_378, %gather3A_375, %broadcast_in_dim3A_5 : vector<16xi1>, vector<16xi32>
        %add3A_380 = arith.addi %add3A_359, %select_n3A_379 : vector<16xi32>
        %sub3A_381 = arith.constant 4 : i32
        %sub3A_382 = vector.broadcast %sub3A_381 : i32 to vector<16xi32>
        %sub3A_383 = arith.subi %iota3A, %sub3A_382 : vector<16xi32>
        %and3A_384 = arith.constant 15 : i32
        %and3A_385 = vector.broadcast %and3A_384 : i32 to vector<16xi32>
        %and3A_386 = arith.andi %sub3A_383, %and3A_385 : vector<16xi32>
        %lt3A_387 = arith.constant 0 : i32
        %lt3A_388 = vector.broadcast %lt3A_387 : i32 to vector<16xi32>
        %lt3A_389 = arith.cmpi slt, %and3A_386, %lt3A_388 : vector<16xi32>
        %add3A_390 = arith.constant 16 : i32
        %add3A_391 = vector.broadcast %add3A_390 : i32 to vector<16xi32>
        %add3A_392 = arith.addi %and3A_386, %add3A_391 : vector<16xi32>
        %select_n3A_393 = arith.select %lt3A_389, %add3A_392, %and3A_386 : vector<16xi1>, vector<16xi32>
        %broadcast_in_dim3A_394 = vector.shape_cast %select_n3A_393 : vector<16xi32> to vector<16x1xi32>
        %gather3A_395 = vector.shape_cast %broadcast_in_dim3A_394 : vector<16x1xi32> to vector<16xi32>
        %gather3A_396 = tpu.dynamic_gather %add3A_380[%gather3A_395] in [0] : vector<16xi32>, vector<16xi32> -> vector<16xi32>
        %ge3A_397 = arith.constant 4 : i32
        %ge3A_398 = vector.broadcast %ge3A_397 : i32 to vector<16xi32>
        %ge3A_399 = arith.cmpi sge, %iota3A, %ge3A_398 : vector<16xi32>
        %select_n3A_400 = arith.select %ge3A_399, %gather3A_396, %broadcast_in_dim3A_5 : vector<16xi1>, vector<16xi32>
        %add3A_401 = arith.addi %add3A_380, %select_n3A_400 : vector<16xi32>
        %sub3A_402 = arith.constant 8 : i32
        %sub3A_403 = vector.broadcast %sub3A_402 : i32 to vector<16xi32>
        %sub3A_404 = arith.subi %iota3A, %sub3A_403 : vector<16xi32>
        %and3A_405 = arith.constant 15 : i32
        %and3A_406 = vector.broadcast %and3A_405 : i32 to vector<16xi32>
        %and3A_407 = arith.andi %sub3A_404, %and3A_406 : vector<16xi32>
        %lt3A_408 = arith.constant 0 : i32
        %lt3A_409 = vector.broadcast %lt3A_408 : i32 to vector<16xi32>
        %lt3A_410 = arith.cmpi slt, %and3A_407, %lt3A_409 : vector<16xi32>
        %add3A_411 = arith.constant 16 : i32
        %add3A_412 = vector.broadcast %add3A_411 : i32 to vector<16xi32>
        %add3A_413 = arith.addi %and3A_407, %add3A_412 : vector<16xi32>
        %select_n3A_414 = arith.select %lt3A_410, %add3A_413, %and3A_407 : vector<16xi1>, vector<16xi32>
        %broadcast_in_dim3A_415 = vector.shape_cast %select_n3A_414 : vector<16xi32> to vector<16x1xi32>
        %gather3A_416 = vector.shape_cast %broadcast_in_dim3A_415 : vector<16x1xi32> to vector<16xi32>
        %gather3A_417 = tpu.dynamic_gather %add3A_401[%gather3A_416] in [0] : vector<16xi32>, vector<16xi32> -> vector<16xi32>
        %ge3A_418 = arith.constant 8 : i32
        %ge3A_419 = vector.broadcast %ge3A_418 : i32 to vector<16xi32>
        %ge3A_420 = arith.cmpi sge, %iota3A, %ge3A_419 : vector<16xi32>
        %select_n3A_421 = arith.select %ge3A_420, %gather3A_417, %broadcast_in_dim3A_5 : vector<16xi1>, vector<16xi32>
        %add3A_422 = arith.addi %add3A_401, %select_n3A_421 : vector<16xi32>
        %sub3A_423 = arith.subi %add3A_422, %select_n3A_339 : vector<16xi32>
        %get3A_424 = arith.constant 0 : index
        %get3A_425 = tpu.vector_load %arg8[%get3A_424] {strides = array<i32>} : memref<16xi32, #tpu.memory_space<vmem>>, vector<16xi32>,
        %get3A_426 = vector.shape_cast %get3A_425 : vector<16xi32> to vector<16xi32>
        %add3A_427 = arith.addi %sub3A_423, %get3A_426 : vector<16xi32>
        %gt3A = vector.broadcast %scan3A_169#0 : i32 to vector<16xi32>
        %gt3A_428 = arith.cmpi sgt, %bitcast_convert_type3A, %gt3A : vector<16xi32>
        %broadcast_in_dim3A_429 = arith.constant 1.000000e+00 : f32
        %broadcast_in_dim3A_430 = vector.broadcast %broadcast_in_dim3A_429 : f32 to vector<16xf32>
        %eq3A_431 = vector.broadcast %scan3A_169#0 : i32 to vector<16xi32>
        %eq3A_432 = arith.cmpi eq, %bitcast_convert_type3A, %eq3A_431 : vector<16xi32>
        %lt3A_433 = vector.broadcast %sub3A_262 : i32 to vector<16xi32>
        %lt3A_434 = arith.cmpi slt, %add3A_427, %lt3A_433 : vector<16xi32>
        %and3A_435 = arith.andi %eq3A_432, %lt3A_434 : vector<16xi1>
        %broadcast_in_dim3A_436 = arith.constant 1.000000e+00 : f32
        %broadcast_in_dim3A_437 = vector.broadcast %broadcast_in_dim3A_436 : f32 to vector<16xf32>
        %broadcast_in_dim3A_438 = arith.constant 0.000000e+00 : f32
        %broadcast_in_dim3A_439 = vector.broadcast %broadcast_in_dim3A_438 : f32 to vector<16xf32>
        %select_n3A_440 = arith.select %and3A_435, %broadcast_in_dim3A_437, %broadcast_in_dim3A_439 : vector<16xi1>, vector<16xf32>
        %select_n3A_441 = arith.select %gt3A_428, %broadcast_in_dim3A_430, %select_n3A_440 : vector<16xi1>, vector<16xf32>
        %mul3A_442 = arith.constant 16 : i32
        %mul3A_443 = arith.muli %while3A_329, %mul3A_442 : i32
        %swap3A_444 = arith.index_cast %scan3A_23 : i32 to index
        %swap3A_445 = arith.index_cast %mul3A_443 : i32 to index
        %swap3A_446 = tpu.vector_load %arg6[%swap3A_444, %swap3A_445] {strides = array<i32>} : memref<16x2048xf32, #tpu.memory_space<vmem>>, vector<1x16xf32>,
        %swap3A_447 = vector.shape_cast %swap3A_446 : vector<1x16xf32> to vector<16xf32>
        %swap3A_448 = vector.shape_cast %select_n3A_441 : vector<16xf32> to vector<1x16xf32>
        tpu.vector_store %arg6[%swap3A_444, %swap3A_445], %swap3A_448 {strides = array<i32>} : memref<16x2048xf32, #tpu.memory_space<vmem>>, vector<1x16xf32>,
        %mul3A_449 = arith.mulf %get3A_336, %select_n3A_441 : vector<16xf32>
        %mul3A_450 = arith.constant 16 : i32
        %mul3A_451 = arith.muli %while3A_329, %mul3A_450 : i32
        %swap3A_452 = arith.index_cast %scan3A_23 : i32 to index
        %swap3A_453 = arith.index_cast %mul3A_451 : i32 to index
        %swap3A_454 = tpu.vector_load %arg5[%swap3A_452, %swap3A_453] {strides = array<i32>} : memref<16x2048xf32, #tpu.memory_space<vmem>>, vector<1x16xf32>,
        %swap3A_455 = vector.shape_cast %swap3A_454 : vector<1x16xf32> to vector<16xf32>
        %swap3A_456 = vector.shape_cast %mul3A_449 : vector<16xf32> to vector<1x16xf32>
        tpu.vector_store %arg5[%swap3A_452, %swap3A_453], %swap3A_456 {strides = array<i32>} : memref<16x2048xf32, #tpu.memory_space<vmem>>, vector<1x16xf32>,
        %get3A_457 = arith.constant 0 : index
        %get3A_458 = tpu.vector_load %arg8[%get3A_457] {strides = array<i32>} : memref<16xi32, #tpu.memory_space<vmem>>, vector<16xi32>,
        %get3A_459 = vector.shape_cast %get3A_458 : vector<16xi32> to vector<16xi32>
        %add3A_460 = arith.constant 8 : i32
        %add3A_461 = vector.broadcast %add3A_460 : i32 to vector<16xi32>
        %add3A_462 = arith.addi %iota3A, %add3A_461 : vector<16xi32>
        %and3A_463 = arith.constant 15 : i32
        %and3A_464 = vector.broadcast %and3A_463 : i32 to vector<16xi32>
        %and3A_465 = arith.andi %add3A_462, %and3A_464 : vector<16xi32>
        %lt3A_466 = arith.constant 0 : i32
        %lt3A_467 = vector.broadcast %lt3A_466 : i32 to vector<16xi32>
        %lt3A_468 = arith.cmpi slt, %and3A_465, %lt3A_467 : vector<16xi32>
        %add3A_469 = arith.constant 16 : i32
        %add3A_470 = vector.broadcast %add3A_469 : i32 to vector<16xi32>
        %add3A_471 = arith.addi %and3A_465, %add3A_470 : vector<16xi32>
        %select_n3A_472 = arith.select %lt3A_468, %add3A_471, %and3A_465 : vector<16xi1>, vector<16xi32>
        %broadcast_in_dim3A_473 = vector.shape_cast %select_n3A_472 : vector<16xi32> to vector<16x1xi32>
        %gather3A_474 = vector.shape_cast %broadcast_in_dim3A_473 : vector<16x1xi32> to vector<16xi32>
        %gather3A_475 = tpu.dynamic_gather %select_n3A_339[%gather3A_474] in [0] : vector<16xi32>, vector<16xi32> -> vector<16xi32>
        %add3A_476 = arith.addi %select_n3A_339, %gather3A_475 : vector<16xi32>
        %add3A_477 = arith.constant 4 : i32
        %add3A_478 = vector.broadcast %add3A_477 : i32 to vector<16xi32>
        %add3A_479 = arith.addi %iota3A, %add3A_478 : vector<16xi32>
        %and3A_480 = arith.constant 15 : i32
        %and3A_481 = vector.broadcast %and3A_480 : i32 to vector<16xi32>
        %and3A_482 = arith.andi %add3A_479, %and3A_481 : vector<16xi32>
        %lt3A_483 = arith.constant 0 : i32
        %lt3A_484 = vector.broadcast %lt3A_483 : i32 to vector<16xi32>
        %lt3A_485 = arith.cmpi slt, %and3A_482, %lt3A_484 : vector<16xi32>
        %add3A_486 = arith.constant 16 : i32
        %add3A_487 = vector.broadcast %add3A_486 : i32 to vector<16xi32>
        %add3A_488 = arith.addi %and3A_482, %add3A_487 : vector<16xi32>
        %select_n3A_489 = arith.select %lt3A_485, %add3A_488, %and3A_482 : vector<16xi1>, vector<16xi32>
        %broadcast_in_dim3A_490 = vector.shape_cast %select_n3A_489 : vector<16xi32> to vector<16x1xi32>
        %gather3A_491 = vector.shape_cast %broadcast_in_dim3A_490 : vector<16x1xi32> to vector<16xi32>
        %gather3A_492 = tpu.dynamic_gather %add3A_476[%gather3A_491] in [0] : vector<16xi32>, vector<16xi32> -> vector<16xi32>
        %add3A_493 = arith.addi %add3A_476, %gather3A_492 : vector<16xi32>
        %add3A_494 = arith.constant 2 : i32
        %add3A_495 = vector.broadcast %add3A_494 : i32 to vector<16xi32>
        %add3A_496 = arith.addi %iota3A, %add3A_495 : vector<16xi32>
        %and3A_497 = arith.constant 15 : i32
        %and3A_498 = vector.broadcast %and3A_497 : i32 to vector<16xi32>
        %and3A_499 = arith.andi %add3A_496, %and3A_498 : vector<16xi32>
        %lt3A_500 = arith.constant 0 : i32
        %lt3A_501 = vector.broadcast %lt3A_500 : i32 to vector<16xi32>
        %lt3A_502 = arith.cmpi slt, %and3A_499, %lt3A_501 : vector<16xi32>
        %add3A_503 = arith.constant 16 : i32
        %add3A_504 = vector.broadcast %add3A_503 : i32 to vector<16xi32>
        %add3A_505 = arith.addi %and3A_499, %add3A_504 : vector<16xi32>
        %select_n3A_506 = arith.select %lt3A_502, %add3A_505, %and3A_499 : vector<16xi1>, vector<16xi32>
        %broadcast_in_dim3A_507 = vector.shape_cast %select_n3A_506 : vector<16xi32> to vector<16x1xi32>
        %gather3A_508 = vector.shape_cast %broadcast_in_dim3A_507 : vector<16x1xi32> to vector<16xi32>
        %gather3A_509 = tpu.dynamic_gather %add3A_493[%gather3A_508] in [0] : vector<16xi32>, vector<16xi32> -> vector<16xi32>
        %add3A_510 = arith.addi %add3A_493, %gather3A_509 : vector<16xi32>
        %add3A_511 = arith.constant 1 : i32
        %add3A_512 = vector.broadcast %add3A_511 : i32 to vector<16xi32>
        %add3A_513 = arith.addi %iota3A, %add3A_512 : vector<16xi32>
        %and3A_514 = arith.constant 15 : i32
        %and3A_515 = vector.broadcast %and3A_514 : i32 to vector<16xi32>
        %and3A_516 = arith.andi %add3A_513, %and3A_515 : vector<16xi32>
        %lt3A_517 = arith.constant 0 : i32
        %lt3A_518 = vector.broadcast %lt3A_517 : i32 to vector<16xi32>
        %lt3A_519 = arith.cmpi slt, %and3A_516, %lt3A_518 : vector<16xi32>
        %add3A_520 = arith.constant 16 : i32
        %add3A_521 = vector.broadcast %add3A_520 : i32 to vector<16xi32>
        %add3A_522 = arith.addi %and3A_516, %add3A_521 : vector<16xi32>
        %select_n3A_523 = arith.select %lt3A_519, %add3A_522, %and3A_516 : vector<16xi1>, vector<16xi32>
        %broadcast_in_dim3A_524 = vector.shape_cast %select_n3A_523 : vector<16xi32> to vector<16x1xi32>
        %gather3A_525 = vector.shape_cast %broadcast_in_dim3A_524 : vector<16x1xi32> to vector<16xi32>
        %gather3A_526 = tpu.dynamic_gather %add3A_510[%gather3A_525] in [0] : vector<16xi32>, vector<16xi32> -> vector<16xi32>
        %add3A_527 = arith.addi %add3A_510, %gather3A_526 : vector<16xi32>
        %add3A_528 = arith.addi %get3A_459, %add3A_527 : vector<16xi32>
        %swap3A_529 = arith.constant 0 : index
        %swap3A_530 = tpu.vector_load %arg8[%swap3A_529] {strides = array<i32>} : memref<16xi32, #tpu.memory_space<vmem>>, vector<16xi32>,
        %swap3A_531 = vector.shape_cast %swap3A_530 : vector<16xi32> to vector<16xi32>
        %swap3A_532 = vector.shape_cast %add3A_528 : vector<16xi32> to vector<16xi32>
        tpu.vector_store %arg8[%swap3A_529], %swap3A_532 {strides = array<i32>} : memref<16xi32, #tpu.memory_space<vmem>>, vector<16xi32>,
        %while3A_533 = arith.constant 0 : i32
        scf.yield %while3A_533 : i32
      }
      %broadcast_in_dim3A_279 = arith.constant 1.000000e+00 : f32
      %broadcast_in_dim3A_280 = vector.broadcast %broadcast_in_dim3A_279 : f32 to vector<16xf32>
      %broadcast_in_dim3A_281 = arith.constant 0.000000e+00 : f32
      %broadcast_in_dim3A_282 = vector.broadcast %broadcast_in_dim3A_281 : f32 to vector<16xf32>
      %jit3A_283 = arith.constant 25 : i32
      %jit3A_284 = arith.constant 0 : i32
      %select_n3A_285 = arith.select %eq3A, %jit3A_283, %jit3A_284 : i32
      %while3A_286 = arith.constant 0 : i32
      %while3A_287 = arith.constant 0 : i32
      %while3A_288 = arith.subi %select_n3A_285, %while3A_286 : i32
      %while3A_289 = arith.addi %while3A_286, %while3A_288 : i32
      %while3A_290 = arith.constant 1 : i32
      %while3A_291 = arith.divsi %while3A_288, %while3A_290 : i32
      %while3A_292 = arith.muli %while3A_291, %while3A_290 : i32
      %while3A_293 = arith.addi %while3A_286, %while3A_292 : i32
      %while3A_294 = arith.constant 1 : i32
      %while3A_295 = scf.for %while3A_329 = %while3A_286 to %while3A_293 step %while3A_294 iter_args(%while3A_330 = %while3A_287) -> (i32)  : i32 {
        %mul3A_331 = arith.constant 16 : i32
        %mul3A_332 = arith.muli %while3A_329, %mul3A_331 : i32
        %swap3A_333 = arith.index_cast %scan3A_23 : i32 to index
        %swap3A_334 = arith.index_cast %mul3A_332 : i32 to index
        %swap3A_335 = tpu.vector_load %arg6[%swap3A_333, %swap3A_334] {strides = array<i32>} : memref<16x2048xf32, #tpu.memory_space<vmem>>, vector<1x16xf32>,
        %swap3A_336 = vector.shape_cast %swap3A_335 : vector<1x16xf32> to vector<16xf32>
        %swap3A_337 = vector.shape_cast %broadcast_in_dim3A_280 : vector<16xf32> to vector<1x16xf32>
        tpu.vector_store %arg6[%swap3A_333, %swap3A_334], %swap3A_337 {strides = array<i32>} : memref<16x2048xf32, #tpu.memory_space<vmem>>, vector<1x16xf32>,
        %while3A_338 = arith.constant 0 : i32
        scf.yield %while3A_338 : i32
      }
      %while3A_296 = arith.constant 1 : i32
      %while3A_297 = scf.for %while3A_329 = %while3A_293 to %while3A_289 step %while3A_296 iter_args(%while3A_330 = %while3A_295) -> (i32)  : i32 {
        %mul3A_331 = arith.constant 16 : i32
        %mul3A_332 = arith.muli %while3A_329, %mul3A_331 : i32
        %swap3A_333 = arith.index_cast %scan3A_23 : i32 to index
        %swap3A_334 = arith.index_cast %mul3A_332 : i32 to index
        %swap3A_335 = tpu.vector_load %arg6[%swap3A_333, %swap3A_334] {strides = array<i32>} : memref<16x2048xf32, #tpu.memory_space<vmem>>, vector<1x16xf32>,
        %swap3A_336 = vector.shape_cast %swap3A_335 : vector<1x16xf32> to vector<16xf32>
        %swap3A_337 = vector.shape_cast %broadcast_in_dim3A_280 : vector<16xf32> to vector<1x16xf32>
        tpu.vector_store %arg6[%swap3A_333, %swap3A_334], %swap3A_337 {strides = array<i32>} : memref<16x2048xf32, #tpu.memory_space<vmem>>, vector<1x16xf32>,
        %while3A_338 = arith.constant 0 : i32
        scf.yield %while3A_338 : i32
      }
      %jit3A_298 = arith.constant 1 : i32
      %jit3A_299 = arith.constant 0 : i32
      %select_n3A_300 = arith.select %eq3A, %jit3A_298, %jit3A_299 : i32
      %while3A_301 = arith.constant 0 : i32
      %while3A_302 = arith.constant 0 : i32
      %while3A_303 = arith.subi %select_n3A_300, %while3A_301 : i32
      %while3A_304 = arith.addi %while3A_301, %while3A_303 : i32
      %while3A_305 = arith.constant 1 : i32
      %while3A_306 = arith.divsi %while3A_303, %while3A_305 : i32
      %while3A_307 = arith.muli %while3A_306, %while3A_305 : i32
      %while3A_308 = arith.addi %while3A_301, %while3A_307 : i32
      %while3A_309 = arith.constant 1 : i32
      %while3A_310 = scf.for %while3A_329 = %while3A_301 to %while3A_308 step %while3A_309 iter_args(%while3A_330 = %while3A_302) -> (i32)  : i32 {
        %get3A_331 = arith.index_cast %scan3A_23 : i32 to index
        %get3A_332 = arith.constant 400 : index
        %get3A_333 = tpu.vector_load %arg5[%get3A_331, %get3A_332] {strides = array<i32>} : memref<16x2048xf32, #tpu.memory_space<vmem>>, vector<1x16xf32>,
        %get3A_334 = vector.shape_cast %get3A_333 : vector<1x16xf32> to vector<16xf32>
        %lt3A_335 = arith.constant 9 : i32
        %lt3A_336 = vector.broadcast %lt3A_335 : i32 to vector<16xi32>
        %lt3A_337 = arith.cmpi slt, %iota3A, %lt3A_336 : vector<16xi32>
        %select_n3A_338 = arith.select %lt3A_337, %broadcast_in_dim3A_280, %broadcast_in_dim3A_282 : vector<16xi1>, vector<16xf32>
        %swap3A_339 = arith.index_cast %scan3A_23 : i32 to index
        %swap3A_340 = arith.constant 400 : index
        %swap3A_341 = tpu.vector_load %arg6[%swap3A_339, %swap3A_340] {strides = array<i32>} : memref<16x2048xf32, #tpu.memory_space<vmem>>, vector<1x16xf32>,
        %swap3A_342 = vector.shape_cast %swap3A_341 : vector<1x16xf32> to vector<16xf32>
        %swap3A_343 = vector.shape_cast %select_n3A_338 : vector<16xf32> to vector<1x16xf32>
        tpu.vector_store %arg6[%swap3A_339, %swap3A_340], %swap3A_343 {strides = array<i32>} : memref<16x2048xf32, #tpu.memory_space<vmem>>, vector<1x16xf32>,
        %mul3A_344 = arith.mulf %get3A_334, %select_n3A_338 : vector<16xf32>
        %swap3A_345 = arith.index_cast %scan3A_23 : i32 to index
        %swap3A_346 = arith.constant 400 : index
        %swap3A_347 = tpu.vector_load %arg5[%swap3A_345, %swap3A_346] {strides = array<i32>} : memref<16x2048xf32, #tpu.memory_space<vmem>>, vector<1x16xf32>,
        %swap3A_348 = vector.shape_cast %swap3A_347 : vector<1x16xf32> to vector<16xf32>
        %swap3A_349 = vector.shape_cast %mul3A_344 : vector<16xf32> to vector<1x16xf32>
        tpu.vector_store %arg5[%swap3A_345, %swap3A_346], %swap3A_349 {strides = array<i32>} : memref<16x2048xf32, #tpu.memory_space<vmem>>, vector<1x16xf32>,
        %while3A_350 = arith.constant 0 : i32
        scf.yield %while3A_350 : i32
      }
      %while3A_311 = arith.constant 1 : i32
      %while3A_312 = scf.for %while3A_329 = %while3A_308 to %while3A_304 step %while3A_311 iter_args(%while3A_330 = %while3A_310) -> (i32)  : i32 {
        %get3A_331 = arith.index_cast %scan3A_23 : i32 to index
        %get3A_332 = arith.constant 400 : index
        %get3A_333 = tpu.vector_load %arg5[%get3A_331, %get3A_332] {strides = array<i32>} : memref<16x2048xf32, #tpu.memory_space<vmem>>, vector<1x16xf32>,
        %get3A_334 = vector.shape_cast %get3A_333 : vector<1x16xf32> to vector<16xf32>
        %lt3A_335 = arith.constant 9 : i32
        %lt3A_336 = vector.broadcast %lt3A_335 : i32 to vector<16xi32>
        %lt3A_337 = arith.cmpi slt, %iota3A, %lt3A_336 : vector<16xi32>
        %select_n3A_338 = arith.select %lt3A_337, %broadcast_in_dim3A_280, %broadcast_in_dim3A_282 : vector<16xi1>, vector<16xf32>
        %swap3A_339 = arith.index_cast %scan3A_23 : i32 to index
        %swap3A_340 = arith.constant 400 : index
        %swap3A_341 = tpu.vector_load %arg6[%swap3A_339, %swap3A_340] {strides = array<i32>} : memref<16x2048xf32, #tpu.memory_space<vmem>>, vector<1x16xf32>,
        %swap3A_342 = vector.shape_cast %swap3A_341 : vector<1x16xf32> to vector<16xf32>
        %swap3A_343 = vector.shape_cast %select_n3A_338 : vector<16xf32> to vector<1x16xf32>
        tpu.vector_store %arg6[%swap3A_339, %swap3A_340], %swap3A_343 {strides = array<i32>} : memref<16x2048xf32, #tpu.memory_space<vmem>>, vector<1x16xf32>,
        %mul3A_344 = arith.mulf %get3A_334, %select_n3A_338 : vector<16xf32>
        %swap3A_345 = arith.index_cast %scan3A_23 : i32 to index
        %swap3A_346 = arith.constant 400 : index
        %swap3A_347 = tpu.vector_load %arg5[%swap3A_345, %swap3A_346] {strides = array<i32>} : memref<16x2048xf32, #tpu.memory_space<vmem>>, vector<1x16xf32>,
        %swap3A_348 = vector.shape_cast %swap3A_347 : vector<1x16xf32> to vector<16xf32>
        %swap3A_349 = vector.shape_cast %mul3A_344 : vector<16xf32> to vector<1x16xf32>
        tpu.vector_store %arg5[%swap3A_345, %swap3A_346], %swap3A_349 {strides = array<i32>} : memref<16x2048xf32, #tpu.memory_space<vmem>>, vector<1x16xf32>,
        %while3A_350 = arith.constant 0 : i32
        scf.yield %while3A_350 : i32
      }
      %jit3A_313 = arith.constant 128 : i32
      %jit3A_314 = arith.constant 26 : i32
      %select_n3A_315 = arith.select %eq3A, %jit3A_313, %jit3A_314 : i32
      %while3A_316 = arith.constant 26 : i32
      %while3A_317 = arith.constant 0 : i32
      %while3A_318 = arith.subi %select_n3A_315, %while3A_316 : i32
      %while3A_319 = arith.addi %while3A_316, %while3A_318 : i32
      %while3A_320 = arith.constant 1 : i32
      %while3A_321 = arith.divsi %while3A_318, %while3A_320 : i32
      %while3A_322 = arith.muli %while3A_321, %while3A_320 : i32
      %while3A_323 = arith.addi %while3A_316, %while3A_322 : i32
      %while3A_324 = arith.constant 1 : i32
      %while3A_325 = scf.for %while3A_329 = %while3A_316 to %while3A_323 step %while3A_324 iter_args(%while3A_330 = %while3A_317) -> (i32)  : i32 {
        %mul3A_331 = arith.constant 16 : i32
        %mul3A_332 = arith.muli %while3A_329, %mul3A_331 : i32
        %swap3A_333 = arith.index_cast %scan3A_23 : i32 to index
        %swap3A_334 = arith.index_cast %mul3A_332 : i32 to index
        %swap3A_335 = tpu.vector_load %arg6[%swap3A_333, %swap3A_334] {strides = array<i32>} : memref<16x2048xf32, #tpu.memory_space<vmem>>, vector<1x16xf32>,
        %swap3A_336 = vector.shape_cast %swap3A_335 : vector<1x16xf32> to vector<16xf32>
        %swap3A_337 = vector.shape_cast %broadcast_in_dim3A_282 : vector<16xf32> to vector<1x16xf32>
        tpu.vector_store %arg6[%swap3A_333, %swap3A_334], %swap3A_337 {strides = array<i32>} : memref<16x2048xf32, #tpu.memory_space<vmem>>, vector<1x16xf32>,
        %mul3A_338 = arith.constant 16 : i32
        %mul3A_339 = arith.muli %while3A_329, %mul3A_338 : i32
        %swap3A_340 = arith.index_cast %scan3A_23 : i32 to index
        %swap3A_341 = arith.index_cast %mul3A_339 : i32 to index
        %swap3A_342 = tpu.vector_load %arg5[%swap3A_340, %swap3A_341] {strides = array<i32>} : memref<16x2048xf32, #tpu.memory_space<vmem>>, vector<1x16xf32>,
        %swap3A_343 = vector.shape_cast %swap3A_342 : vector<1x16xf32> to vector<16xf32>
        %swap3A_344 = vector.shape_cast %broadcast_in_dim3A_282 : vector<16xf32> to vector<1x16xf32>
        tpu.vector_store %arg5[%swap3A_340, %swap3A_341], %swap3A_344 {strides = array<i32>} : memref<16x2048xf32, #tpu.memory_space<vmem>>, vector<1x16xf32>,
        %while3A_345 = arith.constant 0 : i32
        scf.yield %while3A_345 : i32
      }
      %while3A_326 = arith.constant 1 : i32
      %while3A_327 = scf.for %while3A_329 = %while3A_323 to %while3A_319 step %while3A_326 iter_args(%while3A_330 = %while3A_325) -> (i32)  : i32 {
        %mul3A_331 = arith.constant 16 : i32
        %mul3A_332 = arith.muli %while3A_329, %mul3A_331 : i32
        %swap3A_333 = arith.index_cast %scan3A_23 : i32 to index
        %swap3A_334 = arith.index_cast %mul3A_332 : i32 to index
        %swap3A_335 = tpu.vector_load %arg6[%swap3A_333, %swap3A_334] {strides = array<i32>} : memref<16x2048xf32, #tpu.memory_space<vmem>>, vector<1x16xf32>,
        %swap3A_336 = vector.shape_cast %swap3A_335 : vector<1x16xf32> to vector<16xf32>
        %swap3A_337 = vector.shape_cast %broadcast_in_dim3A_282 : vector<16xf32> to vector<1x16xf32>
        tpu.vector_store %arg6[%swap3A_333, %swap3A_334], %swap3A_337 {strides = array<i32>} : memref<16x2048xf32, #tpu.memory_space<vmem>>, vector<1x16xf32>,
        %mul3A_338 = arith.constant 16 : i32
        %mul3A_339 = arith.muli %while3A_329, %mul3A_338 : i32
        %swap3A_340 = arith.index_cast %scan3A_23 : i32 to index
        %swap3A_341 = arith.index_cast %mul3A_339 : i32 to index
        %swap3A_342 = tpu.vector_load %arg5[%swap3A_340, %swap3A_341] {strides = array<i32>} : memref<16x2048xf32, #tpu.memory_space<vmem>>, vector<1x16xf32>,
        %swap3A_343 = vector.shape_cast %swap3A_342 : vector<1x16xf32> to vector<16xf32>
        %swap3A_344 = vector.shape_cast %broadcast_in_dim3A_282 : vector<16xf32> to vector<1x16xf32>
        tpu.vector_store %arg5[%swap3A_340, %swap3A_341], %swap3A_344 {strides = array<i32>} : memref<16x2048xf32, #tpu.memory_space<vmem>>, vector<1x16xf32>,
        %while3A_345 = arith.constant 0 : i32
        scf.yield %while3A_345 : i32
      }
      %scan3A_328 = arith.constant 0 : i32
      scf.yield %scan3A_328 : i32
    }
    %scan3A_22 = arith.constant 16 : i32
    "tpu.region"() ({
      %run_scoped3A = tpu.sem_alloc : memref<!tpu.dma_semaphore, #tpu.memory_space<semaphore_mem>>
      %dma_start3A = arith.constant 0 : i32
      %dma_start3A_23 = tpu.memref_slice %arg4[%add3A_15, %dma_start3A] : memref<1024x2048xf32, #tpu.memory_space<hbm>> -> memref<16x2048xf32, #tpu.memory_space<hbm>>
      %dma_start3A_24 = arith.constant 0 : i32
      %dma_start3A_25 = tpu.memref_slice %arg4[%add3A_15, %dma_start3A_24] : memref<1024x2048xf32, #tpu.memory_space<hbm>> -> memref<16x2048xf32, #tpu.memory_space<hbm>>
      tpu.enqueue_dma source(%arg6 : memref<16x2048xf32, #tpu.memory_space<vmem>>) target(%dma_start3A_25 : memref<16x2048xf32, #tpu.memory_space<hbm>>) target_semaphore(%run_scoped3A : memref<!tpu.dma_semaphore, #tpu.memory_space<semaphore_mem>>)
      %dma_wait3A = arith.constant 0 : i32
      %dma_wait3A_26 = tpu.memref_slice %arg4[%add3A_15, %dma_wait3A] : memref<1024x2048xf32, #tpu.memory_space<hbm>> -> memref<16x2048xf32, #tpu.memory_space<hbm>>
      %dma_wait3A_27 = arith.constant 0 : i32
      %dma_wait3A_28 = tpu.memref_slice %arg4[%add3A_15, %dma_wait3A_27] : memref<1024x2048xf32, #tpu.memory_space<hbm>> -> memref<16x2048xf32, #tpu.memory_space<hbm>>
      tpu.wait_dma2 semaphore(%run_scoped3A : memref<!tpu.dma_semaphore, #tpu.memory_space<semaphore_mem>>) src(%arg6 : memref<16x2048xf32, #tpu.memory_space<vmem>>) dst(%dma_wait3A_28 : memref<16x2048xf32, #tpu.memory_space<hbm>>)
      tpu.yield
    }) : () -> ()
    "tpu.region"() ({
      %run_scoped3A = tpu.sem_alloc : memref<!tpu.dma_semaphore, #tpu.memory_space<semaphore_mem>>
      %dma_start3A = arith.constant 0 : i32
      %dma_start3A_23 = tpu.memref_slice %arg3[%add3A_15, %dma_start3A] : memref<1024x2048xf32, #tpu.memory_space<hbm>> -> memref<16x2048xf32, #tpu.memory_space<hbm>>
      %dma_start3A_24 = arith.constant 0 : i32
      %dma_start3A_25 = tpu.memref_slice %arg3[%add3A_15, %dma_start3A_24] : memref<1024x2048xf32, #tpu.memory_space<hbm>> -> memref<16x2048xf32, #tpu.memory_space<hbm>>
      tpu.enqueue_dma source(%arg5 : memref<16x2048xf32, #tpu.memory_space<vmem>>) target(%dma_start3A_25 : memref<16x2048xf32, #tpu.memory_space<hbm>>) target_semaphore(%run_scoped3A : memref<!tpu.dma_semaphore, #tpu.memory_space<semaphore_mem>>)
      %dma_wait3A = arith.constant 0 : i32
      %dma_wait3A_26 = tpu.memref_slice %arg3[%add3A_15, %dma_wait3A] : memref<1024x2048xf32, #tpu.memory_space<hbm>> -> memref<16x2048xf32, #tpu.memory_space<hbm>>
      %dma_wait3A_27 = arith.constant 0 : i32
      %dma_wait3A_28 = tpu.memref_slice %arg3[%add3A_15, %dma_wait3A_27] : memref<1024x2048xf32, #tpu.memory_space<hbm>> -> memref<16x2048xf32, #tpu.memory_space<hbm>>
      tpu.wait_dma2 semaphore(%run_scoped3A : memref<!tpu.dma_semaphore, #tpu.memory_space<semaphore_mem>>) src(%arg5 : memref<16x2048xf32, #tpu.memory_space<vmem>>) dst(%dma_wait3A_28 : memref<16x2048xf32, #tpu.memory_space<hbm>>)
      tpu.yield
    }) : () -> ()
    return
  }
}

module attributes {stable_mosaic.version = 14 : i64} {
  func.func @_fs_body(%arg0: i32, %arg1: memref<256x160xf32, #tpu.memory_space<vmem>>, %arg2: memref<8x160xf32, #tpu.memory_space<vmem>>, %arg3: memref<8x160xf32, #tpu.memory_space<vmem>>, %arg4: memref<160x2048xi32, #tpu.memory_space<vmem>>, %arg5: memref<256x2048xf32, #tpu.memory_space<vmem>>) attributes {dimension_semantics = [#tpu.dimension_semantics<arbitrary>], iteration_bounds = array<i64: 4>, scalar_prefetch = 0 : i64, scratch_operands = 0 : i64, tpu.core_type = #tpu.core_type<tc>, window_params = [{transform_indices = @transform_0, window_bounds = array<i64: 256, 160>}, {pipeline_mode = #tpu.pipeline_mode<synchronous>, transform_indices = @transform_1, window_bounds = array<i64: 8, 160>}, {pipeline_mode = #tpu.pipeline_mode<synchronous>, transform_indices = @transform_2, window_bounds = array<i64: 8, 160>}, {pipeline_mode = #tpu.pipeline_mode<synchronous>, transform_indices = @transform_3, window_bounds = array<i64: 160, 2048>}, {transform_indices = @transform_4, window_bounds = array<i64: 256, 2048>}]} {
    %get3A = arith.constant 0 : index
    %get3A_0 = arith.constant 0 : index
    %get3A_1 = vector.load %arg1[%get3A, %get3A_0] : memref<256x160xf32, #tpu.memory_space<vmem>>, vector<256x160xf32>
    %get3A_2 = arith.constant 0 : index
    %get3A_3 = arith.constant 0 : index
    %get3A_4 = vector.load %arg2[%get3A_2, %get3A_3] : memref<8x160xf32, #tpu.memory_space<vmem>>, vector<1x160xf32>
    %get3A_5 = arith.constant 0 : index
    %get3A_6 = arith.constant 0 : index
    %get3A_7 = vector.load %arg3[%get3A_5, %get3A_6] : memref<8x160xf32, #tpu.memory_space<vmem>>, vector<1x160xf32>
    %sub3A = vector.broadcast %get3A_4 : vector<1x160xf32> to vector<256x160xf32>
    %sub3A_8 = arith.subf %get3A_1, %sub3A : vector<256x160xf32>
    %integer_pow3A = arith.mulf %sub3A_8, %sub3A_8 : vector<256x160xf32>
    %neg3A = arith.constant 0.000000e+00 : f32
    %neg3A_9 = vector.broadcast %neg3A : f32 to vector<256x160xf32>
    %neg3A_10 = arith.subf %neg3A_9, %integer_pow3A : vector<256x160xf32>
    %mul3A = arith.constant 2.000000e+00 : f32
    %mul3A_11 = vector.broadcast %mul3A : f32 to vector<1x160xf32>
    %mul3A_12 = arith.mulf %mul3A_11, %get3A_7 : vector<1x160xf32>
    %mul3A_13 = arith.mulf %mul3A_12, %get3A_7 : vector<1x160xf32>
    %div3A = vector.broadcast %mul3A_13 : vector<1x160xf32> to vector<256x160xf32>
    %div3A_14 = arith.divf %neg3A_10, %div3A : vector<256x160xf32>
    %add3A = arith.constant 9.99999971E-10 : f32
    %add3A_15 = vector.broadcast %add3A : f32 to vector<256x160xf32>
    %add3A_16 = arith.addf %div3A_14, %add3A_15 : vector<256x160xf32>
    %iota3A = tpu.iota {dimensions = array<i32: 0>} : vector<160x2048xi32>
    %jit3A = arith.constant 5 : i32
    %eq3A = arith.constant 0 : i32
    %eq3A_17 = arith.cmpi eq, %jit3A, %eq3A : i32
    %jit3A_18 = arith.constant 1 : i32
    %select_n3A = arith.select %eq3A_17, %jit3A_18, %jit3A : i32
    %rem3A = vector.broadcast %select_n3A : i32 to vector<160x2048xi32>
    %rem3A_19 = arith.remsi %iota3A, %rem3A : vector<160x2048xi32>
    %ne3A = arith.constant 0 : i32
    %ne3A_20 = vector.broadcast %ne3A : i32 to vector<160x2048xi32>
    %ne3A_21 = arith.cmpi ne, %rem3A_19, %ne3A_20 : vector<160x2048xi32>
    %lt3A = arith.constant 0 : i32
    %lt3A_22 = vector.broadcast %lt3A : i32 to vector<160x2048xi32>
    %lt3A_23 = arith.cmpi slt, %rem3A_19, %lt3A_22 : vector<160x2048xi32>
    %lt3A_24 = arith.constant 0 : i32
    %lt3A_25 = arith.cmpi slt, %select_n3A, %lt3A_24 : i32
    %ne3A_26 = vector.broadcast %lt3A_25 : i1 to vector<160x2048xi1>
    %ne3A_27 = vector.broadcast %ne3A_26 : vector<160x2048xi1> to vector<160x2048xi1>
    %ne3A_28 = arith.xori %lt3A_23, %ne3A_27 : vector<160x2048xi1>
    %and3A = arith.andi %ne3A_28, %ne3A_21 : vector<160x2048xi1>
    %add3A_29 = vector.broadcast %select_n3A : i32 to vector<160x2048xi32>
    %add3A_30 = arith.addi %rem3A_19, %add3A_29 : vector<160x2048xi32>
    %select_n3A_31 = arith.select %and3A, %add3A_30, %rem3A_19 : vector<160x2048xi1>, vector<160x2048xi32>
    %get3A_32 = arith.constant 0 : index
    %get3A_33 = arith.constant 0 : index
    %get3A_34 = vector.load %arg4[%get3A_32, %get3A_33] : memref<160x2048xi32, #tpu.memory_space<vmem>>, vector<160x2048xi32>
    %eq3A_35 = arith.cmpi eq, %get3A_34, %select_n3A_31 : vector<160x2048xi32>
    %convert_element_type3A = arith.extui %eq3A_35 : vector<160x2048xi1> to vector<160x2048xi32>
    %convert_element_type3A_36 = arith.sitofp %convert_element_type3A : vector<160x2048xi32> to vector<160x2048xf32>
    %max3A = arith.constant -1.200000e+02 : f32
    %max3A_37 = vector.broadcast %max3A : f32 to vector<256x160xf32>
    %max3A_38 = arith.maximumf %add3A_16, %max3A_37 : vector<256x160xf32>
    %mul3A_39 = arith.constant 2.621440e+05 : f32
    %mul3A_40 = vector.broadcast %mul3A_39 : f32 to vector<256x160xf32>
    %mul3A_41 = arith.mulf %max3A_38, %mul3A_40 : vector<256x160xf32>
    %add3A_42 = arith.constant 5.000000e-01 : f32
    %add3A_43 = vector.broadcast %add3A_42 : f32 to vector<256x160xf32>
    %add3A_44 = arith.addf %mul3A_41, %add3A_43 : vector<256x160xf32>
    %floor3A = math.floor %add3A_44 : vector<256x160xf32>
    %mul3A_45 = arith.constant 1.22070313E-4 : f32
    %mul3A_46 = vector.broadcast %mul3A_45 : f32 to vector<256x160xf32>
    %mul3A_47 = arith.mulf %floor3A, %mul3A_46 : vector<256x160xf32>
    %floor3A_48 = math.floor %mul3A_47 : vector<256x160xf32>
    %mul3A_49 = arith.constant 8.192000e+03 : f32
    %mul3A_50 = vector.broadcast %mul3A_49 : f32 to vector<256x160xf32>
    %mul3A_51 = arith.mulf %floor3A_48, %mul3A_50 : vector<256x160xf32>
    %sub3A_52 = arith.subf %floor3A, %mul3A_51 : vector<256x160xf32>
    %dot_general3A = arith.constant dense<0.000000e+00> : vector<256x2048xf32>
    %dot_general3A_53 = tpu.matmul %floor3A_48, %convert_element_type3A_36, %dot_general3A {dimension_numbers = #tpu.dot_dimension_numbers<[1], [0], [0], [1], [0, 0, 1, 1], [], []>, transpose_lhs_hint = false} : vector<256x160xf32>, vector<160x2048xf32>, vector<256x2048xf32> -> vector<256x2048xf32>
    %dot_general3A_54 = arith.constant dense<0.000000e+00> : vector<256x2048xf32>
    %dot_general3A_55 = tpu.matmul %sub3A_52, %convert_element_type3A_36, %dot_general3A_54 {dimension_numbers = #tpu.dot_dimension_numbers<[1], [0], [0], [1], [0, 0, 1, 1], [], []>, transpose_lhs_hint = false} : vector<256x160xf32>, vector<160x2048xf32>, vector<256x2048xf32> -> vector<256x2048xf32>
    %mul3A_56 = arith.constant 3.125000e-02 : f32
    %mul3A_57 = vector.broadcast %mul3A_56 : f32 to vector<256x2048xf32>
    %mul3A_58 = arith.mulf %dot_general3A_53, %mul3A_57 : vector<256x2048xf32>
    %mul3A_59 = arith.constant 3.81469727E-6 : f32
    %mul3A_60 = vector.broadcast %mul3A_59 : f32 to vector<256x2048xf32>
    %mul3A_61 = arith.mulf %dot_general3A_55, %mul3A_60 : vector<256x2048xf32>
    %add3A_62 = arith.addf %mul3A_58, %mul3A_61 : vector<256x2048xf32>
    %exp3A = math.exp %add3A_62 : vector<256x2048xf32>
    %swap3A = arith.constant 0 : index
    %swap3A_63 = arith.constant 0 : index
    %swap3A_64 = vector.load %arg5[%swap3A, %swap3A_63] : memref<256x2048xf32, #tpu.memory_space<vmem>>, vector<256x2048xf32>
    tpu.vector_store %arg5[%swap3A, %swap3A_63], %exp3A {strides = array<i32>} : memref<256x2048xf32, #tpu.memory_space<vmem>>, vector<256x2048xf32>,
    return
  }
  func.func @transform_0(%arg0: i32) -> (i32, i32) {
    %c0_i32 = arith.constant 0 : i32
    %c0_i32_0 = arith.constant 0 : i32
    return %arg0, %c0_i32 : i32, i32
  }
  func.func @transform_1(%arg0: i32) -> (i32, i32) {
    %c0_i32 = arith.constant 0 : i32
    %c0_i32_0 = arith.constant 0 : i32
    %c0_i32_1 = arith.constant 0 : i32
    return %c0_i32, %c0_i32_0 : i32, i32
  }
  func.func @transform_2(%arg0: i32) -> (i32, i32) {
    %c0_i32 = arith.constant 0 : i32
    %c0_i32_0 = arith.constant 0 : i32
    %c0_i32_1 = arith.constant 0 : i32
    return %c0_i32, %c0_i32_0 : i32, i32
  }
  func.func @transform_3(%arg0: i32) -> (i32, i32) {
    %c0_i32 = arith.constant 0 : i32
    %c0_i32_0 = arith.constant 0 : i32
    %c0_i32_1 = arith.constant 0 : i32
    return %c0_i32, %c0_i32_0 : i32, i32
  }
  func.func @transform_4(%arg0: i32) -> (i32, i32) {
    %c0_i32 = arith.constant 0 : i32
    %c0_i32_0 = arith.constant 0 : i32
    return %arg0, %c0_i32 : i32, i32
  }
}

module attributes {stable_mosaic.version = 14 : i64} {
  func.func @_combine_body(%arg0: memref<1024x2048xf32, #tpu.memory_space<vmem>>, %arg1: memref<1024x33xf32, #tpu.memory_space<vmem>>, %arg2: memref<2048x1056xf32, #tpu.memory_space<vmem>>, %arg3: memref<1024x32xf32, #tpu.memory_space<vmem>>, %arg4: memref<1024x2048xf32, #tpu.memory_space<vmem>>) attributes {dimension_semantics = [], scalar_prefetch = 0 : i64, scratch_operands = 0 : i64, tpu.core_type = #tpu.core_type<tc>} {
    %get3A = arith.constant 0 : index
    %get3A_0 = arith.constant 0 : index
    %get3A_1 = vector.load %arg0[%get3A, %get3A_0] : memref<1024x2048xf32, #tpu.memory_space<vmem>>, vector<1024x2048xf32>
    %reduce_sum3A = arith.constant dense<0.000000e+00> : vector<1024xf32>
    %reduce_sum3A_2 = vector.multi_reduction <add>, %get3A_1, %reduce_sum3A [1] : vector<1024x2048xf32> to vector<1024xf32>
    %broadcast_in_dim3A = vector.shape_cast %reduce_sum3A_2 : vector<1024xf32> to vector<1024x1xf32>
    %add3A = arith.constant 9.99999971E-10 : f32
    %add3A_3 = vector.broadcast %add3A : f32 to vector<1024x1xf32>
    %add3A_4 = arith.addf %broadcast_in_dim3A, %add3A_3 : vector<1024x1xf32>
    %div3A = vector.broadcast %add3A_4 : vector<1024x1xf32> to vector<1024x2048xf32>
    %div3A_5 = arith.divf %get3A_1, %div3A : vector<1024x2048xf32>
    %swap3A = arith.constant 0 : index
    %swap3A_6 = arith.constant 0 : index
    %swap3A_7 = vector.load %arg4[%swap3A, %swap3A_6] : memref<1024x2048xf32, #tpu.memory_space<vmem>>, vector<1024x2048xf32>
    tpu.vector_store %arg4[%swap3A, %swap3A_6], %div3A_5 {strides = array<i32>} : memref<1024x2048xf32, #tpu.memory_space<vmem>>, vector<1024x2048xf32>,
    %get3A_8 = arith.constant 0 : index
    %get3A_9 = arith.constant 0 : index
    %get3A_10 = vector.load %arg2[%get3A_8, %get3A_9] : memref<2048x1056xf32, #tpu.memory_space<vmem>>, vector<2048x1056xf32>
    %slice3A = vector.extract_strided_slice %get3A_10 {offsets = [0, 0], sizes = [2048, 32], strides = [1, 1]} : vector<2048x1056xf32> to vector<2048x32xf32>
    %slice3A_11 = vector.extract_strided_slice %get3A_10 {offsets = [0, 32], sizes = [2048, 32], strides = [1, 1]} : vector<2048x1056xf32> to vector<2048x32xf32>
    %add3A_12 = arith.addf %slice3A, %slice3A_11 : vector<2048x32xf32>
    %slice3A_13 = vector.extract_strided_slice %get3A_10 {offsets = [0, 64], sizes = [2048, 32], strides = [1, 1]} : vector<2048x1056xf32> to vector<2048x32xf32>
    %add3A_14 = arith.addf %add3A_12, %slice3A_13 : vector<2048x32xf32>
    %slice3A_15 = vector.extract_strided_slice %get3A_10 {offsets = [0, 96], sizes = [2048, 32], strides = [1, 1]} : vector<2048x1056xf32> to vector<2048x32xf32>
    %add3A_16 = arith.addf %add3A_14, %slice3A_15 : vector<2048x32xf32>
    %slice3A_17 = vector.extract_strided_slice %get3A_10 {offsets = [0, 128], sizes = [2048, 32], strides = [1, 1]} : vector<2048x1056xf32> to vector<2048x32xf32>
    %add3A_18 = arith.addf %add3A_16, %slice3A_17 : vector<2048x32xf32>
    %slice3A_19 = vector.extract_strided_slice %get3A_10 {offsets = [0, 160], sizes = [2048, 32], strides = [1, 1]} : vector<2048x1056xf32> to vector<2048x32xf32>
    %add3A_20 = arith.addf %add3A_18, %slice3A_19 : vector<2048x32xf32>
    %slice3A_21 = vector.extract_strided_slice %get3A_10 {offsets = [0, 192], sizes = [2048, 32], strides = [1, 1]} : vector<2048x1056xf32> to vector<2048x32xf32>
    %add3A_22 = arith.addf %add3A_20, %slice3A_21 : vector<2048x32xf32>
    %slice3A_23 = vector.extract_strided_slice %get3A_10 {offsets = [0, 224], sizes = [2048, 32], strides = [1, 1]} : vector<2048x1056xf32> to vector<2048x32xf32>
    %add3A_24 = arith.addf %add3A_22, %slice3A_23 : vector<2048x32xf32>
    %slice3A_25 = vector.extract_strided_slice %get3A_10 {offsets = [0, 256], sizes = [2048, 32], strides = [1, 1]} : vector<2048x1056xf32> to vector<2048x32xf32>
    %add3A_26 = arith.addf %add3A_24, %slice3A_25 : vector<2048x32xf32>
    %slice3A_27 = vector.extract_strided_slice %get3A_10 {offsets = [0, 288], sizes = [2048, 32], strides = [1, 1]} : vector<2048x1056xf32> to vector<2048x32xf32>
    %add3A_28 = arith.addf %add3A_26, %slice3A_27 : vector<2048x32xf32>
    %slice3A_29 = vector.extract_strided_slice %get3A_10 {offsets = [0, 320], sizes = [2048, 32], strides = [1, 1]} : vector<2048x1056xf32> to vector<2048x32xf32>
    %add3A_30 = arith.addf %add3A_28, %slice3A_29 : vector<2048x32xf32>
    %slice3A_31 = vector.extract_strided_slice %get3A_10 {offsets = [0, 352], sizes = [2048, 32], strides = [1, 1]} : vector<2048x1056xf32> to vector<2048x32xf32>
    %add3A_32 = arith.addf %add3A_30, %slice3A_31 : vector<2048x32xf32>
    %slice3A_33 = vector.extract_strided_slice %get3A_10 {offsets = [0, 384], sizes = [2048, 32], strides = [1, 1]} : vector<2048x1056xf32> to vector<2048x32xf32>
    %add3A_34 = arith.addf %add3A_32, %slice3A_33 : vector<2048x32xf32>
    %slice3A_35 = vector.extract_strided_slice %get3A_10 {offsets = [0, 416], sizes = [2048, 32], strides = [1, 1]} : vector<2048x1056xf32> to vector<2048x32xf32>
    %add3A_36 = arith.addf %add3A_34, %slice3A_35 : vector<2048x32xf32>
    %slice3A_37 = vector.extract_strided_slice %get3A_10 {offsets = [0, 448], sizes = [2048, 32], strides = [1, 1]} : vector<2048x1056xf32> to vector<2048x32xf32>
    %add3A_38 = arith.addf %add3A_36, %slice3A_37 : vector<2048x32xf32>
    %slice3A_39 = vector.extract_strided_slice %get3A_10 {offsets = [0, 480], sizes = [2048, 32], strides = [1, 1]} : vector<2048x1056xf32> to vector<2048x32xf32>
    %add3A_40 = arith.addf %add3A_38, %slice3A_39 : vector<2048x32xf32>
    %slice3A_41 = vector.extract_strided_slice %get3A_10 {offsets = [0, 512], sizes = [2048, 32], strides = [1, 1]} : vector<2048x1056xf32> to vector<2048x32xf32>
    %add3A_42 = arith.addf %add3A_40, %slice3A_41 : vector<2048x32xf32>
    %slice3A_43 = vector.extract_strided_slice %get3A_10 {offsets = [0, 544], sizes = [2048, 32], strides = [1, 1]} : vector<2048x1056xf32> to vector<2048x32xf32>
    %add3A_44 = arith.addf %add3A_42, %slice3A_43 : vector<2048x32xf32>
    %slice3A_45 = vector.extract_strided_slice %get3A_10 {offsets = [0, 576], sizes = [2048, 32], strides = [1, 1]} : vector<2048x1056xf32> to vector<2048x32xf32>
    %add3A_46 = arith.addf %add3A_44, %slice3A_45 : vector<2048x32xf32>
    %slice3A_47 = vector.extract_strided_slice %get3A_10 {offsets = [0, 608], sizes = [2048, 32], strides = [1, 1]} : vector<2048x1056xf32> to vector<2048x32xf32>
    %add3A_48 = arith.addf %add3A_46, %slice3A_47 : vector<2048x32xf32>
    %slice3A_49 = vector.extract_strided_slice %get3A_10 {offsets = [0, 640], sizes = [2048, 32], strides = [1, 1]} : vector<2048x1056xf32> to vector<2048x32xf32>
    %add3A_50 = arith.addf %add3A_48, %slice3A_49 : vector<2048x32xf32>
    %slice3A_51 = vector.extract_strided_slice %get3A_10 {offsets = [0, 672], sizes = [2048, 32], strides = [1, 1]} : vector<2048x1056xf32> to vector<2048x32xf32>
    %add3A_52 = arith.addf %add3A_50, %slice3A_51 : vector<2048x32xf32>
    %slice3A_53 = vector.extract_strided_slice %get3A_10 {offsets = [0, 704], sizes = [2048, 32], strides = [1, 1]} : vector<2048x1056xf32> to vector<2048x32xf32>
    %add3A_54 = arith.addf %add3A_52, %slice3A_53 : vector<2048x32xf32>
    %slice3A_55 = vector.extract_strided_slice %get3A_10 {offsets = [0, 736], sizes = [2048, 32], strides = [1, 1]} : vector<2048x1056xf32> to vector<2048x32xf32>
    %add3A_56 = arith.addf %add3A_54, %slice3A_55 : vector<2048x32xf32>
    %slice3A_57 = vector.extract_strided_slice %get3A_10 {offsets = [0, 768], sizes = [2048, 32], strides = [1, 1]} : vector<2048x1056xf32> to vector<2048x32xf32>
    %add3A_58 = arith.addf %add3A_56, %slice3A_57 : vector<2048x32xf32>
    %slice3A_59 = vector.extract_strided_slice %get3A_10 {offsets = [0, 800], sizes = [2048, 32], strides = [1, 1]} : vector<2048x1056xf32> to vector<2048x32xf32>
    %add3A_60 = arith.addf %add3A_58, %slice3A_59 : vector<2048x32xf32>
    %slice3A_61 = vector.extract_strided_slice %get3A_10 {offsets = [0, 832], sizes = [2048, 32], strides = [1, 1]} : vector<2048x1056xf32> to vector<2048x32xf32>
    %add3A_62 = arith.addf %add3A_60, %slice3A_61 : vector<2048x32xf32>
    %slice3A_63 = vector.extract_strided_slice %get3A_10 {offsets = [0, 864], sizes = [2048, 32], strides = [1, 1]} : vector<2048x1056xf32> to vector<2048x32xf32>
    %add3A_64 = arith.addf %add3A_62, %slice3A_63 : vector<2048x32xf32>
    %slice3A_65 = vector.extract_strided_slice %get3A_10 {offsets = [0, 896], sizes = [2048, 32], strides = [1, 1]} : vector<2048x1056xf32> to vector<2048x32xf32>
    %add3A_66 = arith.addf %add3A_64, %slice3A_65 : vector<2048x32xf32>
    %slice3A_67 = vector.extract_strided_slice %get3A_10 {offsets = [0, 928], sizes = [2048, 32], strides = [1, 1]} : vector<2048x1056xf32> to vector<2048x32xf32>
    %add3A_68 = arith.addf %add3A_66, %slice3A_67 : vector<2048x32xf32>
    %slice3A_69 = vector.extract_strided_slice %get3A_10 {offsets = [0, 960], sizes = [2048, 32], strides = [1, 1]} : vector<2048x1056xf32> to vector<2048x32xf32>
    %add3A_70 = arith.addf %add3A_68, %slice3A_69 : vector<2048x32xf32>
    %slice3A_71 = vector.extract_strided_slice %get3A_10 {offsets = [0, 992], sizes = [2048, 32], strides = [1, 1]} : vector<2048x1056xf32> to vector<2048x32xf32>
    %add3A_72 = arith.addf %add3A_70, %slice3A_71 : vector<2048x32xf32>
    %slice3A_73 = vector.extract_strided_slice %get3A_10 {offsets = [0, 1024], sizes = [2048, 32], strides = [1, 1]} : vector<2048x1056xf32> to vector<2048x32xf32>
    %add3A_74 = arith.addf %add3A_72, %slice3A_73 : vector<2048x32xf32>
    %dot_general3A = arith.constant dense<0.000000e+00> : vector<1024x32xf32>
    %dot_general3A_75 = tpu.matmul %div3A_5, %add3A_74, %dot_general3A {dimension_numbers = #tpu.dot_dimension_numbers<[1], [0], [0], [1], [0, 0, 1, 1], [], []>, transpose_lhs_hint = false} : vector<1024x2048xf32>, vector<2048x32xf32>, vector<1024x32xf32> -> vector<1024x32xf32>
    %get3A_76 = arith.constant 0 : index
    %get3A_77 = arith.constant 0 : index
    %get3A_78 = vector.load %arg1[%get3A_76, %get3A_77] : memref<1024x33xf32, #tpu.memory_space<vmem>>, vector<1024x33xf32>
    %reduce_sum3A_79 = arith.constant dense<0.000000e+00> : vector<1024xf32>
    %reduce_sum3A_80 = vector.multi_reduction <add>, %get3A_78, %reduce_sum3A_79 [1] : vector<1024x33xf32> to vector<1024xf32>
    %broadcast_in_dim3A_81 = vector.shape_cast %reduce_sum3A_80 : vector<1024xf32> to vector<1024x1xf32>
    %mul3A = vector.broadcast %broadcast_in_dim3A_81 : vector<1024x1xf32> to vector<1024x32xf32>
    %mul3A_82 = arith.mulf %mul3A, %dot_general3A_75 : vector<1024x32xf32>
    %swap3A_83 = arith.constant 0 : index
    %swap3A_84 = arith.constant 0 : index
    %swap3A_85 = vector.load %arg3[%swap3A_83, %swap3A_84] : memref<1024x32xf32, #tpu.memory_space<vmem>>, vector<1024x32xf32>
    tpu.vector_store %arg3[%swap3A_83, %swap3A_84], %mul3A_82 {strides = array<i32>} : memref<1024x32xf32, #tpu.memory_space<vmem>>, vector<1024x32xf32>,
    return
  }
}

</mosaic_0001>

<sc_bundles>
// kernel: kernel.5.cloned.1.call-start
scs
__scs_entry_jumppad:
0x0: {  	(pc) =	sbr.rel $0x88, $3  }
0x1: {  	(tag) =	ssettag $0x0;
	lr =	simm.s32 $0x1  }
0x2: {  	[smem:$0x3F9C] =	sst lr;
	_ =	strace $0xD0000000  }
0x3: {  	_ = 	snop  }
0x4: {  	_ = 	snop  }
0x5: {  	_ = 	snop  }
0x6: {  	_ = 	snop  }
0x7: {  	_ = 	snop  }
__scs_overlays_trampoline_lowered:
0x8: {  	[smem:$0x3FAB] =	sst s0  }
0x9: {  	[smem:$0x3FAC] =	sst s1  }
0xa: {  	[smem:$0x3FAD] =	sst s2  }
0xb: {  	[smem:$0x3FAE] =	sst s3  }
0xc: {  	[smem:$0x3FAF] =	sst s4  }
0xd: {  	[smem:$0x3FB0] =	sst s5  }
0xe: {  	[smem:$0x3FB1] =	sst s6  }
0xf: {  	[smem:$0x3FB2] =	sst s7  }
0x10: {  	[smem:$0x3FB3] =	sst s8  }
0x11: {  	[smem:$0x3FB4] =	sst s9;
	s0 =	simm.s32 @!p0 $0x0  }
0x12: {  	s1 =	sld [smem:$0x3F9A];
	s0 =	simm.s32 @p0 $0x1  }
0x13: {  	[smem:$0x3FB5] =	sst s0;
	s0 =	simm.s32 @!p1 $0x0  }
0x14: {  	s2 =	sld [smem:$0x3F99];
	s0 =	simm.s32 @p1 $0x1  }
0x15: {  	[smem:$0x3FB6] =	sst s0;
	s0 =	simm.s32 @!p2 $0x0  }
0x16: {  	s3 =	sld [smem:$0x3FDB];
	s0 =	simm.s32 @p2 $0x1  }
0x17: {  	s4 =	simm.s32 $0x1BF5;
	[smem:$0x3FB8] =	sst s0  }
0x18: {  	s0 =	sld [smem:$0x3F9B];
	_ =	swait.ge [sflag:s4], $0x0  }
0x19: {  	s7 =	sld [smem:$0x3F9C]  }
0x1a: {  	s8 =	sadd.s32 $0xFFFFE003, lr  }
0x1b: {  	s9 =	sadd.s32 $0xFFFFFEF7, lr;
	s5 =	simm.s32 $0xFFFFFFFF;
	p2 =	slt.u32 s8, $0xFFFFF086  }
0x1c: {  	p1 =	slt.u32 s9, $0xF7A;
	s5 =	simm.s32 @!p2 $0x0  }
0x1d: {  	s5 =	simm.s32 @p1 $0x1;
	p0 =	seq.s32 s7, s2  }
0x1e: {  	s7 =	smul.u32 @!p0 $0xF7A, s2;
	p2 =	seq.s32 @!p0 s5, $0x0  }
0x1f: {  	s9 =	smul.u32 $0xF7A, s1;
	s8 =	simm.s32 @!p0 $0x1BF5;
	p2 =	por !p2, p0  }
0x20: {  	[sflag:s8] =	ssyncset.s32 @!p0 $0xFFFFF086;
	s6 =	sadd.s32 @!p0 s3, s7;
	s7 =	simm.s32 @!p0 $0x108  }
0x21: {  	s3 =	sadd.s32 s3, s9;
	s6 =	sadd.s32 @!p0 $0x88, s6;
	s7 =	simm.s32 @p2 $0x1082  }
0x22: {  	[simem:s7], [sflag:s8] =	dma.local @!p0 [hbm:s6], $0xF7A  }
0x23: {  	s9 =	sor.u32 $0xD0000000, s2;
	s6 =	simm.s32 $0x108;
	_ =	swait.ge @!p0 [sflag:s8], $0x0  }
0x24: {  	s3 =	sadd.s32 $0x88, s3;
	s6 =	simm.s32 @!p1 $0x1082;
	[sflag:s4] =	ssyncset.s32 $0xFFFFF086  }
0x25: {  	[simem:s6], [sflag:s4] =	dma.local [hbm:s3], $0xF7A  }
0x26: {  	[smem:$0x3F9C] =	sst s1;
	(tag) =	ssettag s2;
	_ =	strace s9  }
0x27: {  	s1 =	sld [smem:$0x3FAC]  }
0x28: {  	s2 =	sld [smem:$0x3FAD]  }
0x29: {  	s4 =	sld [smem:$0x3FAF]  }
0x2a: {  	p0 =	seq.s32 s5, $0x0;
	s5 =	sld [smem:$0x3FB0]  }
0x2b: {  	s6 =	sld [smem:$0x3FB1]  }
0x2c: {  	s7 =	sld [smem:$0x3FB2]  }
0x2d: {  	s3 =	simm.s32 $0x108;
	s8 =	sld [smem:$0x3FB3]  }
0x2e: {  	s3 =	simm.s32 @!p0 $0x1082;
	s9 =	sld [smem:$0x3FB4]  }
0x2f: {  	lr =	sadd.s32 s0, s3;
	s0 =	sld [smem:$0x3FAB]  }
0x30: {  	s3 =	sld [smem:$0x3FAE]  }
0x31: {  	[smem:$0x3FB7] =	sst s10  }
0x32: {  	s10 =	sld [smem:$0x3FB5];
	_ =	sdelay $0x3  }
0x33: {  	p0 =	seq.s32 s10, $0x1;
	s10 =	sld [smem:$0x3FB7];
	_ =	sdelay $0x3  }
0x34: {  	[smem:$0x3FB7] =	sst s10  }
0x35: {  	s10 =	sld [smem:$0x3FB6];
	_ =	sdelay $0x3  }
0x36: {  	p1 =	seq.s32 s10, $0x1;
	s10 =	sld [smem:$0x3FB7];
	_ =	sdelay $0x3  }
0x37: {  	[smem:$0x3FB7] =	sst s10  }
0x38: {  	s10 =	sld [smem:$0x3FB8]  }
0x39: {  	_ = 	snop;
	(pc) =	sbr.ind lr, $3  }
0x3a: {  	_ = 	snop  }
0x3b: {  	_ = 	snop  }
0x3c: {  	p2 =	seq.s32 s10, $0x1;
	s10 =	sld [smem:$0x3FB7]  }
0x3d: {  	_ =	shalt  }
0x3e: {  	_ =	shalt  }
0x3f: {  	_ =	shalt  }
0x40: {  	_ =	shalt  }
0x41: {  	_ =	shalt  }
0x42: {  	_ =	shalt  }
0x43: {  	_ =	shalt  }
0x44: {  	_ =	shalt  }
0x45: {  	_ =	shalt  }
0x46: {  	_ =	shalt  }
0x47: {  	_ =	shalt  }
0x48: {  	_ =	shalt  }
0x49: {  	_ =	shalt  }
0x4a: {  	_ =	shalt  }
0x4b: {  	_ =	shalt  }
0x4c: {  	_ =	shalt  }
0x4d: {  	_ =	shalt  }
0x4e: {  	_ =	shalt  }
0x4f: {  	_ =	shalt  }
0x50: {  	_ =	shalt  }
0x51: {  	_ =	shalt  }
0x52: {  	_ =	shalt  }
0x53: {  	_ =	shalt  }
0x54: {  	_ =	shalt  }
0x55: {  	_ =	shalt  }
0x56: {  	_ =	shalt  }
0x57: {  	_ =	shalt  }
0x58: {  	_ =	shalt  }
0x59: {  	_ =	shalt  }
0x5a: {  	_ =	shalt  }
0x5b: {  	_ =	shalt  }
0x5c: {  	_ =	shalt  }
0x5d: {  	_ =	shalt  }
0x5e: {  	_ =	shalt  }
0x5f: {  	_ =	shalt  }
0x60: {  	_ =	shalt  }
0x61: {  	_ =	shalt  }
0x62: {  	_ =	shalt  }
0x63: {  	_ =	shalt  }
0x64: {  	_ =	shalt  }
0x65: {  	_ =	shalt  }
0x66: {  	_ =	shalt  }
0x67: {  	_ =	shalt  }
0x68: {  	_ =	shalt  }
0x69: {  	_ =	shalt  }
0x6a: {  	_ =	shalt  }
0x6b: {  	_ =	shalt  }
0x6c: {  	_ =	shalt  }
0x6d: {  	_ =	shalt  }
0x6e: {  	_ =	shalt  }
0x6f: {  	_ =	shalt  }
0x70: {  	_ =	shalt  }
0x71: {  	_ =	shalt  }
0x72: {  	_ =	shalt  }
0x73: {  	_ =	shalt  }
0x74: {  	_ =	shalt  }
0x75: {  	_ =	shalt  }
0x76: {  	_ =	shalt  }
0x77: {  	_ =	shalt  }
0x78: {  	_ =	shalt  }
0x79: {  	_ =	shalt  }
0x7a: {  	_ =	shalt  }
0x7b: {  	_ =	shalt  }
0x7c: {  	_ =	shalt  }
0x7d: {  	_ =	shalt  }
0x7e: {  	_ =	shalt  }
0x7f: {  	_ =	shalt  }
0x80: {  	_ =	shalt  }
0x81: {  	_ =	shalt  }
0x82: {  	_ =	shalt  }
0x83: {  	_ =	shalt  }
0x84: {  	_ =	shalt  }
0x85: {  	_ =	shalt  }
0x86: {  	_ =	shalt  }
0x87: {  	_ =	shalt  }
.Lfunc_end0:
.L_simem_size_0:
called_computation_lowered:
.L_overlay_start_0:
0x88: {  	s2 =	sld [smem:$0x3FD9]  }
0x89: {  	s3 =	sld [smem:$0x3FFE];
	_ =	sdelay $0x1  }
0x8a: {  	s1 =	srdreg.scid  }
0x8b: {  	s0 =	sand.u32 $0x1, s1  }
0x8c: {  	s14 =	sshll.u32 s0, $0xA;
	s2 =	sadd.s32 s3, s2  }
0x8d: {  	s2 =	sadd.s32 s2, s14  }
0x8e: {  	[smem:$0x3FC3] =	sst s2  }
0x8f: {  	_ = 	snop  }
0x90: {  	s2 =	sld [smem:$0x3FD0];
	_ =	sdelay $0x2  }
0x91: {  	s15 =	simm.s32 $0xA;
	s4 =	simm.s32 $0x10  }
0x92: {  	[smem:s4], [sflag:s15] =	dma.local [hbm:s2], $0x1  }
0x93: {  	_ =	swait.eq [sflag:s15], $0x1  }
0x94: {  	[sflag:s15] =	ssyncset.done $0x0  }
0x95: {  	s16 =	sld [smem:$0x11];
	[sflag:s15] =	ssyncadd.s32 $0xFFFFFFFF  }
0x96: {  	s17 =	sld [smem:$0x12];
	(tm) =	ssettm $0x1  }
0x97: {  	s18 =	sld [smem:$0x3FFB];
	_ =	sdelay $0x3  }
0x98: {  	_ =	strace s18  }
0x99: {  	s4 =	sld [smem:$0x3FFC];
	_ =	sdelay $0x3  }
0x9a: {  	_ =	strace s4  }
0x9b: {  	s4 =	sld [smem:$0x3FFD];
	_ =	sdelay $0x3  }
0x9c: {  	_ =	strace s4  }
0x9d: {  	_ =	strace $0x8FFFFFFF  }
0x9e: {  	s19 =	sld [smem:$0x3FDB];
	_ =	sdelay $0x1  }
0x9f: {  	s5 =	simm.s32 $_scs_section_size  }
0xa0: {  	s6 =	simm.s32 $_size__tile_overlayer_lowered;
	s7 =	simm.s32 $_tile_overlayer_lowered  }
0xa1: {  	s22 =	simm.s32 $0x1BFF;
	s21 =	sshll.u32 s7, $0x1;
	s4 =	sadd.s32 s5, s19  }
0xa2: {  	s8 =	simm.s32 $0x0;
	s20 =	sshll.u32 s6, $0x1;
	s6 =	sadd.s32 s21, s4  }
0xa3: {  	[timem:s8], [sflag:s22] =	dma.local [hbm:s6], s20  }
0xa4: {  	_ =	swait.ge [sflag:s22], s20  }
0xa5: {  	s5 =	ssub.s32 $0x0, s20;
	[sflag:s22] =	ssyncset.done $0x0  }
0xa6: {  	[sflag:s22] =	ssyncadd.s32 s5;
	_ =	sdelay $0x1  }
0xa7: {  	s23 =	simm.s32 $0x1B8B  }
0xa8: {  	_ =	swait.ge [sflag:s23], $0x1  }
0xa9: {  	[sflag:s23] =	ssyncset.done $0x0  }
0xaa: {  	s25 =	simm.s32 $0x1B8E;
	s24 =	sld [smem:$0x3FFE];
	[sflag:s23] =	ssyncadd.s32 $0xFFFFFFFF  }
0xab: {  	s26 =	simm.s32 $execute0_lowered;
	[smem:$0x3FD2] =	sst s25  }
0xac: {  	s6 =	sshll.u32 s26, $0x1;
	_ =	strace $0x80000046;
	[dreg:$0x1] =	wrdreg $0xFFFFFFFF  }
0xad: {  	s28 =	simm.s32 $_size_execute0_lowered;
	s4 =	sadd.s32 s4, s6;
	[dreg:$0x0] =	wrdreg $0x0  }
0xae: {  	s6 =	sshll.u32 s28, $0x1;
	[dreg:$0x2] =	wrdreg s4  }
0xaf: {  	[dreg:$0x3] =	wrdreg s6  }
0xb0: {  	[dreg:$0x4] =	wrdreg $0xC0  }
0xb1: {  	_ =	task [dreg:s8], $0x5FFFF  }
0xb2: {  	[dreg:$0x1] =	wrdreg $0xFFFFFFFF  }
0xb3: {  	[dreg:$0x0] =	wrdreg $0x60  }
0xb4: {  	[dreg:$0x2] =	wrdreg s16  }
0xb5: {  	[dreg:$0x3] =	wrdreg s24  }
0xb6: {  	[dreg:$0x4] =	wrdreg s17  }
0xb7: {  	[dreg:$0x5] =	wrdreg $0x9  }
0xb8: {  	_ =	task.clear_ibuf [dreg:s8], $0x6FFFF;
	_ =	strace $0x90000046  }
0xb9: {  	s29 =	simm.s32 $0x9;
	_ =	strace $0x80000048  }
0xba: {  	_ =	swait.ge [sflag:s29], $0x1  }
0xbb: {  	[sflag:s29] =	ssyncadd.s32 $0xFFFFFFFF  }
0xbc: {  	_ =	strace $0x90000048  }
0xbd: {  	_ =	sfence  }
0xbe: {  	s30 =	sld [smem:$0x0];
	_ =	sdelay $0x2  }
0xbf: {  	s31 =	sshll.u32 s1, $0xD;
	s1 =	sshrl.u32 s1, $0x2  }
0xc0: {  	s3 =	sand.u32 $0x4000, s31;
	s1 =	sadd.s32 s1, s30  }
0xc1: {  	s0 =	sor.u32 s3, s0;
	s1 =	sshll.u32 s1, $0x11  }
0xc2: {  	s0 =	sor.u32 s1, s0  }
0xc3: {  	s0 =	sadd.s32 $0x8F2B, s0  }
0xc4: {  	[sflag:s0] =	ssyncadd.remote.s32 $0x1  }
0xc5: {  	_ =	sfence.sel $0xFFFF  }
0xc6: {  	[dreg:$0x0] =	wrdreg $0xFFFFFFFF;
	(pc) =	sbr.abs _section_cstart, $3  }
0xc7: {  	[dreg:$0x1] =	wrdreg $0xFFFFFFFF  }
0xc8: {  	_ =	task.clear_ibuf [dreg:s8], $0x2FFFF;
	_ =	strace $0x9FFFFFFF  }
0xc9: {  	(tm) =	ssettm $0x7FFFFFFF  }
tec
execute0_lowered:
.L_overlay_start_1:
0x0: {  	(tag) =	ssettag $0x1  }
0x1: {  	v0 =	vimm.s32 $0xFEDCBA98  }
0x2: {  	v1 =	vimm.s32 $0x76543210;
	v4 =	vimm.s32 $0x10FEDCBA;
	v5 =	vimm.s32 $0x98765432  }
0x3: {  	v6 =	vimm.s32 $0xFEDCBA9;
	v7 =	vimm.s32 $0x87654321;
	v11 =	vimm.s32 $0xDCBA9876  }
0x4: {  	v12 =	vimm.s32 $0x543210FE;
	vm0 =	vcmask $0x2300;
	vm1 =	vmmov $0xf  }
0x5: {  	vm2 =	vmmov $0xff;
	v0 =	vunpack.c.l.s4.s8 v0;
	v2 =	vunpack.c.l.s4.s8 v1  }
0x6: {  	v1 =	vimm.s32 $0xBA987654;
	v4 =	vunpack.c.l.s4.s8 v4;
	v5 =	vunpack.c.l.s4.s8 v5  }
0x7: {  	v6 =	vunpack.c.l.s4.s8 v6;
	v7 =	vunpack.c.l.s4.s8 v7;
	v11 =	vunpack.c.l.s4.s8 v11  }
0x8: {  	s6 =	rddreg [dreg:$0x0];
	v12 =	vunpack.c.l.s4.s8 v12;
	v1 =	vunpack.c.l.s4.s8 v1;
	v3 =	vunpack.c.0.s8.s32 v0  }
0x9: {  	s3 =	rddreg [dreg:$0x1];
	v0 =	vimm.s32 $0x3210FEDC;
	v4 =	vunpack.c.0.s8.s32 v4;
	v5 =	vunpack.c.0.s8.s32 v5  }
0xa: {  	s7 =	rddreg [dreg:$0x2];
	v6 =	vunpack.c.0.s8.s32 v6;
	v7 =	vunpack.c.0.s8.s32 v7;
	v8 =	vunpack.c.0.s8.s32 v2  }
0xb: {  	s0 =	rddreg [dreg:$0x3];
	s1 =	simm.s32 $0x0;
	v15 =	vunpack.c.0.s8.s32 v11;
	v16 =	vunpack.c.0.s8.s32 v12;
	v0 =	vunpack.c.l.s4.s8 v0  }
0xc: {  	s4 =	srdreg.scid;
	s2 =	stileid.u32;
	s12 =	simm.s32 $0x0;
	v1 =	vunpack.c.0.s8.s32 v1;
	v9 =	vand.u32 $0xF, v3;
	v3 =	vcombine.low v5, v4  }
0xd: {  	[smem:$0x7FF] =	sst s1;
	s4 =	sand.u32 $0x1, s4;
	s8 =	sshll.u32 s2, $0xE;
	v4 =	vcombine.low v7, v6;
	v5 =	vcombine.low v9, v8;
	v9 =	vimm.s32 $0xEDCBA987  }
0xe: {  	s9 =	sadd.s32 $0x1C00, s3;
	s5 =	ssub.s32 $0x2, s4;
	s4 =	sshll.u32 s4, $0xD;
	v0 =	vunpack.c.0.s8.s32 v0;
	v10 =	vunpack.c.l.s4.s8 v9;
	v9 =	vimm.s32 $0x6543210F  }
.Ltmp0:
0xf: {  	s31 =	sshrl.u32 s5, $0x1;
	s8 =	sor.u32 s4, s8;
	v11 =	vimm.f32 $1.000000000e+00;
	v15 =	vcombine.low v16, v15;
	v13 =	vunpack.c.l.s4.s8 v9;
	(pc) =	sbr.rel .LBB2_1-.Ltmp0, $4  }
0x10: {  	_ =	strace $0x80000047;
	s10 =	ssub.s32 s5, s31;
	s3 =	sadd.s32 s6, s8;
	v7 =	vand.u32 $0xF, v3;
	v8 =	vand.u32 $0xF, v4;
	v2 =	vcombine.low v1, v0  }
0x11: {  	s11 =	sor.u32 $0x1000, s8;
	s4 =	sadd.s32 s7, s8;
	s5 =	sadd.s32 s9, s8;
	v9 =	vimm.f32 $0.0e+00;
	v14 =	vunpack.c.0.s8.s32 v10;
	v13 =	vunpack.c.0.s8.s32 v13  }
0x12: {  	s6 =	sadd.s32 s6, s11;
	s7 =	sadd.s32 s7, s11;
	s8 =	sadd.s32 s9, s11;
	v10 =	vimm.s32 $0x0;
	v12 =	vsel vm0, $0x3F800000, v9;
	vm0 =	vmmov $0x3  }
0x13: {  	s9 =	smax.u32 s10, $0x1;
	s10 =	simm.s32 $0x1;
	s11 =	simm.s32 $0x8000;
	v6 =	vand.u32 $0xF, v2;
	v13 =	vcombine.low v13, v14;
	v14 =	vlaneseq.u32  }
.LBB2_43:
0x14: {  	[hbm4b:s7+s1] =	stream.linear.scatter [tilespmem:s11], [sflag:$0x1], $0x8000, $0x38;
	[tilespmem:$0x10100] =	vst v63  }
0x15: {  	s12 =	sadd.s32 $0x1, s12;
	_ =	swait.ge [sflag:s10], $0x8000  }
0x16: {  	p0 =	sne.s32 s12, s9;
	[sflag:s10] =	ssyncset.done $0x0  }
.Ltmp1:
0x17: {  	[sflag:s10] =	ssyncadd.s32 $0xFFFF8000;
	(pc) =	sbr.rel @!p0 .LBB2_44-.Ltmp1, $4  }
0x18: {  	[hbm4b:s8+s1] =	stream.linear.scatter [tilespmem:s1], [sflag:$0x1], $0x8000, $0x38;
	[tilespmem:$0x10100] =	vst v63  }
0x19: {  	_ =	swait.ge [sflag:s10], $0x8000  }
0x1a: {  	[sflag:s10] =	ssyncset.done $0x0  }
0x1b: {  	[sflag:s10] =	ssyncadd.s32 $0xFFFF8000  }
.LBB2_1:
.Ltmp2:
0x1c: {  	(pc) =	sbr.rel .LBB2_2-.Ltmp2, $4  }
0x1d: {  	[tilespmem:s1], [sflag:$0x1] =	stream.linear.gather [hbm4b:s3+s1], $0x8000, $0x38;
	[tilespmem:$0x10100] =	vst v63  }
0x1e: {  	_ =	swait.ge [sflag:s10], $0x8000  }
0x1f: {  	[sflag:s10] =	ssyncset.done $0x0  }
0x20: {  	s13 =	simm.s32 $0x0;
	[sflag:s10] =	ssyncadd.s32 $0xFFFF8000  }
.LBB2_21:
0x21: {  	s13 =	sadd.s32 $0x1, s13  }
0x22: {  	p0 =	sne.s32 s13, $0x10  }
.Ltmp3:
0x23: {  	_ = 	snop;
	(pc) =	sbr.rel @!p0 .LBB2_22-.Ltmp3, $1  }
0x24: {  	_ =	sdelay $0x3  }
.LBB2_2:
0x25: {  	s14 =	sshll.u32 s13, $0xB;
	s15 =	sshll.u32 s13, $0x7  }
0x26: {  	s18 =	simm.s32 $0x0;
	s16 =	sand.u32 $0x4000, s14;
	s17 =	sand.u32 $0x380, s15  }
0x27: {  	s19 =	sand.u32 $0x3C00, s18;
	s14 =	sor.u32 s17, s16  }
0x28: {  	s18 =	sand.u32 $0x70, s18;
	s19 =	sadd.s32 s19, s14  }
0x29: {  	s19 =	sadd.s32 s18, s19  }
0x2a: {  	v18 =	vld [tilespmem:s19+$0x0]  }
0x2b: {  	v16 =	vimm.s32 $0x7F7FFFFF;
	v17 =	vimm.s32 $0x0;
	s18 =	simm.s32 $0x10;
	s19 =	simm.s32 $0x80  }
.LBB2_3:
0x2c: {  	s20 =	sand.u32 $0x3C00, s19  }
0x2d: {  	p0 =	sne.s32 s18, $0x7F0;
	s21 =	smov.u32 s18;
	s18 =	sadd.s32 $0x10, s18  }
.Ltmp4:
0x2e: {  	s21 =	sand.u32 $0x70, s21;
	s20 =	sadd.s32 s20, s14;
	(pc) =	sbr.rel @p0 .LBB2_3-.Ltmp4, $3  }
0x2f: {  	s20 =	sadd.s32 s21, s20;
	vm3 =	vlt.s32 v16, v18;
	vm4 =	vgt.s32 v17, v18  }
0x30: {  	v16 =	vsel vm3, v16, v18;
	v17 =	vsel vm4, v17, v18;
	v18 =	vld [tilespmem:s20+$0x0];
	_ =	sdelay $0x1  }
0x31: {  	s19 =	sadd.s32 $0x80, s19  }
0x32: {  	_ =	sdelay $0x1  }
0x33: {  	vm3 =	vlt.s32 v16, v18  }
0x34: {  	vm4 =	vgt.s32 v17, v18;
	v16 =	vsel vm3, v16, v18  }
0x35: {  	v17 =	vsel vm4, v17, v18;
	v63 =	vperm.xlane v16, v5  }
0x36: {  	v19 =	vperm.xlane v17, v5  }
0x37: {  	vm3 =	vlt.s32 v16, v63  }
0x38: {  	v16 =	vsel vm3, v16, v63;
	vm3 =	vgt.s32 v17, v19  }
0x39: {  	v18 =	vperm.xlane v16, v6;
	v17 =	vsel vm3, v17, v19  }
0x3a: {  	v19 =	vperm.xlane v17, v6  }
0x3b: {  	vm3 =	vlt.s32 v16, v18  }
0x3c: {  	v16 =	vsel vm3, v16, v18;
	vm3 =	vgt.s32 v17, v19  }
0x3d: {  	v18 =	vperm.xlane v16, v7;
	v17 =	vsel vm3, v17, v19  }
0x3e: {  	v19 =	vperm.xlane v17, v7  }
0x3f: {  	vm3 =	vlt.s32 v16, v18  }
0x40: {  	v16 =	vsel vm3, v16, v18;
	vm3 =	vgt.s32 v17, v19  }
0x41: {  	v18 =	vperm.xlane v16, v8;
	v17 =	vsel vm3, v17, v19  }
0x42: {  	v19 =	vperm.xlane v17, v8  }
0x43: {  	vm3 =	vlt.s32 v16, v18  }
0x44: {  	v16 =	vsel vm3, v16, v18;
	vm3 =	vgt.s32 v17, v19  }
0x45: {  	(v2sf) =	vpush v16, $0x0;
	v16 =	vsel vm3, v17, v19  }
0x46: {  	(v2sf) =	vpush v16, $0x0;
	_ =	sdelay $0xb  }
.Ltmp5:
0x47: {  	_ = 	snop;
	(pc) =	sbr.rel .LBB2_5-.Ltmp5, $4  }
0x48: {  	_ = 	snop  }
0x49: {  	s19 =	spop (v2sf)  }
0x4a: {  	s20 =	spop (v2sf)  }
0x4b: {  	s21 =	simm.s32 $0x0;
	s18 =	smov.u32 s19;
	s22 =	smov.u32 s20  }
.LBB2_8:
0x4c: {  	s24 =	sand.u32 $0x70, s26;
	s25 =	sadd.s32 s28, s14;
	v17 =	vadd.s32 v18, v17  }
0x4d: {  	s24 =	sadd.s32 s24, s25;
	[tilespmem:$0x10000] =	vst v17  }
0x4e: {  	v18 =	vld [tilespmem:s24+$0x0];
	_ =	sdelay $0x4  }
0x4f: {  	vm3 =	vge.s32 v18, v16  }
0x50: {  	v16 =	vsel vm3, $0x1, v10  }
0x51: {  	v16 =	vadd.s32 v16, v17  }
0x52: {  	[tilespmem:$0x10000] =	vst v16  }
.LBB2_9:
0x53: {  	v17 =	vperm.xlane v16, v5;
	_ =	sdelay $0x1  }
0x54: {  	v16 =	vadd.s32 v16, v17  }
0x55: {  	v17 =	vperm.xlane v16, v2;
	_ =	sdelay $0x1  }
0x56: {  	v16 =	vadd.s32 v17, v16  }
0x57: {  	v17 =	vperm.xlane v16, v3;
	_ =	sdelay $0x1  }
0x58: {  	v16 =	vadd.s32 v17, v16  }
0x59: {  	v17 =	vperm.xlane v16, v4;
	_ =	sdelay $0x1  }
0x5a: {  	v16 =	vadd.s32 v17, v16  }
0x5b: {  	(v2sf) =	vpush v16, $0x0;
	_ =	sdelay $0xe  }
0x5c: {  	s24 =	spop (v2sf)  }
0x5d: {  	s25 =	smov.u32 s18;
	p0 =	sgt.s32 s24, $0x198  }
0x5e: {  	s21 =	sadd.s32 $0x1, s21;
	s25 =	smov.u32 @p0 s23  }
0x5f: {  	p0 =	slt.s32 s24, $0x199;
	s23 =	sadd.s32 $0xFFFFFFFF, s23;
	s24 =	smov.u32 s22  }
0x60: {  	s24 =	smov.u32 @p0 s23;
	p0 =	sne.s32 s21, $0x1F  }
.Ltmp6:
0x61: {  	_ = 	snop;
	(pc) =	sbr.rel @!p0 .LBB2_10-.Ltmp6, $3  }
0x62: {  	_ =	sdelay $0x1  }
0x63: {  	p1 =	sgt.s32 s22, s18  }
0x64: {  	s18 =	smov.u32 @p1 s25;
	s22 =	smov.u32 @p1 s24  }
.LBB2_5:
0x65: {  	p0 =	sle.s32 s22, s18  }
.Ltmp7:
0x66: {  	_ = 	snop;
	(pc) =	sbr.rel @p0 .LBB2_9-.Ltmp7, $4  }
0x67: {  	s23 =	ssub.s32 s22, s18  }
0x68: {  	s23 =	sadd.s32 $0x1, s23  }
0x69: {  	v16 =	vimm.s32 $0x0;
	s23 =	sshra.s32 s23, $0x1  }
0x6a: {  	[tilespmem:$0x10000] =	vst v16;
	s23 =	sadd.s32 s18, s23  }
0x6b: {  	s24 =	simm.s32 $0x0  }
0x6c: {  	s25 =	sand.u32 $0x3C00, s24  }
0x6d: {  	s24 =	sand.u32 $0x70, s24;
	s25 =	sadd.s32 s25, s14  }
0x6e: {  	s24 =	sadd.s32 s24, s25  }
0x6f: {  	v17 =	vld [tilespmem:s24+$0x0];
	_ =	sdelay $0x3  }
0x70: {  	v16 =	vmov s23  }
0x71: {  	s24 =	simm.s32 $0x80;
	vm3 =	vge.s32 v17, v16  }
0x72: {  	s26 =	simm.s32 $0x10;
	s25 =	simm.s32 $0x20;
	s28 =	sand.u32 $0x3C00, s24;
	v17 =	vimm.s32 $0x0;
	v18 =	vsel vm3, $0x1, v10  }
.LBB2_7:
0x73: {  	p0 =	sne.s32 s25, $0x7F0;
	s26 =	sand.u32 $0x70, s26;
	s28 =	sadd.s32 s28, s14;
	v17 =	vadd.s32 v18, v17  }
0x74: {  	s28 =	sadd.s32 s26, s28;
	[tilespmem:$0x10000] =	vst v17;
	s26 =	smov.u32 s25  }
0x75: {  	v18 =	vld [tilespmem:s28+$0x0];
	_ =	sdelay $0x1  }
.Ltmp8:
0x76: {  	(pc) =	sbr.rel @p0 .LBB2_7-.Ltmp8, $3  }
0x77: {  	_ =	sdelay $0x1  }
0x78: {  	s24 =	sadd.s32 $0x80, s24;
	vm3 =	vge.s32 v18, v16  }
0x79: {  	s25 =	sadd.s32 $0x10, s25;
	s28 =	sand.u32 $0x3C00, s24;
	v18 =	vsel vm3, $0x1, v10  }
.Ltmp9:
0x7a: {  	_ = 	snop;
	(pc) =	sbr.rel .LBB2_8-.Ltmp9, $1  }
0x7b: {  	_ =	sdelay $0x3  }
.LBB2_10:
0x7c: {  	p0 =	seq.s32 s19, s20  }
.Ltmp10:
0x7d: {  	_ = 	snop;
	(pc) =	sbr.rel @!p0 .LBB2_11-.Ltmp10, $2  }
0x7e: {  	_ =	sdelay $0x2  }
0x7f: {  	[tilespmem:$0x10000] =	vst v10  }
0x80: {  	s17 =	sadd.s32 s17, s16;
	s18 =	simm.s32 $0x0  }
0x81: {  	s17 =	sadd.s32 $0x8000, s17;
	s19 =	sand.u32 $0xC00, s18  }
0x82: {  	s20 =	sand.u32 $0x70, s18;
	s21 =	sadd.s32 s19, s17  }
0x83: {  	[tilespmem:$0x10080] =	vst v10;
	s19 =	simm.s32 $0x10;
	s20 =	sadd.s32 s20, s21  }
.LBB2_17:
0x84: {  	p0 =	seq.s32 s19, $0x180  }
0x85: {  	[tilespmem:s20+$0x0] =	vst v11;
	s18 =	sadd.s32 $0x80, s18;
	s20 =	smov.u32 s19;
	s19 =	sadd.s32 $0x10, s19  }
.Ltmp11:
0x86: {  	(pc) =	sbr.rel @!p0 .LBB2_17-.Ltmp11, $4  }
0x87: {  	_ = 	snop  }
0x88: {  	s21 =	sand.u32 $0xC00, s18  }
0x89: {  	s20 =	sand.u32 $0x70, s20;
	s21 =	sadd.s32 s21, s17  }
0x8a: {  	s20 =	sadd.s32 s20, s21  }
0x8b: {  	s15 =	sadd.s32 s15, s16  }
0x8c: {  	[tilespmem:s20+$0x0] =	vst v11;
	s15 =	sor.u32 $0xC10, s15  }
0x8d: {  	v16 =	vld [tilespmem:s15+$0x0];
	_ =	sdelay $0x4  }
0x8e: {  	v16 =	vmul.f32 v12, v16  }
0x8f: {  	[tilespmem:s15+$0x8000] =	vst v12  }
0x90: {  	[tilespmem:s15+$0x0] =	vst v16;
	s15 =	simm.s32 $0xD00  }
0x91: {  	s31 =	simm.s32 $0x1A0;
	s17 =	sand.u32 $0xFFFFFC00, s15  }
0x92: {  	s18 =	sand.u32 $0x70, s31;
	s17 =	sadd.s32 s14, s17  }
0x93: {  	s16 =	simm.s32 $0x1B0;
	s17 =	sor.u32 s18, s17  }
.LBB2_19:
0x94: {  	p0 =	sne.s32 s16, $0x7F0  }
0x95: {  	[tilespmem:s17+$0x8000] =	vst v9;
	s15 =	sadd.s32 $0x80, s15;
	s18 =	smov.u32 s16;
	s16 =	sadd.s32 $0x10, s16  }
.Ltmp12:
0x96: {  	[tilespmem:s17+$0x0] =	vst v9;
	(pc) =	sbr.rel @p0 .LBB2_19-.Ltmp12, $4  }
0x97: {  	_ = 	snop  }
0x98: {  	s17 =	sand.u32 $0xFFFFFC00, s15  }
0x99: {  	s18 =	sand.u32 $0x70, s18;
	s17 =	sadd.s32 s14, s17  }
0x9a: {  	s17 =	sor.u32 s18, s17  }
.Ltmp13:
0x9b: {  	(pc) =	sbr.rel .LBB2_21-.Ltmp13, $3  }
0x9c: {  	_ =	sdelay $0x1  }
0x9d: {  	[tilespmem:s17+$0x8000] =	vst v9  }
0x9e: {  	[tilespmem:s17+$0x0] =	vst v9  }
.LBB2_11:
0x9f: {  	s15 =	simm.s32 $0x0  }
0xa0: {  	s16 =	sand.u32 $0xFFFFFC00, s15  }
0xa1: {  	s15 =	sand.u32 $0x70, s15;
	s16 =	sadd.s32 s16, s14  }
0xa2: {  	s15 =	sadd.s32 s15, s16  }
0xa3: {  	v17 =	vld [tilespmem:s15+$0x0];
	_ =	sdelay $0x3  }
0xa4: {  	v16 =	vmov s18  }
0xa5: {  	s15 =	simm.s32 $0x80;
	vm3 =	vgt.s32 v17, v16  }
0xa6: {  	s17 =	simm.s32 $0x10;
	s16 =	simm.s32 $0x20;
	s18 =	sand.u32 $0xFFFFFC00, s15;
	v17 =	vimm.s32 $0x0;
	v18 =	vsel vm3, $0x1, v10  }
.LBB2_12:
0xa7: {  	p0 =	sne.s32 s16, $0x7F0;
	s17 =	sand.u32 $0x70, s17;
	s18 =	sadd.s32 s18, s14;
	v17 =	vadd.s32 v18, v17  }
0xa8: {  	s18 =	sadd.s32 s17, s18;
	[tilespmem:$0x10000] =	vst v17;
	s17 =	smov.u32 s16  }
0xa9: {  	v18 =	vld [tilespmem:s18+$0x0];
	_ =	sdelay $0x1  }
.Ltmp14:
0xaa: {  	(pc) =	sbr.rel @p0 .LBB2_12-.Ltmp14, $3  }
0xab: {  	_ =	sdelay $0x1  }
0xac: {  	s15 =	sadd.s32 $0x80, s15;
	vm3 =	vgt.s32 v18, v16  }
0xad: {  	s16 =	sadd.s32 $0x10, s16;
	s18 =	sand.u32 $0xFFFFFC00, s15;
	v18 =	vsel vm3, $0x1, v10  }
0xae: {  	s15 =	sand.u32 $0x70, s17;
	s16 =	sadd.s32 s18, s14;
	v17 =	vadd.s32 v18, v17  }
0xaf: {  	s15 =	sadd.s32 s15, s16;
	[tilespmem:$0x10000] =	vst v17  }
0xb0: {  	v18 =	vld [tilespmem:s15+$0x0];
	_ =	sdelay $0x4  }
0xb1: {  	vm3 =	vgt.s32 v18, v16  }
0xb2: {  	v18 =	vsel vm3, $0x1, v10  }
0xb3: {  	v17 =	vadd.s32 v18, v17  }
0xb4: {  	v18 =	vperm.xlane v17, v5;
	_ =	sdelay $0x1  }
0xb5: {  	v18 =	vadd.s32 v17, v18  }
0xb6: {  	v19 =	vperm.xlane v18, v2;
	_ =	sdelay $0x1  }
0xb7: {  	v18 =	vadd.s32 v19, v18  }
0xb8: {  	v19 =	vperm.xlane v18, v3;
	_ =	sdelay $0x1  }
0xb9: {  	v18 =	vadd.s32 v19, v18  }
0xba: {  	v19 =	vperm.xlane v18, v4;
	_ =	sdelay $0x1  }
0xbb: {  	v18 =	vadd.s32 v19, v18  }
0xbc: {  	(v2sf) =	vpush v18, $0x0;
	_ =	sdelay $0xe  }
0xbd: {  	s28 =	simm.s32 $0x0;
	s26 =	spop (v2sf)  }
0xbe: {  	s29 =	sand.u32 $0xFFFFFC00, s28;
	s15 =	ssub.s32 $0x199, s26  }
0xbf: {  	s16 =	sadd.s32 s14, s29;
	[tilespmem:$0x10000] =	vst v17;
	v19 =	vimm.s32 $0x0;
	v17 =	vmov s15;
	s15 =	sand.u32 $0x70, s28  }
0xc0: {  	[tilespmem:$0x10080] =	vst v19;
	s15 =	sor.u32 s15, s16  }
0xc1: {  	v20 =	vld [tilespmem:s15+$0x0];
	_ =	sdelay $0x4  }
0xc2: {  	vm4 =	veq.s32 v16, v20  }
0xc3: {  	v21 =	vsel vm4, $0x1, v10  }
0xc4: {  	v18 =	vperm.xlane v21, v13  }
0xc5: {  	vm3 =	veq.s32 v14, $0x0  }
0xc6: {  	v18 =	vsel vm3, $0x0, v18  }
0xc7: {  	v22 =	vadd.s32 v21, v18  }
0xc8: {  	v18 =	vperm.xlane v22, v15;
	_ =	sdelay $0x1  }
0xc9: {  	v23 =	vsel vm0, $0x0, v18;
	v18 =	vcombine.low v0, v1  }
0xca: {  	v22 =	vadd.s32 v23, v22  }
0xcb: {  	v23 =	vperm.xlane v22, v18;
	_ =	sdelay $0x1  }
0xcc: {  	v23 =	vsel vm1, $0x0, v23  }
0xcd: {  	v22 =	vadd.s32 v23, v22  }
0xce: {  	v23 =	vperm.xlane v22, v5;
	_ =	sdelay $0x1  }
0xcf: {  	v24 =	vsel vm4, $0xFFFFFFFF, v10;
	v23 =	vsel vm2, $0x0, v23  }
0xd0: {  	v23 =	vadd.s32 v24, v23  }
0xd1: {  	v19 =	vadd.s32 v19, v23  }
0xd2: {  	v19 =	vadd.s32 v22, v19  }
0xd3: {  	vm5 =	vlt.s32 v19, v17  }
0xd4: {  	vm6 =	vlt.s32 v16, v20;
	v19 =	vperm.xlane v21, v5;
	vm4 =	vmand vm4, vm5  }
0xd5: {  	vm4 =	vmor vm6, vm4  }
0xd6: {  	v19 =	vadd.s32 v21, v19;
	v62 =	vsel vm4, $0x3F800000, v9  }
0xd7: {  	v63 =	vperm.xlane v19, v2;
	v20 =	vmul.f32 v62, v20  }
0xd8: {  	[tilespmem:s15+$0x8000] =	vst v62  }
0xd9: {  	v19 =	vadd.s32 v63, v19;
	[tilespmem:s15+$0x0] =	vst v20  }
0xda: {  	v20 =	vperm.xlane v19, v3;
	v21 =	vld [tilespmem:$0x10080];
	_ =	sdelay $0x1  }
0xdb: {  	v19 =	vadd.s32 v20, v19  }
0xdc: {  	v20 =	vperm.xlane v19, v4  }
0xdd: {  	s15 =	simm.s32 $0x80  }
0xde: {  	s30 =	simm.s32 $0x10;
	s31 =	sand.u32 $0xFFFFFC00, s15;
	v20 =	vadd.s32 v21, v20  }
0xdf: {  	s17 =	sand.u32 $0x70, s30;
	s16 =	simm.s32 $0x20;
	s18 =	sadd.s32 s14, s31;
	v19 =	vadd.s32 v19, v20  }
.LBB2_14:
0xe0: {  	p0 =	seq.s32 s16, $0x7F0  }
0xe1: {  	s18 =	sor.u32 s17, s18;
	[tilespmem:$0x10080] =	vst v19;
	s17 =	smov.u32 s16;
	s16 =	sadd.s32 $0x10, s16  }
0xe2: {  	v20 =	vld [tilespmem:s18+$0x0];
	_ =	sdelay $0x4  }
0xe3: {  	vm4 =	veq.s32 v16, v20  }
0xe4: {  	v21 =	vsel vm4, $0x1, v10  }
0xe5: {  	v22 =	vperm.xlane v21, v13;
	v23 =	vperm.xlane v21, v5;
	_ =	sdelay $0x1  }
0xe6: {  	v22 =	vsel vm3, $0x0, v22;
	v23 =	vadd.s32 v21, v23  }
0xe7: {  	v21 =	vadd.s32 v21, v22;
	v22 =	vperm.xlane v23, v2  }
0xe8: {  	v24 =	vperm.xlane v21, v15  }
0xe9: {  	v22 =	vadd.s32 v22, v23  }
0xea: {  	v23 =	vsel vm0, $0x0, v24;
	v24 =	vperm.xlane v22, v3  }
0xeb: {  	v21 =	vadd.s32 v23, v21  }
0xec: {  	v23 =	vperm.xlane v21, v18;
	v22 =	vadd.s32 v24, v22;
	_ =	sdelay $0x1  }
0xed: {  	v23 =	vsel vm1, $0x0, v23  }
0xee: {  	v21 =	vadd.s32 v23, v21  }
0xef: {  	v23 =	vperm.xlane v21, v5;
	_ =	sdelay $0x1  }
0xf0: {  	v24 =	vsel vm4, $0xFFFFFFFF, v10;
	v23 =	vsel vm2, $0x0, v23  }
0xf1: {  	v23 =	vadd.s32 v24, v23  }
0xf2: {  	v19 =	vadd.s32 v19, v23  }
0xf3: {  	v19 =	vadd.s32 v21, v19  }
0xf4: {  	vm5 =	vlt.s32 v19, v17  }
0xf5: {  	vm6 =	vlt.s32 v16, v20;
	vm4 =	vmand vm4, vm5  }
0xf6: {  	vm4 =	vmor vm6, vm4  }
0xf7: {  	v19 =	vsel vm4, $0x3F800000, v9  }
0xf8: {  	v20 =	vmul.f32 v19, v20  }
0xf9: {  	[tilespmem:s18+$0x8000] =	vst v19  }
0xfa: {  	[tilespmem:s18+$0x0] =	vst v20  }
0xfb: {  	v19 =	vld [tilespmem:$0x10080];
	_ =	sdelay $0x1  }
.Ltmp15:
0xfc: {  	(pc) =	sbr.rel @!p0 .LBB2_14-.Ltmp15, $4  }
0xfd: {  	v20 =	vperm.xlane v22, v4  }
0xfe: {  	s15 =	sadd.s32 $0x80, s15  }
0xff: {  	s18 =	sand.u32 $0xFFFFFC00, s15;
	v19 =	vadd.s32 v19, v20  }
0x100: {  	s17 =	sand.u32 $0x70, s17;
	s18 =	sadd.s32 s14, s18;
	v19 =	vadd.s32 v22, v19  }
0x101: {  	s14 =	sor.u32 s17, s18;
	[tilespmem:$0x10080] =	vst v19  }
0x102: {  	v20 =	vld [tilespmem:s14+$0x0];
	_ =	sdelay $0x4  }
0x103: {  	vm3 =	veq.s32 v16, v20  }
0x104: {  	v21 =	vsel vm3, $0x1, v10  }
0x105: {  	v22 =	vperm.xlane v21, v13  }
0x106: {  	vm4 =	veq.s32 v14, $0x0  }
0x107: {  	v22 =	vsel vm4, $0x0, v22  }
0x108: {  	v22 =	vadd.s32 v21, v22  }
0x109: {  	v23 =	vperm.xlane v22, v15;
	_ =	sdelay $0x1  }
0x10a: {  	v23 =	vsel vm0, $0x0, v23  }
0x10b: {  	v22 =	vadd.s32 v23, v22  }
0x10c: {  	v18 =	vperm.xlane v22, v18;
	_ =	sdelay $0x1  }
0x10d: {  	v18 =	vsel vm1, $0x0, v18  }
0x10e: {  	v18 =	vadd.s32 v18, v22  }
0x10f: {  	v22 =	vperm.xlane v18, v5;
	_ =	sdelay $0x1  }
0x110: {  	v59 =	vsel vm3, $0xFFFFFFFF, v10;
	v22 =	vsel vm2, $0x0, v22  }
0x111: {  	v22 =	vadd.s32 v59, v22  }
0x112: {  	v60 =	vadd.s32 v19, v22  }
0x113: {  	v18 =	vadd.s32 v18, v60  }
0x114: {  	vm15 =	vlt.s32 v18, v17  }
0x115: {  	vm5 =	vlt.s32 v16, v20;
	v17 =	vperm.xlane v21, v5;
	vm3 =	vmand vm3, vm15  }
0x116: {  	vm3 =	vmor vm5, vm3  }
0x117: {  	v16 =	vadd.s32 v21, v17;
	v17 =	vsel vm3, $0x3F800000, v9  }
0x118: {  	v61 =	vperm.xlane v16, v2;
	v62 =	vmul.f32 v17, v20  }
0x119: {  	[tilespmem:s14+$0x8000] =	vst v17  }
0x11a: {  	v16 =	vadd.s32 v61, v16;
	[tilespmem:s14+$0x0] =	vst v62  }
0x11b: {  	v17 =	vperm.xlane v16, v3;
	v63 =	vld [tilespmem:$0x10080];
	_ =	sdelay $0x1  }
0x11c: {  	v16 =	vadd.s32 v17, v16  }
.Ltmp16:
0x11d: {  	v17 =	vperm.xlane v16, v4;
	(pc) =	sbr.rel .LBB2_21-.Ltmp16, $4  }
0x11e: {  	_ = 	snop  }
0x11f: {  	v17 =	vadd.s32 v63, v17  }
0x120: {  	v16 =	vadd.s32 v16, v17  }
0x121: {  	[tilespmem:$0x10080] =	vst v16  }
.LBB2_22:
0x122: {  	s13 =	simm.s32 $0x0  }
0x123: {  	[hbm4b:s4+s13] =	stream.linear.scatter [tilespmem:s11], [sflag:$0x1], $0x8000, $0x38;
	[tilespmem:$0x10100] =	vst v63  }
0x124: {  	_ =	swait.ge [sflag:s10], $0x8000  }
0x125: {  	[sflag:s10] =	ssyncset.done $0x0  }
0x126: {  	[sflag:s10] =	ssyncadd.s32 $0xFFFF8000  }
0x127: {  	[hbm4b:s5+s13] =	stream.linear.scatter [tilespmem:s13], [sflag:$0x1], $0x8000, $0x38;
	[tilespmem:$0x10100] =	vst v63  }
0x128: {  	_ =	swait.ge [sflag:s10], $0x8000  }
0x129: {  	[sflag:s10] =	ssyncset.done $0x0  }
.Ltmp17:
0x12a: {  	[sflag:s10] =	ssyncadd.s32 $0xFFFF8000;
	(pc) =	sbr.rel .LBB2_23-.Ltmp17, $4  }
0x12b: {  	[tilespmem:s13], [sflag:$0x1] =	stream.linear.gather [hbm4b:s6+s13], $0x8000, $0x38;
	[tilespmem:$0x10100] =	vst v63  }
0x12c: {  	_ =	swait.ge [sflag:s10], $0x8000  }
0x12d: {  	[sflag:s10] =	ssyncset.done $0x0  }
0x12e: {  	s14 =	simm.s32 $0x0;
	[sflag:s10] =	ssyncadd.s32 $0xFFFF8000  }
.LBB2_42:
0x12f: {  	s14 =	sadd.s32 $0x1, s14  }
0x130: {  	p0 =	sne.s32 s14, $0x10  }
.Ltmp18:
0x131: {  	_ = 	snop;
	(pc) =	sbr.rel @!p0 .LBB2_43-.Ltmp18, $1  }
0x132: {  	_ =	sdelay $0x3  }
.LBB2_23:
0x133: {  	s15 =	sshll.u32 s14, $0xB;
	s16 =	sshll.u32 s14, $0x7  }
0x134: {  	s17 =	sand.u32 $0x4000, s15;
	s18 =	sand.u32 $0x380, s16  }
0x135: {  	s19 =	sand.u32 $0x3C00, s13;
	s15 =	sor.u32 s18, s17  }
0x136: {  	s20 =	sand.u32 $0x70, s13;
	s19 =	sadd.s32 s19, s15  }
0x137: {  	s20 =	sadd.s32 s20, s19  }
0x138: {  	v18 =	vld [tilespmem:s20+$0x0]  }
0x139: {  	v16 =	vimm.s32 $0x7F7FFFFF;
	v17 =	vimm.s32 $0x0;
	s19 =	simm.s32 $0x10;
	s20 =	simm.s32 $0x80  }
.LBB2_24:
0x13a: {  	s21 =	sand.u32 $0x3C00, s20  }
0x13b: {  	p0 =	sne.s32 s19, $0x7F0;
	s22 =	smov.u32 s19;
	s19 =	sadd.s32 $0x10, s19  }
.Ltmp19:
0x13c: {  	s22 =	sand.u32 $0x70, s22;
	s21 =	sadd.s32 s21, s15;
	(pc) =	sbr.rel @p0 .LBB2_24-.Ltmp19, $3  }
0x13d: {  	s21 =	sadd.s32 s22, s21;
	vm3 =	vlt.s32 v16, v18;
	vm4 =	vgt.s32 v17, v18  }
0x13e: {  	v16 =	vsel vm3, v16, v18;
	v17 =	vsel vm4, v17, v18;
	v18 =	vld [tilespmem:s21+$0x0];
	_ =	sdelay $0x1  }
0x13f: {  	s20 =	sadd.s32 $0x80, s20  }
0x140: {  	_ =	sdelay $0x1  }
0x141: {  	vm3 =	vlt.s32 v16, v18  }
0x142: {  	vm4 =	vgt.s32 v17, v18;
	v16 =	vsel vm3, v16, v18  }
0x143: {  	v17 =	vsel vm4, v17, v18;
	v63 =	vperm.xlane v16, v5  }
0x144: {  	v19 =	vperm.xlane v17, v5  }
0x145: {  	vm3 =	vlt.s32 v16, v63  }
0x146: {  	v16 =	vsel vm3, v16, v63;
	vm3 =	vgt.s32 v17, v19  }
0x147: {  	v18 =	vperm.xlane v16, v6;
	v17 =	vsel vm3, v17, v19  }
0x148: {  	v19 =	vperm.xlane v17, v6  }
0x149: {  	vm3 =	vlt.s32 v16, v18  }
0x14a: {  	v16 =	vsel vm3, v16, v18;
	vm3 =	vgt.s32 v17, v19  }
0x14b: {  	v18 =	vperm.xlane v16, v7;
	v17 =	vsel vm3, v17, v19  }
0x14c: {  	v19 =	vperm.xlane v17, v7  }
0x14d: {  	vm3 =	vlt.s32 v16, v18  }
0x14e: {  	v16 =	vsel vm3, v16, v18;
	vm3 =	vgt.s32 v17, v19  }
0x14f: {  	v18 =	vperm.xlane v16, v8;
	v17 =	vsel vm3, v17, v19  }
0x150: {  	v19 =	vperm.xlane v17, v8  }
0x151: {  	vm3 =	vlt.s32 v16, v18  }
0x152: {  	v16 =	vsel vm3, v16, v18;
	vm3 =	vgt.s32 v17, v19  }
0x153: {  	(v2sf) =	vpush v16, $0x0;
	v16 =	vsel vm3, v17, v19  }
0x154: {  	(v2sf) =	vpush v16, $0x0;
	_ =	sdelay $0xb  }
.Ltmp20:
0x155: {  	_ = 	snop;
	(pc) =	sbr.rel .LBB2_26-.Ltmp20, $4  }
0x156: {  	_ = 	snop  }
0x157: {  	s20 =	spop (v2sf)  }
0x158: {  	s21 =	spop (v2sf)  }
0x159: {  	s22 =	simm.s32 $0x0;
	s19 =	smov.u32 s20;
	s23 =	smov.u32 s21  }
.LBB2_29:
0x15a: {  	s25 =	sand.u32 $0x70, s28;
	s26 =	sadd.s32 s29, s15;
	v17 =	vadd.s32 v18, v17  }
0x15b: {  	s25 =	sadd.s32 s25, s26;
	[tilespmem:$0x10000] =	vst v17  }
0x15c: {  	v18 =	vld [tilespmem:s25+$0x0];
	_ =	sdelay $0x4  }
0x15d: {  	vm3 =	vge.s32 v18, v16  }
0x15e: {  	v16 =	vsel vm3, $0x1, v10  }
0x15f: {  	v16 =	vadd.s32 v16, v17  }
0x160: {  	[tilespmem:$0x10000] =	vst v16  }
.LBB2_30:
0x161: {  	v17 =	vperm.xlane v16, v5;
	_ =	sdelay $0x1  }
0x162: {  	v16 =	vadd.s32 v16, v17  }
0x163: {  	v17 =	vperm.xlane v16, v2;
	_ =	sdelay $0x1  }
0x164: {  	v16 =	vadd.s32 v17, v16  }
0x165: {  	v17 =	vperm.xlane v16, v3;
	_ =	sdelay $0x1  }
0x166: {  	v16 =	vadd.s32 v17, v16  }
0x167: {  	v17 =	vperm.xlane v16, v4;
	_ =	sdelay $0x1  }
0x168: {  	v16 =	vadd.s32 v17, v16  }
0x169: {  	(v2sf) =	vpush v16, $0x0;
	_ =	sdelay $0xe  }
0x16a: {  	s25 =	spop (v2sf)  }
0x16b: {  	s26 =	smov.u32 s19;
	p0 =	sgt.s32 s25, $0x198  }
0x16c: {  	s22 =	sadd.s32 $0x1, s22;
	s26 =	smov.u32 @p0 s24  }
0x16d: {  	p0 =	slt.s32 s25, $0x199;
	s24 =	sadd.s32 $0xFFFFFFFF, s24;
	s25 =	smov.u32 s23  }
0x16e: {  	s25 =	smov.u32 @p0 s24;
	p0 =	sne.s32 s22, $0x1F  }
.Ltmp21:
0x16f: {  	_ = 	snop;
	(pc) =	sbr.rel @!p0 .LBB2_31-.Ltmp21, $3  }
0x170: {  	_ =	sdelay $0x1  }
0x171: {  	p1 =	sgt.s32 s23, s19  }
0x172: {  	s19 =	smov.u32 @p1 s26;
	s23 =	smov.u32 @p1 s25  }
.LBB2_26:
0x173: {  	p0 =	sle.s32 s23, s19  }
.Ltmp22:
0x174: {  	_ = 	snop;
	(pc) =	sbr.rel @p0 .LBB2_30-.Ltmp22, $4  }
0x175: {  	s24 =	ssub.s32 s23, s19  }
0x176: {  	s24 =	sadd.s32 $0x1, s24  }
0x177: {  	v16 =	vimm.s32 $0x0;
	s24 =	sshra.s32 s24, $0x1  }
0x178: {  	[tilespmem:$0x10000] =	vst v16;
	s24 =	sadd.s32 s19, s24  }
0x179: {  	s25 =	simm.s32 $0x0  }
0x17a: {  	s26 =	sand.u32 $0x3C00, s25  }
0x17b: {  	s25 =	sand.u32 $0x70, s25;
	s26 =	sadd.s32 s26, s15  }
0x17c: {  	s25 =	sadd.s32 s25, s26  }
0x17d: {  	v17 =	vld [tilespmem:s25+$0x0];
	_ =	sdelay $0x3  }
0x17e: {  	v16 =	vmov s24  }
0x17f: {  	s25 =	simm.s32 $0x80;
	vm3 =	vge.s32 v17, v16  }
0x180: {  	s28 =	simm.s32 $0x10;
	s26 =	simm.s32 $0x20;
	s29 =	sand.u32 $0x3C00, s25;
	v17 =	vimm.s32 $0x0;
	v18 =	vsel vm3, $0x1, v10  }
.LBB2_28:
0x181: {  	p0 =	sne.s32 s26, $0x7F0;
	s28 =	sand.u32 $0x70, s28;
	s29 =	sadd.s32 s29, s15;
	v17 =	vadd.s32 v18, v17  }
0x182: {  	s29 =	sadd.s32 s28, s29;
	[tilespmem:$0x10000] =	vst v17;
	s28 =	smov.u32 s26  }
0x183: {  	v18 =	vld [tilespmem:s29+$0x0];
	_ =	sdelay $0x1  }
.Ltmp23:
0x184: {  	(pc) =	sbr.rel @p0 .LBB2_28-.Ltmp23, $3  }
0x185: {  	_ =	sdelay $0x1  }
0x186: {  	s25 =	sadd.s32 $0x80, s25;
	vm3 =	vge.s32 v18, v16  }
0x187: {  	s26 =	sadd.s32 $0x10, s26;
	s29 =	sand.u32 $0x3C00, s25;
	v18 =	vsel vm3, $0x1, v10  }
.Ltmp24:
0x188: {  	_ = 	snop;
	(pc) =	sbr.rel .LBB2_29-.Ltmp24, $1  }
0x189: {  	_ =	sdelay $0x3  }
.LBB2_31:
0x18a: {  	p0 =	seq.s32 s20, s21  }
.Ltmp25:
0x18b: {  	_ = 	snop;
	(pc) =	sbr.rel @!p0 .LBB2_32-.Ltmp25, $2  }
0x18c: {  	_ =	sdelay $0x2  }
0x18d: {  	[tilespmem:$0x10000] =	vst v10  }
0x18e: {  	s18 =	sadd.s32 s18, s17;
	s19 =	simm.s32 $0x0  }
0x18f: {  	s18 =	sadd.s32 $0x8000, s18;
	s20 =	sand.u32 $0xC00, s19  }
0x190: {  	s21 =	sand.u32 $0x70, s19;
	s22 =	sadd.s32 s20, s18  }
0x191: {  	[tilespmem:$0x10080] =	vst v10;
	s20 =	simm.s32 $0x10;
	s21 =	sadd.s32 s21, s22  }
.LBB2_38:
0x192: {  	p0 =	seq.s32 s20, $0x180  }
0x193: {  	[tilespmem:s21+$0x0] =	vst v11;
	s19 =	sadd.s32 $0x80, s19;
	s21 =	smov.u32 s20;
	s20 =	sadd.s32 $0x10, s20  }
.Ltmp26:
0x194: {  	(pc) =	sbr.rel @!p0 .LBB2_38-.Ltmp26, $4  }
0x195: {  	_ = 	snop  }
0x196: {  	s22 =	sand.u32 $0xC00, s19  }
0x197: {  	s21 =	sand.u32 $0x70, s21;
	s22 =	sadd.s32 s22, s18  }
0x198: {  	s21 =	sadd.s32 s21, s22  }
0x199: {  	s16 =	sadd.s32 s16, s17  }
0x19a: {  	[tilespmem:s21+$0x0] =	vst v11;
	s16 =	sor.u32 $0xC10, s16  }
0x19b: {  	v16 =	vld [tilespmem:s16+$0x0];
	_ =	sdelay $0x4  }
0x19c: {  	v16 =	vmul.f32 v12, v16  }
0x19d: {  	[tilespmem:s16+$0x8000] =	vst v12  }
0x19e: {  	[tilespmem:s16+$0x0] =	vst v16;
	s16 =	simm.s32 $0xD00  }
0x19f: {  	s31 =	simm.s32 $0x1A0;
	s18 =	sand.u32 $0xFFFFFC00, s16  }
0x1a0: {  	s19 =	sand.u32 $0x70, s31;
	s18 =	sadd.s32 s15, s18  }
0x1a1: {  	s17 =	simm.s32 $0x1B0;
	s18 =	sor.u32 s19, s18  }
.LBB2_40:
0x1a2: {  	p0 =	sne.s32 s17, $0x7F0  }
0x1a3: {  	[tilespmem:s18+$0x8000] =	vst v9;
	s16 =	sadd.s32 $0x80, s16;
	s19 =	smov.u32 s17;
	s17 =	sadd.s32 $0x10, s17  }
.Ltmp27:
0x1a4: {  	[tilespmem:s18+$0x0] =	vst v9;
	(pc) =	sbr.rel @p0 .LBB2_40-.Ltmp27, $4  }
0x1a5: {  	_ = 	snop  }
0x1a6: {  	s18 =	sand.u32 $0xFFFFFC00, s16  }
0x1a7: {  	s19 =	sand.u32 $0x70, s19;
	s18 =	sadd.s32 s15, s18  }
0x1a8: {  	s18 =	sor.u32 s19, s18  }
.Ltmp28:
0x1a9: {  	(pc) =	sbr.rel .LBB2_42-.Ltmp28, $3  }
0x1aa: {  	_ =	sdelay $0x1  }
0x1ab: {  	[tilespmem:s18+$0x8000] =	vst v9  }
0x1ac: {  	[tilespmem:s18+$0x0] =	vst v9  }
.LBB2_32:
0x1ad: {  	s16 =	simm.s32 $0x0  }
0x1ae: {  	s17 =	sand.u32 $0xFFFFFC00, s16  }
0x1af: {  	s16 =	sand.u32 $0x70, s16;
	s17 =	sadd.s32 s17, s15  }
0x1b0: {  	s16 =	sadd.s32 s16, s17  }
0x1b1: {  	v17 =	vld [tilespmem:s16+$0x0];
	_ =	sdelay $0x3  }
0x1b2: {  	v16 =	vmov s19  }
0x1b3: {  	s16 =	simm.s32 $0x80;
	vm3 =	vgt.s32 v17, v16  }
0x1b4: {  	s18 =	simm.s32 $0x10;
	s17 =	simm.s32 $0x20;
	s19 =	sand.u32 $0xFFFFFC00, s16;
	v17 =	vimm.s32 $0x0;
	v18 =	vsel vm3, $0x1, v10  }
.LBB2_33:
0x1b5: {  	p0 =	sne.s32 s17, $0x7F0;
	s18 =	sand.u32 $0x70, s18;
	s19 =	sadd.s32 s19, s15;
	v17 =	vadd.s32 v18, v17  }
0x1b6: {  	s19 =	sadd.s32 s18, s19;
	[tilespmem:$0x10000] =	vst v17;
	s18 =	smov.u32 s17  }
0x1b7: {  	v18 =	vld [tilespmem:s19+$0x0];
	_ =	sdelay $0x1  }
.Ltmp29:
0x1b8: {  	(pc) =	sbr.rel @p0 .LBB2_33-.Ltmp29, $3  }
0x1b9: {  	_ =	sdelay $0x1  }
0x1ba: {  	s16 =	sadd.s32 $0x80, s16;
	vm3 =	vgt.s32 v18, v16  }
0x1bb: {  	s17 =	sadd.s32 $0x10, s17;
	s19 =	sand.u32 $0xFFFFFC00, s16;
	v18 =	vsel vm3, $0x1, v10  }
0x1bc: {  	s16 =	sand.u32 $0x70, s18;
	s17 =	sadd.s32 s19, s15;
	v17 =	vadd.s32 v18, v17  }
0x1bd: {  	s16 =	sadd.s32 s16, s17;
	[tilespmem:$0x10000] =	vst v17  }
0x1be: {  	v18 =	vld [tilespmem:s16+$0x0];
	_ =	sdelay $0x4  }
0x1bf: {  	vm3 =	vgt.s32 v18, v16  }
0x1c0: {  	v18 =	vsel vm3, $0x1, v10  }
0x1c1: {  	v17 =	vadd.s32 v18, v17  }
0x1c2: {  	v18 =	vperm.xlane v17, v5;
	_ =	sdelay $0x1  }
0x1c3: {  	v18 =	vadd.s32 v17, v18  }
0x1c4: {  	v19 =	vperm.xlane v18, v2;
	_ =	sdelay $0x1  }
0x1c5: {  	v18 =	vadd.s32 v19, v18  }
0x1c6: {  	v19 =	vperm.xlane v18, v3;
	_ =	sdelay $0x1  }
0x1c7: {  	v18 =	vadd.s32 v19, v18  }
0x1c8: {  	v19 =	vperm.xlane v18, v4;
	_ =	sdelay $0x1  }
0x1c9: {  	v18 =	vadd.s32 v19, v18  }
0x1ca: {  	(v2sf) =	vpush v18, $0x0;
	_ =	sdelay $0xe  }
0x1cb: {  	s28 =	simm.s32 $0x0;
	s26 =	spop (v2sf)  }
0x1cc: {  	s29 =	sand.u32 $0xFFFFFC00, s28;
	s16 =	ssub.s32 $0x199, s26  }
0x1cd: {  	s17 =	sadd.s32 s15, s29;
	[tilespmem:$0x10000] =	vst v17;
	v19 =	vimm.s32 $0x0;
	v17 =	vmov s16;
	s16 =	sand.u32 $0x70, s28  }
0x1ce: {  	[tilespmem:$0x10080] =	vst v19;
	s16 =	sor.u32 s16, s17  }
0x1cf: {  	v20 =	vld [tilespmem:s16+$0x0];
	_ =	sdelay $0x4  }
0x1d0: {  	vm4 =	veq.s32 v16, v20  }
0x1d1: {  	v21 =	vsel vm4, $0x1, v10  }
0x1d2: {  	v18 =	vperm.xlane v21, v13  }
0x1d3: {  	vm3 =	veq.s32 v14, $0x0  }
0x1d4: {  	v18 =	vsel vm3, $0x0, v18  }
0x1d5: {  	v22 =	vadd.s32 v21, v18  }
0x1d6: {  	v18 =	vperm.xlane v22, v15;
	_ =	sdelay $0x1  }
0x1d7: {  	v23 =	vsel vm0, $0x0, v18;
	v18 =	vcombine.low v0, v1  }
0x1d8: {  	v22 =	vadd.s32 v23, v22  }
0x1d9: {  	v23 =	vperm.xlane v22, v18;
	_ =	sdelay $0x1  }
0x1da: {  	v23 =	vsel vm1, $0x0, v23  }
0x1db: {  	v22 =	vadd.s32 v23, v22  }
0x1dc: {  	v23 =	vperm.xlane v22, v5;
	_ =	sdelay $0x1  }
0x1dd: {  	v24 =	vsel vm4, $0xFFFFFFFF, v10;
	v23 =	vsel vm2, $0x0, v23  }
0x1de: {  	v23 =	vadd.s32 v24, v23  }
0x1df: {  	v19 =	vadd.s32 v19, v23  }
0x1e0: {  	v19 =	vadd.s32 v22, v19  }
0x1e1: {  	vm5 =	vlt.s32 v19, v17  }
0x1e2: {  	vm6 =	vlt.s32 v16, v20;
	v19 =	vperm.xlane v21, v5;
	vm4 =	vmand vm4, vm5  }
0x1e3: {  	vm4 =	vmor vm6, vm4  }
0x1e4: {  	v19 =	vadd.s32 v21, v19;
	v62 =	vsel vm4, $0x3F800000, v9  }
0x1e5: {  	v63 =	vperm.xlane v19, v2;
	v20 =	vmul.f32 v62, v20  }
0x1e6: {  	[tilespmem:s16+$0x8000] =	vst v62  }
0x1e7: {  	v19 =	vadd.s32 v63, v19;
	[tilespmem:s16+$0x0] =	vst v20  }
0x1e8: {  	v20 =	vperm.xlane v19, v3;
	v21 =	vld [tilespmem:$0x10080];
	_ =	sdelay $0x1  }
0x1e9: {  	v19 =	vadd.s32 v20, v19  }
0x1ea: {  	v20 =	vperm.xlane v19, v4  }
0x1eb: {  	s16 =	simm.s32 $0x80  }
0x1ec: {  	s30 =	simm.s32 $0x10;
	s31 =	sand.u32 $0xFFFFFC00, s16;
	v20 =	vadd.s32 v21, v20  }
0x1ed: {  	s18 =	sand.u32 $0x70, s30;
	s17 =	simm.s32 $0x20;
	s19 =	sadd.s32 s15, s31;
	v19 =	vadd.s32 v19, v20  }
.LBB2_35:
0x1ee: {  	p0 =	seq.s32 s17, $0x7F0  }
0x1ef: {  	s19 =	sor.u32 s18, s19;
	[tilespmem:$0x10080] =	vst v19;
	s18 =	smov.u32 s17;
	s17 =	sadd.s32 $0x10, s17  }
0x1f0: {  	v20 =	vld [tilespmem:s19+$0x0];
	_ =	sdelay $0x4  }
0x1f1: {  	vm4 =	veq.s32 v16, v20  }
0x1f2: {  	v21 =	vsel vm4, $0x1, v10  }
0x1f3: {  	v22 =	vperm.xlane v21, v13;
	v23 =	vperm.xlane v21, v5;
	_ =	sdelay $0x1  }
0x1f4: {  	v22 =	vsel vm3, $0x0, v22;
	v23 =	vadd.s32 v21, v23  }
0x1f5: {  	v21 =	vadd.s32 v21, v22;
	v22 =	vperm.xlane v23, v2  }
0x1f6: {  	v24 =	vperm.xlane v21, v15  }
0x1f7: {  	v22 =	vadd.s32 v22, v23  }
0x1f8: {  	v23 =	vsel vm0, $0x0, v24;
	v24 =	vperm.xlane v22, v3  }
0x1f9: {  	v21 =	vadd.s32 v23, v21  }
0x1fa: {  	v23 =	vperm.xlane v21, v18;
	v22 =	vadd.s32 v24, v22;
	_ =	sdelay $0x1  }
0x1fb: {  	v23 =	vsel vm1, $0x0, v23  }
0x1fc: {  	v21 =	vadd.s32 v23, v21  }
0x1fd: {  	v23 =	vperm.xlane v21, v5;
	_ =	sdelay $0x1  }
0x1fe: {  	v24 =	vsel vm4, $0xFFFFFFFF, v10;
	v23 =	vsel vm2, $0x0, v23  }
0x1ff: {  	v23 =	vadd.s32 v24, v23  }
0x200: {  	v19 =	vadd.s32 v19, v23  }
0x201: {  	v19 =	vadd.s32 v21, v19  }
0x202: {  	vm5 =	vlt.s32 v19, v17  }
0x203: {  	vm6 =	vlt.s32 v16, v20;
	vm4 =	vmand vm4, vm5  }
0x204: {  	vm4 =	vmor vm6, vm4  }
0x205: {  	v19 =	vsel vm4, $0x3F800000, v9  }
0x206: {  	v20 =	vmul.f32 v19, v20  }
0x207: {  	[tilespmem:s19+$0x8000] =	vst v19  }
0x208: {  	[tilespmem:s19+$0x0] =	vst v20  }
0x209: {  	v19 =	vld [tilespmem:$0x10080];
	_ =	sdelay $0x1  }
.Ltmp30:
0x20a: {  	(pc) =	sbr.rel @!p0 .LBB2_35-.Ltmp30, $4  }
0x20b: {  	v20 =	vperm.xlane v22, v4  }
0x20c: {  	s16 =	sadd.s32 $0x80, s16  }
0x20d: {  	s19 =	sand.u32 $0xFFFFFC00, s16;
	v19 =	vadd.s32 v19, v20  }
0x20e: {  	s18 =	sand.u32 $0x70, s18;
	s19 =	sadd.s32 s15, s19;
	v19 =	vadd.s32 v22, v19  }
0x20f: {  	s15 =	sor.u32 s18, s19;
	[tilespmem:$0x10080] =	vst v19  }
0x210: {  	v20 =	vld [tilespmem:s15+$0x0];
	_ =	sdelay $0x4  }
0x211: {  	vm3 =	veq.s32 v16, v20  }
0x212: {  	v21 =	vsel vm3, $0x1, v10  }
0x213: {  	v22 =	vperm.xlane v21, v13  }
0x214: {  	vm4 =	veq.s32 v14, $0x0  }
0x215: {  	v22 =	vsel vm4, $0x0, v22  }
0x216: {  	v22 =	vadd.s32 v21, v22  }
0x217: {  	v23 =	vperm.xlane v22, v15;
	_ =	sdelay $0x1  }
0x218: {  	v23 =	vsel vm0, $0x0, v23  }
0x219: {  	v22 =	vadd.s32 v23, v22  }
0x21a: {  	v18 =	vperm.xlane v22, v18;
	_ =	sdelay $0x1  }
0x21b: {  	v18 =	vsel vm1, $0x0, v18  }
0x21c: {  	v18 =	vadd.s32 v18, v22  }
0x21d: {  	v22 =	vperm.xlane v18, v5;
	_ =	sdelay $0x1  }
0x21e: {  	v59 =	vsel vm3, $0xFFFFFFFF, v10;
	v22 =	vsel vm2, $0x0, v22  }
0x21f: {  	v22 =	vadd.s32 v59, v22  }
0x220: {  	v60 =	vadd.s32 v19, v22  }
0x221: {  	v18 =	vadd.s32 v18, v60  }
0x222: {  	vm15 =	vlt.s32 v18, v17  }
0x223: {  	vm5 =	vlt.s32 v16, v20;
	v17 =	vperm.xlane v21, v5;
	vm3 =	vmand vm3, vm15  }
0x224: {  	vm3 =	vmor vm5, vm3  }
0x225: {  	v16 =	vadd.s32 v21, v17;
	v17 =	vsel vm3, $0x3F800000, v9  }
0x226: {  	v61 =	vperm.xlane v16, v2;
	v62 =	vmul.f32 v17, v20  }
0x227: {  	[tilespmem:s15+$0x8000] =	vst v17  }
0x228: {  	v16 =	vadd.s32 v61, v16;
	[tilespmem:s15+$0x0] =	vst v62  }
0x229: {  	v17 =	vperm.xlane v16, v3;
	v63 =	vld [tilespmem:$0x10080];
	_ =	sdelay $0x1  }
0x22a: {  	v16 =	vadd.s32 v17, v16  }
.Ltmp31:
0x22b: {  	v17 =	vperm.xlane v16, v4;
	(pc) =	sbr.rel .LBB2_42-.Ltmp31, $4  }
0x22c: {  	_ = 	snop  }
0x22d: {  	v17 =	vadd.s32 v63, v17  }
0x22e: {  	v16 =	vadd.s32 v16, v17  }
0x22f: {  	[tilespmem:$0x10080] =	vst v16  }
.LBB2_44:
0x230: {  	_ =	sfence.sel $0x180000  }
0x231: {  	[bflag:$0x0] =	sbarrier.arrive $0xFFFF  }
0x232: {  	p0 =	sne.s32 s2, $0x0;
	_ =	strace $0x90000047  }
0x233: {  	s0 =	sadd.s32 @!p0 $0x100000, s0;
	[bflag:$0x2] =	sbarrier.arrive $0xFFFF  }
0x234: {  	[sflag:s0] =	ssyncadd.tile.s32 @!p0 $0x1;
	_ =	shalt  }
.Lfunc_end2:
_tile_overlayer_lowered:
.L_overlay_start_2:
0x235: {  	(tag) =	ssettag $0x2  }
0x236: {  	s0 =	rddreg [dreg:$0x0];
	s2 =	stileid.u32  }
0x237: {  	s1 =	rddreg [dreg:$0x1];
	p0 =	sne.s32 s2, $0x0  }
0x238: {  	s3 =	rddreg [dreg:$0x2];
	[bflag:$0x3] =	sbarrier.arrive $0xFFFF;
	s2 =	simm.s32 @!p0 $0x1C01  }
0x239: {  	[timem:s3], [sflag:s2] =	dma.local @!p0 [hbm:s0], s1  }
0x23a: {  	s0 =	simm.s32 @!p0 $0x1  }
0x23b: {  	_ =	swait.ge @!p0 [sflag:s0], s1  }
0x23c: {  	s1 =	ssub.s32 @!p0 $0x0, s1;
	[sflag:s0] =	ssyncset.done @!p0 $0x0  }
0x23d: {  	[sflag:s0] =	ssyncadd.s32 @!p0 s1  }
0x23e: {  	[bflag:$0x3] =	sbarrier.arrive $0xFFFF  }
0x23f: {  	_ =	shalt  }

</sc_bundles>
